<compile_context>
chip_gen: v7x
topology: tpu7x:2x2x1
jax: 0.10.2.dev20260603
libtpu: 0.0.44.dev20260713+nightly
codegen_flags: <defaults>
</compile_context>

<pallas_src>
import functools

import jax
import jax.numpy as jnp
from jax import lax
from jax.experimental import pallas as pl
from jax.experimental.pallas import tpu as pltpu
from jax.experimental.pallas import tpu_sc as plsc

VOCAB = 100
HIDDEN = 128

NUM_CORES = 2
NUM_SUBCORES = 16
NUM_WORKERS = NUM_CORES * NUM_SUBCORES

CH = 256
NBUF = 2
UNROLL = 2


def _emb_kernel(n_total, idx_hbm, tab_hbm, out_hbm,
                idx_v, tab_v, rows_v, *sems):
    ssem = sems
    per_w = n_total // NUM_WORKERS
    n_chunks = per_w // CH
    wid = lax.axis_index("s") * NUM_CORES + lax.axis_index("c")
    base = wid * per_w
    pltpu.sync_copy(tab_hbm, tab_v)
    pltpu.sync_copy(idx_hbm.at[pl.ds(base, per_w)], idx_v)

    def build(b, c):
        buf = rows_v.at[b]

        def one(g):
            idx_u = idx_v[pl.ds(c * CH + g * UNROLL, UNROLL)]
            for u in range(UNROLL):
                i = g * UNROLL + u
                k = idx_u[u]
                for j in range(HIDDEN // 16):
                    buf[i, pl.ds(j * 16, 16)] = tab_v[k, pl.ds(j * 16, 16)]

        plsc.parallel_loop(0, CH // UNROLL, unroll=2)(one)

    def scatter(b, c):
        return pltpu.make_async_copy(
            rows_v.at[b], out_hbm.at[pl.ds(base + c * CH, CH)], ssem[b])

    for b in range(NBUF):
        build(b, b)
        scatter(b, b).start()

    def outer(i):
        for b in range(NBUF):
            c = NBUF * i + NBUF + b
            scatter(b, c - NBUF).wait()
            build(b, c)
            scatter(b, c).start()

    pl.loop(0, (n_chunks - NBUF) // NBUF)(outer)

    for b in range(NBUF):
        scatter(b, n_chunks - NBUF + b).wait()


def kernel(indices, word_embeddings):
    batch, hist = indices.shape
    n_total = batch * hist
    idx_flat = indices.reshape(n_total).astype(jnp.int32)

    mesh = plsc.VectorSubcoreMesh(
        core_axis_name="c", subcore_axis_name="s",
        num_cores=NUM_CORES, num_subcores=NUM_SUBCORES,
    )
    per_w = n_total // NUM_WORKERS

    emb = functools.partial(
        pl.kernel,
        out_type=jax.ShapeDtypeStruct((n_total, HIDDEN), jnp.float32),
        mesh=mesh,
        scratch_types=[
            pltpu.VMEM((per_w,), jnp.int32),
            pltpu.VMEM((VOCAB, HIDDEN), jnp.float32),
            pltpu.VMEM((NBUF, CH, HIDDEN), jnp.float32),
        ] + [pltpu.SemaphoreType.DMA] * NBUF,
    )(functools.partial(_emb_kernel, n_total))

    out = emb(idx_flat, word_embeddings)
    return out.reshape(batch, hist, HIDDEN)

# --- scband reference (transcript-rebuilt; emitter-appended) ---
"""Pipeline reference for scband-mock-model-49563922596208 (READ-ONLY COPY).

The authoritative reference and input builder live on the scoring server;
editing this copy changes nothing except your own understanding.
"""

import jax, jax.numpy as jnp
import numpy as np

VOCAB = 100
HIDDEN = 128
BATCH = 4096
HIST = 200

def setup_inputs(seed: int = 0) -> dict:
    key = jax.random.key(seed)
    k_idx, k_tab = jax.random.split(key)
    indices = jax.random.randint(k_idx, (BATCH, HIST), 0, VOCAB, dtype=jnp.int64 if jax.config.jax_enable_x64 else jnp.int32)
    word_embeddings = jax.random.normal(k_tab, (VOCAB, HIDDEN), dtype=jnp.float32)
    return {"indices": indices, "word_embeddings": word_embeddings}

def reference(indices, word_embeddings):
    # MockModel.word_embeddings(indices) -> nn.Embedding lookup
    out = jnp.take(word_embeddings, indices, axis=0)
    return out

if __name__ == "__main__":
    import jax
    _d = setup_inputs()
    print(jax.jit(kernel)(*tuple(_d.values())))

</pallas_src>

<mosaic_0001>
#map = affine_map<(d0, d1) -> (0)>
#map1 = affine_map<(d0, d1) -> (0, 0)>
module attributes {stable_mosaic.version = 14 : i64} {
  func.func @_emb_kernel(%arg0: i32, %arg1: i32, %arg2: memref<819200xi32, #tpu.memory_space<hbm>>, %arg3: memref<100x128xf32, #tpu.memory_space<hbm>>, %arg4: memref<819200x128xf32, #tpu.memory_space<hbm>>, %arg5: memref<25600xi32, #tpu.memory_space<vmem>>, %arg6: memref<100x128xf32, #tpu.memory_space<vmem>>, %arg7: memref<2x256x128xf32, #tpu.memory_space<vmem>>, %arg8: memref<!tpu.dma_semaphore, #tpu.memory_space<semaphore_mem>>, %arg9: memref<!tpu.dma_semaphore, #tpu.memory_space<semaphore_mem>>) attributes {dimension_semantics = [#tpu.dimension_semantics<core_parallel>, #tpu.dimension_semantics<subcore_parallel>], iteration_bounds = array<i64: 2, 16>, scalar_prefetch = 0 : i64, scratch_operands = 5 : i64, tpu.core_type = #tpu.core_type<sc_vector_subcore>, window_params = [{transform_indices = #map}, {transform_indices = #map1}, {transform_indices = #map1}]} {
    %mul3A = arith.constant 2 : i32
    %mul3A_0 = arith.muli %arg1, %mul3A : i32
    %add3A = arith.addi %mul3A_0, %arg0 : i32
    %mul3A_1 = arith.constant 25600 : i32
    %mul3A_2 = arith.muli %add3A, %mul3A_1 : i32
    "tpu.region"() ({
      %run_scoped3A = tpu.sem_alloc : memref<!tpu.dma_semaphore, #tpu.memory_space<semaphore_mem>>
      tpu.enqueue_dma source(%arg3 : memref<100x128xf32, #tpu.memory_space<hbm>>) target(%arg6 : memref<100x128xf32, #tpu.memory_space<vmem>>) target_semaphore(%run_scoped3A : memref<!tpu.dma_semaphore, #tpu.memory_space<semaphore_mem>>)
      tpu.wait_dma2 semaphore(%run_scoped3A : memref<!tpu.dma_semaphore, #tpu.memory_space<semaphore_mem>>) src(%arg3 : memref<100x128xf32, #tpu.memory_space<hbm>>) dst(%arg6 : memref<100x128xf32, #tpu.memory_space<vmem>>)
      tpu.yield
    }) : () -> ()
    "tpu.region"() ({
      %run_scoped3A = tpu.sem_alloc : memref<!tpu.dma_semaphore, #tpu.memory_space<semaphore_mem>>
      %dma_start3A_72 = tpu.memref_slice %arg2[%mul3A_2] : memref<819200xi32, #tpu.memory_space<hbm>> -> memref<25600xi32, #tpu.memory_space<hbm>>
      %dma_start3A_73 = tpu.memref_slice %arg2[%mul3A_2] : memref<819200xi32, #tpu.memory_space<hbm>> -> memref<25600xi32, #tpu.memory_space<hbm>>
      tpu.enqueue_dma source(%dma_start3A_73 : memref<25600xi32, #tpu.memory_space<hbm>>) target(%arg5 : memref<25600xi32, #tpu.memory_space<vmem>>) target_semaphore(%run_scoped3A : memref<!tpu.dma_semaphore, #tpu.memory_space<semaphore_mem>>)
      %dma_wait3A_74 = tpu.memref_slice %arg2[%mul3A_2] : memref<819200xi32, #tpu.memory_space<hbm>> -> memref<25600xi32, #tpu.memory_space<hbm>>
      %dma_wait3A_75 = tpu.memref_slice %arg2[%mul3A_2] : memref<819200xi32, #tpu.memory_space<hbm>> -> memref<25600xi32, #tpu.memory_space<hbm>>
      tpu.wait_dma2 semaphore(%run_scoped3A : memref<!tpu.dma_semaphore, #tpu.memory_space<semaphore_mem>>) src(%dma_wait3A_75 : memref<25600xi32, #tpu.memory_space<hbm>>) dst(%arg5 : memref<25600xi32, #tpu.memory_space<vmem>>)
      tpu.yield
    }) : () -> ()
    %parallel_loop3A = arith.constant 0 : i32
    %parallel_loop3A_3 = arith.constant 128 : i32
    %parallel_loop3A_4 = arith.constant 1 : i32
    %parallel_loop3A_5 = arith.constant 0 : i32
    scf.for %parallel_loop3A_72 = %parallel_loop3A to %parallel_loop3A_3 step %parallel_loop3A_4  : i32 {
      %parallel_loop3A_73 = arith.constant 2 : i32
      %parallel_loop3A_74 = arith.muli %parallel_loop3A_72, %parallel_loop3A_73 : i32
      %parallel_loop3A_75 = arith.constant 0 : i32
      %parallel_loop3A_76 = arith.addi %parallel_loop3A_75, %parallel_loop3A_74 : i32
      %parallel_loop3A_77 = arith.index_cast %parallel_loop3A_76 : i32 to index
      %parallel_loop3A_78 = tpu.vector_load %arg5[%parallel_loop3A_77] {strides = array<i32>} : memref<25600xi32, #tpu.memory_space<vmem>>, vector<2xi32>,
      %parallel_loop3A_79 = vector.shape_cast %parallel_loop3A_78 : vector<2xi32> to vector<2xi32>
      %parallel_loop3A_80 = arith.constant 2 : i32
      %parallel_loop3A_81 = arith.muli %parallel_loop3A_72, %parallel_loop3A_80 : i32
      %parallel_loop3A_82 = arith.constant 0 : i32
      %parallel_loop3A_83 = arith.addi %parallel_loop3A_81, %parallel_loop3A_82 : i32
      %parallel_loop3A_84 = vector.extract_strided_slice %parallel_loop3A_79 {offsets = [0], sizes = [1], strides = [1]} : vector<2xi32> to vector<1xi32>
      %parallel_loop3A_85 = vector.extract %parallel_loop3A_84[0] : i32 from vector<1xi32>
      %parallel_loop3A_86 = arith.index_cast %parallel_loop3A_85 : i32 to index
      %parallel_loop3A_87 = arith.constant 0 : index
      %parallel_loop3A_88 = tpu.vector_load %arg6[%parallel_loop3A_86, %parallel_loop3A_87] {strides = array<i32>} : memref<100x128xf32, #tpu.memory_space<vmem>>, vector<1x16xf32>,
      %parallel_loop3A_89 = vector.shape_cast %parallel_loop3A_88 : vector<1x16xf32> to vector<16xf32>
      %parallel_loop3A_90 = arith.constant 0 : i32
      %parallel_loop3A_91 = arith.constant 0 : i32
      %parallel_loop3A_92 = tpu.memref_slice %arg7[%parallel_loop3A_5, %parallel_loop3A_90, %parallel_loop3A_91] : memref<2x256x128xf32, #tpu.memory_space<vmem>> -> memref<1x256x128xf32, #tpu.memory_space<vmem>>
      %parallel_loop3A_93 = tpu.memref_squeeze %parallel_loop3A_92 : memref<1x256x128xf32, #tpu.memory_space<vmem>> -> memref<256x128xf32, #tpu.memory_space<vmem>>
      %parallel_loop3A_94 = arith.index_cast %parallel_loop3A_83 : i32 to index
      %parallel_loop3A_95 = arith.constant 0 : index
      %parallel_loop3A_96 = tpu.vector_load %parallel_loop3A_93[%parallel_loop3A_94, %parallel_loop3A_95] {strides = array<i32>} : memref<256x128xf32, #tpu.memory_space<vmem>>, vector<1x16xf32>,
      %parallel_loop3A_97 = vector.shape_cast %parallel_loop3A_96 : vector<1x16xf32> to vector<16xf32>
      %parallel_loop3A_98 = vector.shape_cast %parallel_loop3A_89 : vector<16xf32> to vector<1x16xf32>
      tpu.vector_store %parallel_loop3A_93[%parallel_loop3A_94, %parallel_loop3A_95], %parallel_loop3A_98 {strides = array<i32>} : memref<256x128xf32, #tpu.memory_space<vmem>>, vector<1x16xf32>,
      %parallel_loop3A_99 = arith.index_cast %parallel_loop3A_85 : i32 to index
      %parallel_loop3A_100 = arith.constant 16 : index
      %parallel_loop3A_101 = tpu.vector_load %arg6[%parallel_loop3A_99, %parallel_loop3A_100] {strides = array<i32>} : memref<100x128xf32, #tpu.memory_space<vmem>>, vector<1x16xf32>,
      %parallel_loop3A_102 = vector.shape_cast %parallel_loop3A_101 : vector<1x16xf32> to vector<16xf32>
      %parallel_loop3A_103 = arith.constant 0 : i32
      %parallel_loop3A_104 = arith.constant 0 : i32
      %parallel_loop3A_105 = tpu.memref_slice %arg7[%parallel_loop3A_5, %parallel_loop3A_103, %parallel_loop3A_104] : memref<2x256x128xf32, #tpu.memory_space<vmem>> -> memref<1x256x128xf32, #tpu.memory_space<vmem>>
      %parallel_loop3A_106 = tpu.memref_squeeze %parallel_loop3A_105 : memref<1x256x128xf32, #tpu.memory_space<vmem>> -> memref<256x128xf32, #tpu.memory_space<vmem>>
      %parallel_loop3A_107 = arith.index_cast %parallel_loop3A_83 : i32 to index
      %parallel_loop3A_108 = arith.constant 16 : index
      %parallel_loop3A_109 = tpu.vector_load %parallel_loop3A_106[%parallel_loop3A_107, %parallel_loop3A_108] {strides = array<i32>} : memref<256x128xf32, #tpu.memory_space<vmem>>, vector<1x16xf32>,
      %parallel_loop3A_110 = vector.shape_cast %parallel_loop3A_109 : vector<1x16xf32> to vector<16xf32>
      %parallel_loop3A_111 = vector.shape_cast %parallel_loop3A_102 : vector<16xf32> to vector<1x16xf32>
      tpu.vector_store %parallel_loop3A_106[%parallel_loop3A_107, %parallel_loop3A_108], %parallel_loop3A_111 {strides = array<i32>} : memref<256x128xf32, #tpu.memory_space<vmem>>, vector<1x16xf32>,
      %parallel_loop3A_112 = arith.index_cast %parallel_loop3A_85 : i32 to index
      %parallel_loop3A_113 = arith.constant 32 : index
      %parallel_loop3A_114 = tpu.vector_load %arg6[%parallel_loop3A_112, %parallel_loop3A_113] {strides = array<i32>} : memref<100x128xf32, #tpu.memory_space<vmem>>, vector<1x16xf32>,
      %parallel_loop3A_115 = vector.shape_cast %parallel_loop3A_114 : vector<1x16xf32> to vector<16xf32>
      %parallel_loop3A_116 = arith.constant 0 : i32
      %parallel_loop3A_117 = arith.constant 0 : i32
      %parallel_loop3A_118 = tpu.memref_slice %arg7[%parallel_loop3A_5, %parallel_loop3A_116, %parallel_loop3A_117] : memref<2x256x128xf32, #tpu.memory_space<vmem>> -> memref<1x256x128xf32, #tpu.memory_space<vmem>>
      %parallel_loop3A_119 = tpu.memref_squeeze %parallel_loop3A_118 : memref<1x256x128xf32, #tpu.memory_space<vmem>> -> memref<256x128xf32, #tpu.memory_space<vmem>>
      %parallel_loop3A_120 = arith.index_cast %parallel_loop3A_83 : i32 to index
      %parallel_loop3A_121 = arith.constant 32 : index
      %parallel_loop3A_122 = tpu.vector_load %parallel_loop3A_119[%parallel_loop3A_120, %parallel_loop3A_121] {strides = array<i32>} : memref<256x128xf32, #tpu.memory_space<vmem>>, vector<1x16xf32>,
      %parallel_loop3A_123 = vector.shape_cast %parallel_loop3A_122 : vector<1x16xf32> to vector<16xf32>
      %parallel_loop3A_124 = vector.shape_cast %parallel_loop3A_115 : vector<16xf32> to vector<1x16xf32>
      tpu.vector_store %parallel_loop3A_119[%parallel_loop3A_120, %parallel_loop3A_121], %parallel_loop3A_124 {strides = array<i32>} : memref<256x128xf32, #tpu.memory_space<vmem>>, vector<1x16xf32>,
      %parallel_loop3A_125 = arith.index_cast %parallel_loop3A_85 : i32 to index
      %parallel_loop3A_126 = arith.constant 48 : index
      %parallel_loop3A_127 = tpu.vector_load %arg6[%parallel_loop3A_125, %parallel_loop3A_126] {strides = array<i32>} : memref<100x128xf32, #tpu.memory_space<vmem>>, vector<1x16xf32>,
      %parallel_loop3A_128 = vector.shape_cast %parallel_loop3A_127 : vector<1x16xf32> to vector<16xf32>
      %parallel_loop3A_129 = arith.constant 0 : i32
      %parallel_loop3A_130 = arith.constant 0 : i32
      %parallel_loop3A_131 = tpu.memref_slice %arg7[%parallel_loop3A_5, %parallel_loop3A_129, %parallel_loop3A_130] : memref<2x256x128xf32, #tpu.memory_space<vmem>> -> memref<1x256x128xf32, #tpu.memory_space<vmem>>
      %parallel_loop3A_132 = tpu.memref_squeeze %parallel_loop3A_131 : memref<1x256x128xf32, #tpu.memory_space<vmem>> -> memref<256x128xf32, #tpu.memory_space<vmem>>
      %parallel_loop3A_133 = arith.index_cast %parallel_loop3A_83 : i32 to index
      %parallel_loop3A_134 = arith.constant 48 : index
      %parallel_loop3A_135 = tpu.vector_load %parallel_loop3A_132[%parallel_loop3A_133, %parallel_loop3A_134] {strides = array<i32>} : memref<256x128xf32, #tpu.memory_space<vmem>>, vector<1x16xf32>,
      %parallel_loop3A_136 = vector.shape_cast %parallel_loop3A_135 : vector<1x16xf32> to vector<16xf32>
      %parallel_loop3A_137 = vector.shape_cast %parallel_loop3A_128 : vector<16xf32> to vector<1x16xf32>
      tpu.vector_store %parallel_loop3A_132[%parallel_loop3A_133, %parallel_loop3A_134], %parallel_loop3A_137 {strides = array<i32>} : memref<256x128xf32, #tpu.memory_space<vmem>>, vector<1x16xf32>,
      %parallel_loop3A_138 = arith.index_cast %parallel_loop3A_85 : i32 to index
      %parallel_loop3A_139 = arith.constant 64 : index
      %parallel_loop3A_140 = tpu.vector_load %arg6[%parallel_loop3A_138, %parallel_loop3A_139] {strides = array<i32>} : memref<100x128xf32, #tpu.memory_space<vmem>>, vector<1x16xf32>,
      %parallel_loop3A_141 = vector.shape_cast %parallel_loop3A_140 : vector<1x16xf32> to vector<16xf32>
      %parallel_loop3A_142 = arith.constant 0 : i32
      %parallel_loop3A_143 = arith.constant 0 : i32
      %parallel_loop3A_144 = tpu.memref_slice %arg7[%parallel_loop3A_5, %parallel_loop3A_142, %parallel_loop3A_143] : memref<2x256x128xf32, #tpu.memory_space<vmem>> -> memref<1x256x128xf32, #tpu.memory_space<vmem>>
      %parallel_loop3A_145 = tpu.memref_squeeze %parallel_loop3A_144 : memref<1x256x128xf32, #tpu.memory_space<vmem>> -> memref<256x128xf32, #tpu.memory_space<vmem>>
      %parallel_loop3A_146 = arith.index_cast %parallel_loop3A_83 : i32 to index
      %parallel_loop3A_147 = arith.constant 64 : index
      %parallel_loop3A_148 = tpu.vector_load %parallel_loop3A_145[%parallel_loop3A_146, %parallel_loop3A_147] {strides = array<i32>} : memref<256x128xf32, #tpu.memory_space<vmem>>, vector<1x16xf32>,
      %parallel_loop3A_149 = vector.shape_cast %parallel_loop3A_148 : vector<1x16xf32> to vector<16xf32>
      %parallel_loop3A_150 = vector.shape_cast %parallel_loop3A_141 : vector<16xf32> to vector<1x16xf32>
      tpu.vector_store %parallel_loop3A_145[%parallel_loop3A_146, %parallel_loop3A_147], %parallel_loop3A_150 {strides = array<i32>} : memref<256x128xf32, #tpu.memory_space<vmem>>, vector<1x16xf32>,
      %parallel_loop3A_151 = arith.index_cast %parallel_loop3A_85 : i32 to index
      %parallel_loop3A_152 = arith.constant 80 : index
      %parallel_loop3A_153 = tpu.vector_load %arg6[%parallel_loop3A_151, %parallel_loop3A_152] {strides = array<i32>} : memref<100x128xf32, #tpu.memory_space<vmem>>, vector<1x16xf32>,
      %parallel_loop3A_154 = vector.shape_cast %parallel_loop3A_153 : vector<1x16xf32> to vector<16xf32>
      %parallel_loop3A_155 = arith.constant 0 : i32
      %parallel_loop3A_156 = arith.constant 0 : i32
      %parallel_loop3A_157 = tpu.memref_slice %arg7[%parallel_loop3A_5, %parallel_loop3A_155, %parallel_loop3A_156] : memref<2x256x128xf32, #tpu.memory_space<vmem>> -> memref<1x256x128xf32, #tpu.memory_space<vmem>>
      %parallel_loop3A_158 = tpu.memref_squeeze %parallel_loop3A_157 : memref<1x256x128xf32, #tpu.memory_space<vmem>> -> memref<256x128xf32, #tpu.memory_space<vmem>>
      %parallel_loop3A_159 = arith.index_cast %parallel_loop3A_83 : i32 to index
      %parallel_loop3A_160 = arith.constant 80 : index
      %parallel_loop3A_161 = tpu.vector_load %parallel_loop3A_158[%parallel_loop3A_159, %parallel_loop3A_160] {strides = array<i32>} : memref<256x128xf32, #tpu.memory_space<vmem>>, vector<1x16xf32>,
      %parallel_loop3A_162 = vector.shape_cast %parallel_loop3A_161 : vector<1x16xf32> to vector<16xf32>
      %parallel_loop3A_163 = vector.shape_cast %parallel_loop3A_154 : vector<16xf32> to vector<1x16xf32>
      tpu.vector_store %parallel_loop3A_158[%parallel_loop3A_159, %parallel_loop3A_160], %parallel_loop3A_163 {strides = array<i32>} : memref<256x128xf32, #tpu.memory_space<vmem>>, vector<1x16xf32>,
      %parallel_loop3A_164 = arith.index_cast %parallel_loop3A_85 : i32 to index
      %parallel_loop3A_165 = arith.constant 96 : index
      %parallel_loop3A_166 = tpu.vector_load %arg6[%parallel_loop3A_164, %parallel_loop3A_165] {strides = array<i32>} : memref<100x128xf32, #tpu.memory_space<vmem>>, vector<1x16xf32>,
      %parallel_loop3A_167 = vector.shape_cast %parallel_loop3A_166 : vector<1x16xf32> to vector<16xf32>
      %parallel_loop3A_168 = arith.constant 0 : i32
      %parallel_loop3A_169 = arith.constant 0 : i32
      %parallel_loop3A_170 = tpu.memref_slice %arg7[%parallel_loop3A_5, %parallel_loop3A_168, %parallel_loop3A_169] : memref<2x256x128xf32, #tpu.memory_space<vmem>> -> memref<1x256x128xf32, #tpu.memory_space<vmem>>
      %parallel_loop3A_171 = tpu.memref_squeeze %parallel_loop3A_170 : memref<1x256x128xf32, #tpu.memory_space<vmem>> -> memref<256x128xf32, #tpu.memory_space<vmem>>
      %parallel_loop3A_172 = arith.index_cast %parallel_loop3A_83 : i32 to index
      %parallel_loop3A_173 = arith.constant 96 : index
      %parallel_loop3A_174 = tpu.vector_load %parallel_loop3A_171[%parallel_loop3A_172, %parallel_loop3A_173] {strides = array<i32>} : memref<256x128xf32, #tpu.memory_space<vmem>>, vector<1x16xf32>,
      %parallel_loop3A_175 = vector.shape_cast %parallel_loop3A_174 : vector<1x16xf32> to vector<16xf32>
      %parallel_loop3A_176 = vector.shape_cast %parallel_loop3A_167 : vector<16xf32> to vector<1x16xf32>
      tpu.vector_store %parallel_loop3A_171[%parallel_loop3A_172, %parallel_loop3A_173], %parallel_loop3A_176 {strides = array<i32>} : memref<256x128xf32, #tpu.memory_space<vmem>>, vector<1x16xf32>,
      %parallel_loop3A_177 = arith.index_cast %parallel_loop3A_85 : i32 to index
      %parallel_loop3A_178 = arith.constant 112 : index
      %parallel_loop3A_179 = tpu.vector_load %arg6[%parallel_loop3A_177, %parallel_loop3A_178] {strides = array<i32>} : memref<100x128xf32, #tpu.memory_space<vmem>>, vector<1x16xf32>,
      %parallel_loop3A_180 = vector.shape_cast %parallel_loop3A_179 : vector<1x16xf32> to vector<16xf32>
      %parallel_loop3A_181 = arith.constant 0 : i32
      %parallel_loop3A_182 = arith.constant 0 : i32
      %parallel_loop3A_183 = tpu.memref_slice %arg7[%parallel_loop3A_5, %parallel_loop3A_181, %parallel_loop3A_182] : memref<2x256x128xf32, #tpu.memory_space<vmem>> -> memref<1x256x128xf32, #tpu.memory_space<vmem>>
      %parallel_loop3A_184 = tpu.memref_squeeze %parallel_loop3A_183 : memref<1x256x128xf32, #tpu.memory_space<vmem>> -> memref<256x128xf32, #tpu.memory_space<vmem>>
      %parallel_loop3A_185 = arith.index_cast %parallel_loop3A_83 : i32 to index
      %parallel_loop3A_186 = arith.constant 112 : index
      %parallel_loop3A_187 = tpu.vector_load %parallel_loop3A_184[%parallel_loop3A_185, %parallel_loop3A_186] {strides = array<i32>} : memref<256x128xf32, #tpu.memory_space<vmem>>, vector<1x16xf32>,
      %parallel_loop3A_188 = vector.shape_cast %parallel_loop3A_187 : vector<1x16xf32> to vector<16xf32>
      %parallel_loop3A_189 = vector.shape_cast %parallel_loop3A_180 : vector<16xf32> to vector<1x16xf32>
      tpu.vector_store %parallel_loop3A_184[%parallel_loop3A_185, %parallel_loop3A_186], %parallel_loop3A_189 {strides = array<i32>} : memref<256x128xf32, #tpu.memory_space<vmem>>, vector<1x16xf32>,
      %parallel_loop3A_190 = arith.constant 2 : i32
      %parallel_loop3A_191 = arith.muli %parallel_loop3A_72, %parallel_loop3A_190 : i32
      %parallel_loop3A_192 = arith.constant 1 : i32
      %parallel_loop3A_193 = arith.addi %parallel_loop3A_191, %parallel_loop3A_192 : i32
      %parallel_loop3A_194 = vector.extract_strided_slice %parallel_loop3A_79 {offsets = [1], sizes = [1], strides = [1]} : vector<2xi32> to vector<1xi32>
      %parallel_loop3A_195 = vector.extract %parallel_loop3A_194[0] : i32 from vector<1xi32>
      %parallel_loop3A_196 = arith.index_cast %parallel_loop3A_195 : i32 to index
      %parallel_loop3A_197 = arith.constant 0 : index
      %parallel_loop3A_198 = tpu.vector_load %arg6[%parallel_loop3A_196, %parallel_loop3A_197] {strides = array<i32>} : memref<100x128xf32, #tpu.memory_space<vmem>>, vector<1x16xf32>,
      %parallel_loop3A_199 = vector.shape_cast %parallel_loop3A_198 : vector<1x16xf32> to vector<16xf32>
      %parallel_loop3A_200 = arith.constant 0 : i32
      %parallel_loop3A_201 = arith.constant 0 : i32
      %parallel_loop3A_202 = tpu.memref_slice %arg7[%parallel_loop3A_5, %parallel_loop3A_200, %parallel_loop3A_201] : memref<2x256x128xf32, #tpu.memory_space<vmem>> -> memref<1x256x128xf32, #tpu.memory_space<vmem>>
      %parallel_loop3A_203 = tpu.memref_squeeze %parallel_loop3A_202 : memref<1x256x128xf32, #tpu.memory_space<vmem>> -> memref<256x128xf32, #tpu.memory_space<vmem>>
      %parallel_loop3A_204 = arith.index_cast %parallel_loop3A_193 : i32 to index
      %parallel_loop3A_205 = arith.constant 0 : index
      %parallel_loop3A_206 = tpu.vector_load %parallel_loop3A_203[%parallel_loop3A_204, %parallel_loop3A_205] {strides = array<i32>} : memref<256x128xf32, #tpu.memory_space<vmem>>, vector<1x16xf32>,
      %parallel_loop3A_207 = vector.shape_cast %parallel_loop3A_206 : vector<1x16xf32> to vector<16xf32>
      %parallel_loop3A_208 = vector.shape_cast %parallel_loop3A_199 : vector<16xf32> to vector<1x16xf32>
      tpu.vector_store %parallel_loop3A_203[%parallel_loop3A_204, %parallel_loop3A_205], %parallel_loop3A_208 {strides = array<i32>} : memref<256x128xf32, #tpu.memory_space<vmem>>, vector<1x16xf32>,
      %parallel_loop3A_209 = arith.index_cast %parallel_loop3A_195 : i32 to index
      %parallel_loop3A_210 = arith.constant 16 : index
      %parallel_loop3A_211 = tpu.vector_load %arg6[%parallel_loop3A_209, %parallel_loop3A_210] {strides = array<i32>} : memref<100x128xf32, #tpu.memory_space<vmem>>, vector<1x16xf32>,
      %parallel_loop3A_212 = vector.shape_cast %parallel_loop3A_211 : vector<1x16xf32> to vector<16xf32>
      %parallel_loop3A_213 = arith.constant 0 : i32
      %parallel_loop3A_214 = arith.constant 0 : i32
      %parallel_loop3A_215 = tpu.memref_slice %arg7[%parallel_loop3A_5, %parallel_loop3A_213, %parallel_loop3A_214] : memref<2x256x128xf32, #tpu.memory_space<vmem>> -> memref<1x256x128xf32, #tpu.memory_space<vmem>>
      %parallel_loop3A_216 = tpu.memref_squeeze %parallel_loop3A_215 : memref<1x256x128xf32, #tpu.memory_space<vmem>> -> memref<256x128xf32, #tpu.memory_space<vmem>>
      %parallel_loop3A_217 = arith.index_cast %parallel_loop3A_193 : i32 to index
      %parallel_loop3A_218 = arith.constant 16 : index
      %parallel_loop3A_219 = tpu.vector_load %parallel_loop3A_216[%parallel_loop3A_217, %parallel_loop3A_218] {strides = array<i32>} : memref<256x128xf32, #tpu.memory_space<vmem>>, vector<1x16xf32>,
      %parallel_loop3A_220 = vector.shape_cast %parallel_loop3A_219 : vector<1x16xf32> to vector<16xf32>
      %parallel_loop3A_221 = vector.shape_cast %parallel_loop3A_212 : vector<16xf32> to vector<1x16xf32>
      tpu.vector_store %parallel_loop3A_216[%parallel_loop3A_217, %parallel_loop3A_218], %parallel_loop3A_221 {strides = array<i32>} : memref<256x128xf32, #tpu.memory_space<vmem>>, vector<1x16xf32>,
      %parallel_loop3A_222 = arith.index_cast %parallel_loop3A_195 : i32 to index
      %parallel_loop3A_223 = arith.constant 32 : index
      %parallel_loop3A_224 = tpu.vector_load %arg6[%parallel_loop3A_222, %parallel_loop3A_223] {strides = array<i32>} : memref<100x128xf32, #tpu.memory_space<vmem>>, vector<1x16xf32>,
      %parallel_loop3A_225 = vector.shape_cast %parallel_loop3A_224 : vector<1x16xf32> to vector<16xf32>
      %parallel_loop3A_226 = arith.constant 0 : i32
      %parallel_loop3A_227 = arith.constant 0 : i32
      %parallel_loop3A_228 = tpu.memref_slice %arg7[%parallel_loop3A_5, %parallel_loop3A_226, %parallel_loop3A_227] : memref<2x256x128xf32, #tpu.memory_space<vmem>> -> memref<1x256x128xf32, #tpu.memory_space<vmem>>
      %parallel_loop3A_229 = tpu.memref_squeeze %parallel_loop3A_228 : memref<1x256x128xf32, #tpu.memory_space<vmem>> -> memref<256x128xf32, #tpu.memory_space<vmem>>
      %parallel_loop3A_230 = arith.index_cast %parallel_loop3A_193 : i32 to index
      %parallel_loop3A_231 = arith.constant 32 : index
      %parallel_loop3A_232 = tpu.vector_load %parallel_loop3A_229[%parallel_loop3A_230, %parallel_loop3A_231] {strides = array<i32>} : memref<256x128xf32, #tpu.memory_space<vmem>>, vector<1x16xf32>,
      %parallel_loop3A_233 = vector.shape_cast %parallel_loop3A_232 : vector<1x16xf32> to vector<16xf32>
      %parallel_loop3A_234 = vector.shape_cast %parallel_loop3A_225 : vector<16xf32> to vector<1x16xf32>
      tpu.vector_store %parallel_loop3A_229[%parallel_loop3A_230, %parallel_loop3A_231], %parallel_loop3A_234 {strides = array<i32>} : memref<256x128xf32, #tpu.memory_space<vmem>>, vector<1x16xf32>,
      %parallel_loop3A_235 = arith.index_cast %parallel_loop3A_195 : i32 to index
      %parallel_loop3A_236 = arith.constant 48 : index
      %parallel_loop3A_237 = tpu.vector_load %arg6[%parallel_loop3A_235, %parallel_loop3A_236] {strides = array<i32>} : memref<100x128xf32, #tpu.memory_space<vmem>>, vector<1x16xf32>,
      %parallel_loop3A_238 = vector.shape_cast %parallel_loop3A_237 : vector<1x16xf32> to vector<16xf32>
      %parallel_loop3A_239 = arith.constant 0 : i32
      %parallel_loop3A_240 = arith.constant 0 : i32
      %parallel_loop3A_241 = tpu.memref_slice %arg7[%parallel_loop3A_5, %parallel_loop3A_239, %parallel_loop3A_240] : memref<2x256x128xf32, #tpu.memory_space<vmem>> -> memref<1x256x128xf32, #tpu.memory_space<vmem>>
      %parallel_loop3A_242 = tpu.memref_squeeze %parallel_loop3A_241 : memref<1x256x128xf32, #tpu.memory_space<vmem>> -> memref<256x128xf32, #tpu.memory_space<vmem>>
      %parallel_loop3A_243 = arith.index_cast %parallel_loop3A_193 : i32 to index
      %parallel_loop3A_244 = arith.constant 48 : index
      %parallel_loop3A_245 = tpu.vector_load %parallel_loop3A_242[%parallel_loop3A_243, %parallel_loop3A_244] {strides = array<i32>} : memref<256x128xf32, #tpu.memory_space<vmem>>, vector<1x16xf32>,
      %parallel_loop3A_246 = vector.shape_cast %parallel_loop3A_245 : vector<1x16xf32> to vector<16xf32>
      %parallel_loop3A_247 = vector.shape_cast %parallel_loop3A_238 : vector<16xf32> to vector<1x16xf32>
      tpu.vector_store %parallel_loop3A_242[%parallel_loop3A_243, %parallel_loop3A_244], %parallel_loop3A_247 {strides = array<i32>} : memref<256x128xf32, #tpu.memory_space<vmem>>, vector<1x16xf32>,
      %parallel_loop3A_248 = arith.index_cast %parallel_loop3A_195 : i32 to index
      %parallel_loop3A_249 = arith.constant 64 : index
      %parallel_loop3A_250 = tpu.vector_load %arg6[%parallel_loop3A_248, %parallel_loop3A_249] {strides = array<i32>} : memref<100x128xf32, #tpu.memory_space<vmem>>, vector<1x16xf32>,
      %parallel_loop3A_251 = vector.shape_cast %parallel_loop3A_250 : vector<1x16xf32> to vector<16xf32>
      %parallel_loop3A_252 = arith.constant 0 : i32
      %parallel_loop3A_253 = arith.constant 0 : i32
      %parallel_loop3A_254 = tpu.memref_slice %arg7[%parallel_loop3A_5, %parallel_loop3A_252, %parallel_loop3A_253] : memref<2x256x128xf32, #tpu.memory_space<vmem>> -> memref<1x256x128xf32, #tpu.memory_space<vmem>>
      %parallel_loop3A_255 = tpu.memref_squeeze %parallel_loop3A_254 : memref<1x256x128xf32, #tpu.memory_space<vmem>> -> memref<256x128xf32, #tpu.memory_space<vmem>>
      %parallel_loop3A_256 = arith.index_cast %parallel_loop3A_193 : i32 to index
      %parallel_loop3A_257 = arith.constant 64 : index
      %parallel_loop3A_258 = tpu.vector_load %parallel_loop3A_255[%parallel_loop3A_256, %parallel_loop3A_257] {strides = array<i32>} : memref<256x128xf32, #tpu.memory_space<vmem>>, vector<1x16xf32>,
      %parallel_loop3A_259 = vector.shape_cast %parallel_loop3A_258 : vector<1x16xf32> to vector<16xf32>
      %parallel_loop3A_260 = vector.shape_cast %parallel_loop3A_251 : vector<16xf32> to vector<1x16xf32>
      tpu.vector_store %parallel_loop3A_255[%parallel_loop3A_256, %parallel_loop3A_257], %parallel_loop3A_260 {strides = array<i32>} : memref<256x128xf32, #tpu.memory_space<vmem>>, vector<1x16xf32>,
      %parallel_loop3A_261 = arith.index_cast %parallel_loop3A_195 : i32 to index
      %parallel_loop3A_262 = arith.constant 80 : index
      %parallel_loop3A_263 = tpu.vector_load %arg6[%parallel_loop3A_261, %parallel_loop3A_262] {strides = array<i32>} : memref<100x128xf32, #tpu.memory_space<vmem>>, vector<1x16xf32>,
      %parallel_loop3A_264 = vector.shape_cast %parallel_loop3A_263 : vector<1x16xf32> to vector<16xf32>
      %parallel_loop3A_265 = arith.constant 0 : i32
      %parallel_loop3A_266 = arith.constant 0 : i32
      %parallel_loop3A_267 = tpu.memref_slice %arg7[%parallel_loop3A_5, %parallel_loop3A_265, %parallel_loop3A_266] : memref<2x256x128xf32, #tpu.memory_space<vmem>> -> memref<1x256x128xf32, #tpu.memory_space<vmem>>
      %parallel_loop3A_268 = tpu.memref_squeeze %parallel_loop3A_267 : memref<1x256x128xf32, #tpu.memory_space<vmem>> -> memref<256x128xf32, #tpu.memory_space<vmem>>
      %parallel_loop3A_269 = arith.index_cast %parallel_loop3A_193 : i32 to index
      %parallel_loop3A_270 = arith.constant 80 : index
      %parallel_loop3A_271 = tpu.vector_load %parallel_loop3A_268[%parallel_loop3A_269, %parallel_loop3A_270] {strides = array<i32>} : memref<256x128xf32, #tpu.memory_space<vmem>>, vector<1x16xf32>,
      %parallel_loop3A_272 = vector.shape_cast %parallel_loop3A_271 : vector<1x16xf32> to vector<16xf32>
      %parallel_loop3A_273 = vector.shape_cast %parallel_loop3A_264 : vector<16xf32> to vector<1x16xf32>
      tpu.vector_store %parallel_loop3A_268[%parallel_loop3A_269, %parallel_loop3A_270], %parallel_loop3A_273 {strides = array<i32>} : memref<256x128xf32, #tpu.memory_space<vmem>>, vector<1x16xf32>,
      %parallel_loop3A_274 = arith.index_cast %parallel_loop3A_195 : i32 to index
      %parallel_loop3A_275 = arith.constant 96 : index
      %parallel_loop3A_276 = tpu.vector_load %arg6[%parallel_loop3A_274, %parallel_loop3A_275] {strides = array<i32>} : memref<100x128xf32, #tpu.memory_space<vmem>>, vector<1x16xf32>,
      %parallel_loop3A_277 = vector.shape_cast %parallel_loop3A_276 : vector<1x16xf32> to vector<16xf32>
      %parallel_loop3A_278 = arith.constant 0 : i32
      %parallel_loop3A_279 = arith.constant 0 : i32
      %parallel_loop3A_280 = tpu.memref_slice %arg7[%parallel_loop3A_5, %parallel_loop3A_278, %parallel_loop3A_279] : memref<2x256x128xf32, #tpu.memory_space<vmem>> -> memref<1x256x128xf32, #tpu.memory_space<vmem>>
      %parallel_loop3A_281 = tpu.memref_squeeze %parallel_loop3A_280 : memref<1x256x128xf32, #tpu.memory_space<vmem>> -> memref<256x128xf32, #tpu.memory_space<vmem>>
      %parallel_loop3A_282 = arith.index_cast %parallel_loop3A_193 : i32 to index
      %parallel_loop3A_283 = arith.constant 96 : index
      %parallel_loop3A_284 = tpu.vector_load %parallel_loop3A_281[%parallel_loop3A_282, %parallel_loop3A_283] {strides = array<i32>} : memref<256x128xf32, #tpu.memory_space<vmem>>, vector<1x16xf32>,
      %parallel_loop3A_285 = vector.shape_cast %parallel_loop3A_284 : vector<1x16xf32> to vector<16xf32>
      %parallel_loop3A_286 = vector.shape_cast %parallel_loop3A_277 : vector<16xf32> to vector<1x16xf32>
      tpu.vector_store %parallel_loop3A_281[%parallel_loop3A_282, %parallel_loop3A_283], %parallel_loop3A_286 {strides = array<i32>} : memref<256x128xf32, #tpu.memory_space<vmem>>, vector<1x16xf32>,
      %parallel_loop3A_287 = arith.index_cast %parallel_loop3A_195 : i32 to index
      %parallel_loop3A_288 = arith.constant 112 : index
      %parallel_loop3A_289 = tpu.vector_load %arg6[%parallel_loop3A_287, %parallel_loop3A_288] {strides = array<i32>} : memref<100x128xf32, #tpu.memory_space<vmem>>, vector<1x16xf32>,
      %parallel_loop3A_290 = vector.shape_cast %parallel_loop3A_289 : vector<1x16xf32> to vector<16xf32>
      %parallel_loop3A_291 = arith.constant 0 : i32
      %parallel_loop3A_292 = arith.constant 0 : i32
      %parallel_loop3A_293 = tpu.memref_slice %arg7[%parallel_loop3A_5, %parallel_loop3A_291, %parallel_loop3A_292] : memref<2x256x128xf32, #tpu.memory_space<vmem>> -> memref<1x256x128xf32, #tpu.memory_space<vmem>>
      %parallel_loop3A_294 = tpu.memref_squeeze %parallel_loop3A_293 : memref<1x256x128xf32, #tpu.memory_space<vmem>> -> memref<256x128xf32, #tpu.memory_space<vmem>>
      %parallel_loop3A_295 = arith.index_cast %parallel_loop3A_193 : i32 to index
      %parallel_loop3A_296 = arith.constant 112 : index
      %parallel_loop3A_297 = tpu.vector_load %parallel_loop3A_294[%parallel_loop3A_295, %parallel_loop3A_296] {strides = array<i32>} : memref<256x128xf32, #tpu.memory_space<vmem>>, vector<1x16xf32>,
      %parallel_loop3A_298 = vector.shape_cast %parallel_loop3A_297 : vector<1x16xf32> to vector<16xf32>
      %parallel_loop3A_299 = vector.shape_cast %parallel_loop3A_290 : vector<16xf32> to vector<1x16xf32>
      tpu.vector_store %parallel_loop3A_294[%parallel_loop3A_295, %parallel_loop3A_296], %parallel_loop3A_299 {strides = array<i32>} : memref<256x128xf32, #tpu.memory_space<vmem>>, vector<1x16xf32>,
    } {sc.loop_unroll_factor = 2 : i64, sc.parallel_access}
    %add3A_6 = arith.constant 0 : i32
    %add3A_7 = arith.addi %mul3A_2, %add3A_6 : i32
    %dma_start3A = arith.constant 0 : i32
    %dma_start3A_8 = arith.constant 0 : i32
    %dma_start3A_9 = arith.constant 0 : i32
    %dma_start3A_10 = tpu.memref_slice %arg7[%dma_start3A, %dma_start3A_8, %dma_start3A_9] : memref<2x256x128xf32, #tpu.memory_space<vmem>> -> memref<1x256x128xf32, #tpu.memory_space<vmem>>
    %dma_start3A_11 = tpu.memref_squeeze %dma_start3A_10 : memref<1x256x128xf32, #tpu.memory_space<vmem>> -> memref<256x128xf32, #tpu.memory_space<vmem>>
    %dma_start3A_12 = arith.constant 0 : i32
    %dma_start3A_13 = tpu.memref_slice %arg4[%add3A_7, %dma_start3A_12] : memref<819200x128xf32, #tpu.memory_space<hbm>> -> memref<256x128xf32, #tpu.memory_space<hbm>>
    %dma_start3A_14 = arith.constant 0 : i32
    %dma_start3A_15 = tpu.memref_slice %arg4[%add3A_7, %dma_start3A_14] : memref<819200x128xf32, #tpu.memory_space<hbm>> -> memref<256x128xf32, #tpu.memory_space<hbm>>
    %dma_start3A_16 = arith.constant 0 : i32
    %dma_start3A_17 = arith.constant 0 : i32
    %dma_start3A_18 = tpu.memref_slice %arg7[%dma_start3A, %dma_start3A_16, %dma_start3A_17] : memref<2x256x128xf32, #tpu.memory_space<vmem>> -> memref<1x256x128xf32, #tpu.memory_space<vmem>>
    %dma_start3A_19 = tpu.memref_squeeze %dma_start3A_18 : memref<1x256x128xf32, #tpu.memory_space<vmem>> -> memref<256x128xf32, #tpu.memory_space<vmem>>
    tpu.enqueue_dma source(%dma_start3A_19 : memref<256x128xf32, #tpu.memory_space<vmem>>) target(%dma_start3A_15 : memref<256x128xf32, #tpu.memory_space<hbm>>) target_semaphore(%arg8 : memref<!tpu.dma_semaphore, #tpu.memory_space<semaphore_mem>>)
    %parallel_loop3A_20 = arith.constant 0 : i32
    %parallel_loop3A_21 = arith.constant 128 : i32
    %parallel_loop3A_22 = arith.constant 1 : i32
    %parallel_loop3A_23 = arith.constant 1 : i32
    scf.for %parallel_loop3A_72 = %parallel_loop3A_20 to %parallel_loop3A_21 step %parallel_loop3A_22  : i32 {
      %parallel_loop3A_73 = arith.constant 2 : i32
      %parallel_loop3A_74 = arith.muli %parallel_loop3A_72, %parallel_loop3A_73 : i32
      %parallel_loop3A_75 = arith.constant 256 : i32
      %parallel_loop3A_76 = arith.addi %parallel_loop3A_75, %parallel_loop3A_74 : i32
      %parallel_loop3A_77 = arith.index_cast %parallel_loop3A_76 : i32 to index
      %parallel_loop3A_78 = tpu.vector_load %arg5[%parallel_loop3A_77] {strides = array<i32>} : memref<25600xi32, #tpu.memory_space<vmem>>, vector<2xi32>,
      %parallel_loop3A_79 = vector.shape_cast %parallel_loop3A_78 : vector<2xi32> to vector<2xi32>
      %parallel_loop3A_80 = arith.constant 2 : i32
      %parallel_loop3A_81 = arith.muli %parallel_loop3A_72, %parallel_loop3A_80 : i32
      %parallel_loop3A_82 = arith.constant 0 : i32
      %parallel_loop3A_83 = arith.addi %parallel_loop3A_81, %parallel_loop3A_82 : i32
      %parallel_loop3A_84 = vector.extract_strided_slice %parallel_loop3A_79 {offsets = [0], sizes = [1], strides = [1]} : vector<2xi32> to vector<1xi32>
      %parallel_loop3A_85 = vector.extract %parallel_loop3A_84[0] : i32 from vector<1xi32>
      %parallel_loop3A_86 = arith.index_cast %parallel_loop3A_85 : i32 to index
      %parallel_loop3A_87 = arith.constant 0 : index
      %parallel_loop3A_88 = tpu.vector_load %arg6[%parallel_loop3A_86, %parallel_loop3A_87] {strides = array<i32>} : memref<100x128xf32, #tpu.memory_space<vmem>>, vector<1x16xf32>,
      %parallel_loop3A_89 = vector.shape_cast %parallel_loop3A_88 : vector<1x16xf32> to vector<16xf32>
      %parallel_loop3A_90 = arith.constant 0 : i32
      %parallel_loop3A_91 = arith.constant 0 : i32
      %parallel_loop3A_92 = tpu.memref_slice %arg7[%parallel_loop3A_23, %parallel_loop3A_90, %parallel_loop3A_91] : memref<2x256x128xf32, #tpu.memory_space<vmem>> -> memref<1x256x128xf32, #tpu.memory_space<vmem>>
      %parallel_loop3A_93 = tpu.memref_squeeze %parallel_loop3A_92 : memref<1x256x128xf32, #tpu.memory_space<vmem>> -> memref<256x128xf32, #tpu.memory_space<vmem>>
      %parallel_loop3A_94 = arith.index_cast %parallel_loop3A_83 : i32 to index
      %parallel_loop3A_95 = arith.constant 0 : index
      %parallel_loop3A_96 = tpu.vector_load %parallel_loop3A_93[%parallel_loop3A_94, %parallel_loop3A_95] {strides = array<i32>} : memref<256x128xf32, #tpu.memory_space<vmem>>, vector<1x16xf32>,
      %parallel_loop3A_97 = vector.shape_cast %parallel_loop3A_96 : vector<1x16xf32> to vector<16xf32>
      %parallel_loop3A_98 = vector.shape_cast %parallel_loop3A_89 : vector<16xf32> to vector<1x16xf32>
      tpu.vector_store %parallel_loop3A_93[%parallel_loop3A_94, %parallel_loop3A_95], %parallel_loop3A_98 {strides = array<i32>} : memref<256x128xf32, #tpu.memory_space<vmem>>, vector<1x16xf32>,
      %parallel_loop3A_99 = arith.index_cast %parallel_loop3A_85 : i32 to index
      %parallel_loop3A_100 = arith.constant 16 : index
      %parallel_loop3A_101 = tpu.vector_load %arg6[%parallel_loop3A_99, %parallel_loop3A_100] {strides = array<i32>} : memref<100x128xf32, #tpu.memory_space<vmem>>, vector<1x16xf32>,
      %parallel_loop3A_102 = vector.shape_cast %parallel_loop3A_101 : vector<1x16xf32> to vector<16xf32>
      %parallel_loop3A_103 = arith.constant 0 : i32
      %parallel_loop3A_104 = arith.constant 0 : i32
      %parallel_loop3A_105 = tpu.memref_slice %arg7[%parallel_loop3A_23, %parallel_loop3A_103, %parallel_loop3A_104] : memref<2x256x128xf32, #tpu.memory_space<vmem>> -> memref<1x256x128xf32, #tpu.memory_space<vmem>>
      %parallel_loop3A_106 = tpu.memref_squeeze %parallel_loop3A_105 : memref<1x256x128xf32, #tpu.memory_space<vmem>> -> memref<256x128xf32, #tpu.memory_space<vmem>>
      %parallel_loop3A_107 = arith.index_cast %parallel_loop3A_83 : i32 to index
      %parallel_loop3A_108 = arith.constant 16 : index
      %parallel_loop3A_109 = tpu.vector_load %parallel_loop3A_106[%parallel_loop3A_107, %parallel_loop3A_108] {strides = array<i32>} : memref<256x128xf32, #tpu.memory_space<vmem>>, vector<1x16xf32>,
      %parallel_loop3A_110 = vector.shape_cast %parallel_loop3A_109 : vector<1x16xf32> to vector<16xf32>
      %parallel_loop3A_111 = vector.shape_cast %parallel_loop3A_102 : vector<16xf32> to vector<1x16xf32>
      tpu.vector_store %parallel_loop3A_106[%parallel_loop3A_107, %parallel_loop3A_108], %parallel_loop3A_111 {strides = array<i32>} : memref<256x128xf32, #tpu.memory_space<vmem>>, vector<1x16xf32>,
      %parallel_loop3A_112 = arith.index_cast %parallel_loop3A_85 : i32 to index
      %parallel_loop3A_113 = arith.constant 32 : index
      %parallel_loop3A_114 = tpu.vector_load %arg6[%parallel_loop3A_112, %parallel_loop3A_113] {strides = array<i32>} : memref<100x128xf32, #tpu.memory_space<vmem>>, vector<1x16xf32>,
      %parallel_loop3A_115 = vector.shape_cast %parallel_loop3A_114 : vector<1x16xf32> to vector<16xf32>
      %parallel_loop3A_116 = arith.constant 0 : i32
      %parallel_loop3A_117 = arith.constant 0 : i32
      %parallel_loop3A_118 = tpu.memref_slice %arg7[%parallel_loop3A_23, %parallel_loop3A_116, %parallel_loop3A_117] : memref<2x256x128xf32, #tpu.memory_space<vmem>> -> memref<1x256x128xf32, #tpu.memory_space<vmem>>
      %parallel_loop3A_119 = tpu.memref_squeeze %parallel_loop3A_118 : memref<1x256x128xf32, #tpu.memory_space<vmem>> -> memref<256x128xf32, #tpu.memory_space<vmem>>
      %parallel_loop3A_120 = arith.index_cast %parallel_loop3A_83 : i32 to index
      %parallel_loop3A_121 = arith.constant 32 : index
      %parallel_loop3A_122 = tpu.vector_load %parallel_loop3A_119[%parallel_loop3A_120, %parallel_loop3A_121] {strides = array<i32>} : memref<256x128xf32, #tpu.memory_space<vmem>>, vector<1x16xf32>,
      %parallel_loop3A_123 = vector.shape_cast %parallel_loop3A_122 : vector<1x16xf32> to vector<16xf32>
      %parallel_loop3A_124 = vector.shape_cast %parallel_loop3A_115 : vector<16xf32> to vector<1x16xf32>
      tpu.vector_store %parallel_loop3A_119[%parallel_loop3A_120, %parallel_loop3A_121], %parallel_loop3A_124 {strides = array<i32>} : memref<256x128xf32, #tpu.memory_space<vmem>>, vector<1x16xf32>,
      %parallel_loop3A_125 = arith.index_cast %parallel_loop3A_85 : i32 to index
      %parallel_loop3A_126 = arith.constant 48 : index
      %parallel_loop3A_127 = tpu.vector_load %arg6[%parallel_loop3A_125, %parallel_loop3A_126] {strides = array<i32>} : memref<100x128xf32, #tpu.memory_space<vmem>>, vector<1x16xf32>,
      %parallel_loop3A_128 = vector.shape_cast %parallel_loop3A_127 : vector<1x16xf32> to vector<16xf32>
      %parallel_loop3A_129 = arith.constant 0 : i32
      %parallel_loop3A_130 = arith.constant 0 : i32
      %parallel_loop3A_131 = tpu.memref_slice %arg7[%parallel_loop3A_23, %parallel_loop3A_129, %parallel_loop3A_130] : memref<2x256x128xf32, #tpu.memory_space<vmem>> -> memref<1x256x128xf32, #tpu.memory_space<vmem>>
      %parallel_loop3A_132 = tpu.memref_squeeze %parallel_loop3A_131 : memref<1x256x128xf32, #tpu.memory_space<vmem>> -> memref<256x128xf32, #tpu.memory_space<vmem>>
      %parallel_loop3A_133 = arith.index_cast %parallel_loop3A_83 : i32 to index
      %parallel_loop3A_134 = arith.constant 48 : index
      %parallel_loop3A_135 = tpu.vector_load %parallel_loop3A_132[%parallel_loop3A_133, %parallel_loop3A_134] {strides = array<i32>} : memref<256x128xf32, #tpu.memory_space<vmem>>, vector<1x16xf32>,
      %parallel_loop3A_136 = vector.shape_cast %parallel_loop3A_135 : vector<1x16xf32> to vector<16xf32>
      %parallel_loop3A_137 = vector.shape_cast %parallel_loop3A_128 : vector<16xf32> to vector<1x16xf32>
      tpu.vector_store %parallel_loop3A_132[%parallel_loop3A_133, %parallel_loop3A_134], %parallel_loop3A_137 {strides = array<i32>} : memref<256x128xf32, #tpu.memory_space<vmem>>, vector<1x16xf32>,
      %parallel_loop3A_138 = arith.index_cast %parallel_loop3A_85 : i32 to index
      %parallel_loop3A_139 = arith.constant 64 : index
      %parallel_loop3A_140 = tpu.vector_load %arg6[%parallel_loop3A_138, %parallel_loop3A_139] {strides = array<i32>} : memref<100x128xf32, #tpu.memory_space<vmem>>, vector<1x16xf32>,
      %parallel_loop3A_141 = vector.shape_cast %parallel_loop3A_140 : vector<1x16xf32> to vector<16xf32>
      %parallel_loop3A_142 = arith.constant 0 : i32
      %parallel_loop3A_143 = arith.constant 0 : i32
      %parallel_loop3A_144 = tpu.memref_slice %arg7[%parallel_loop3A_23, %parallel_loop3A_142, %parallel_loop3A_143] : memref<2x256x128xf32, #tpu.memory_space<vmem>> -> memref<1x256x128xf32, #tpu.memory_space<vmem>>
      %parallel_loop3A_145 = tpu.memref_squeeze %parallel_loop3A_144 : memref<1x256x128xf32, #tpu.memory_space<vmem>> -> memref<256x128xf32, #tpu.memory_space<vmem>>
      %parallel_loop3A_146 = arith.index_cast %parallel_loop3A_83 : i32 to index
      %parallel_loop3A_147 = arith.constant 64 : index
      %parallel_loop3A_148 = tpu.vector_load %parallel_loop3A_145[%parallel_loop3A_146, %parallel_loop3A_147] {strides = array<i32>} : memref<256x128xf32, #tpu.memory_space<vmem>>, vector<1x16xf32>,
      %parallel_loop3A_149 = vector.shape_cast %parallel_loop3A_148 : vector<1x16xf32> to vector<16xf32>
      %parallel_loop3A_150 = vector.shape_cast %parallel_loop3A_141 : vector<16xf32> to vector<1x16xf32>
      tpu.vector_store %parallel_loop3A_145[%parallel_loop3A_146, %parallel_loop3A_147], %parallel_loop3A_150 {strides = array<i32>} : memref<256x128xf32, #tpu.memory_space<vmem>>, vector<1x16xf32>,
      %parallel_loop3A_151 = arith.index_cast %parallel_loop3A_85 : i32 to index
      %parallel_loop3A_152 = arith.constant 80 : index
      %parallel_loop3A_153 = tpu.vector_load %arg6[%parallel_loop3A_151, %parallel_loop3A_152] {strides = array<i32>} : memref<100x128xf32, #tpu.memory_space<vmem>>, vector<1x16xf32>,
      %parallel_loop3A_154 = vector.shape_cast %parallel_loop3A_153 : vector<1x16xf32> to vector<16xf32>
      %parallel_loop3A_155 = arith.constant 0 : i32
      %parallel_loop3A_156 = arith.constant 0 : i32
      %parallel_loop3A_157 = tpu.memref_slice %arg7[%parallel_loop3A_23, %parallel_loop3A_155, %parallel_loop3A_156] : memref<2x256x128xf32, #tpu.memory_space<vmem>> -> memref<1x256x128xf32, #tpu.memory_space<vmem>>
      %parallel_loop3A_158 = tpu.memref_squeeze %parallel_loop3A_157 : memref<1x256x128xf32, #tpu.memory_space<vmem>> -> memref<256x128xf32, #tpu.memory_space<vmem>>
      %parallel_loop3A_159 = arith.index_cast %parallel_loop3A_83 : i32 to index
      %parallel_loop3A_160 = arith.constant 80 : index
      %parallel_loop3A_161 = tpu.vector_load %parallel_loop3A_158[%parallel_loop3A_159, %parallel_loop3A_160] {strides = array<i32>} : memref<256x128xf32, #tpu.memory_space<vmem>>, vector<1x16xf32>,
      %parallel_loop3A_162 = vector.shape_cast %parallel_loop3A_161 : vector<1x16xf32> to vector<16xf32>
      %parallel_loop3A_163 = vector.shape_cast %parallel_loop3A_154 : vector<16xf32> to vector<1x16xf32>
      tpu.vector_store %parallel_loop3A_158[%parallel_loop3A_159, %parallel_loop3A_160], %parallel_loop3A_163 {strides = array<i32>} : memref<256x128xf32, #tpu.memory_space<vmem>>, vector<1x16xf32>,
      %parallel_loop3A_164 = arith.index_cast %parallel_loop3A_85 : i32 to index
      %parallel_loop3A_165 = arith.constant 96 : index
      %parallel_loop3A_166 = tpu.vector_load %arg6[%parallel_loop3A_164, %parallel_loop3A_165] {strides = array<i32>} : memref<100x128xf32, #tpu.memory_space<vmem>>, vector<1x16xf32>,
      %parallel_loop3A_167 = vector.shape_cast %parallel_loop3A_166 : vector<1x16xf32> to vector<16xf32>
      %parallel_loop3A_168 = arith.constant 0 : i32
      %parallel_loop3A_169 = arith.constant 0 : i32
      %parallel_loop3A_170 = tpu.memref_slice %arg7[%parallel_loop3A_23, %parallel_loop3A_168, %parallel_loop3A_169] : memref<2x256x128xf32, #tpu.memory_space<vmem>> -> memref<1x256x128xf32, #tpu.memory_space<vmem>>
      %parallel_loop3A_171 = tpu.memref_squeeze %parallel_loop3A_170 : memref<1x256x128xf32, #tpu.memory_space<vmem>> -> memref<256x128xf32, #tpu.memory_space<vmem>>
      %parallel_loop3A_172 = arith.index_cast %parallel_loop3A_83 : i32 to index
      %parallel_loop3A_173 = arith.constant 96 : index
      %parallel_loop3A_174 = tpu.vector_load %parallel_loop3A_171[%parallel_loop3A_172, %parallel_loop3A_173] {strides = array<i32>} : memref<256x128xf32, #tpu.memory_space<vmem>>, vector<1x16xf32>,
      %parallel_loop3A_175 = vector.shape_cast %parallel_loop3A_174 : vector<1x16xf32> to vector<16xf32>
      %parallel_loop3A_176 = vector.shape_cast %parallel_loop3A_167 : vector<16xf32> to vector<1x16xf32>
      tpu.vector_store %parallel_loop3A_171[%parallel_loop3A_172, %parallel_loop3A_173], %parallel_loop3A_176 {strides = array<i32>} : memref<256x128xf32, #tpu.memory_space<vmem>>, vector<1x16xf32>,
      %parallel_loop3A_177 = arith.index_cast %parallel_loop3A_85 : i32 to index
      %parallel_loop3A_178 = arith.constant 112 : index
      %parallel_loop3A_179 = tpu.vector_load %arg6[%parallel_loop3A_177, %parallel_loop3A_178] {strides = array<i32>} : memref<100x128xf32, #tpu.memory_space<vmem>>, vector<1x16xf32>,
      %parallel_loop3A_180 = vector.shape_cast %parallel_loop3A_179 : vector<1x16xf32> to vector<16xf32>
      %parallel_loop3A_181 = arith.constant 0 : i32
      %parallel_loop3A_182 = arith.constant 0 : i32
      %parallel_loop3A_183 = tpu.memref_slice %arg7[%parallel_loop3A_23, %parallel_loop3A_181, %parallel_loop3A_182] : memref<2x256x128xf32, #tpu.memory_space<vmem>> -> memref<1x256x128xf32, #tpu.memory_space<vmem>>
      %parallel_loop3A_184 = tpu.memref_squeeze %parallel_loop3A_183 : memref<1x256x128xf32, #tpu.memory_space<vmem>> -> memref<256x128xf32, #tpu.memory_space<vmem>>
      %parallel_loop3A_185 = arith.index_cast %parallel_loop3A_83 : i32 to index
      %parallel_loop3A_186 = arith.constant 112 : index
      %parallel_loop3A_187 = tpu.vector_load %parallel_loop3A_184[%parallel_loop3A_185, %parallel_loop3A_186] {strides = array<i32>} : memref<256x128xf32, #tpu.memory_space<vmem>>, vector<1x16xf32>,
      %parallel_loop3A_188 = vector.shape_cast %parallel_loop3A_187 : vector<1x16xf32> to vector<16xf32>
      %parallel_loop3A_189 = vector.shape_cast %parallel_loop3A_180 : vector<16xf32> to vector<1x16xf32>
      tpu.vector_store %parallel_loop3A_184[%parallel_loop3A_185, %parallel_loop3A_186], %parallel_loop3A_189 {strides = array<i32>} : memref<256x128xf32, #tpu.memory_space<vmem>>, vector<1x16xf32>,
      %parallel_loop3A_190 = arith.constant 2 : i32
      %parallel_loop3A_191 = arith.muli %parallel_loop3A_72, %parallel_loop3A_190 : i32
      %parallel_loop3A_192 = arith.constant 1 : i32
      %parallel_loop3A_193 = arith.addi %parallel_loop3A_191, %parallel_loop3A_192 : i32
      %parallel_loop3A_194 = vector.extract_strided_slice %parallel_loop3A_79 {offsets = [1], sizes = [1], strides = [1]} : vector<2xi32> to vector<1xi32>
      %parallel_loop3A_195 = vector.extract %parallel_loop3A_194[0] : i32 from vector<1xi32>
      %parallel_loop3A_196 = arith.index_cast %parallel_loop3A_195 : i32 to index
      %parallel_loop3A_197 = arith.constant 0 : index
      %parallel_loop3A_198 = tpu.vector_load %arg6[%parallel_loop3A_196, %parallel_loop3A_197] {strides = array<i32>} : memref<100x128xf32, #tpu.memory_space<vmem>>, vector<1x16xf32>,
      %parallel_loop3A_199 = vector.shape_cast %parallel_loop3A_198 : vector<1x16xf32> to vector<16xf32>
      %parallel_loop3A_200 = arith.constant 0 : i32
      %parallel_loop3A_201 = arith.constant 0 : i32
      %parallel_loop3A_202 = tpu.memref_slice %arg7[%parallel_loop3A_23, %parallel_loop3A_200, %parallel_loop3A_201] : memref<2x256x128xf32, #tpu.memory_space<vmem>> -> memref<1x256x128xf32, #tpu.memory_space<vmem>>
      %parallel_loop3A_203 = tpu.memref_squeeze %parallel_loop3A_202 : memref<1x256x128xf32, #tpu.memory_space<vmem>> -> memref<256x128xf32, #tpu.memory_space<vmem>>
      %parallel_loop3A_204 = arith.index_cast %parallel_loop3A_193 : i32 to index
      %parallel_loop3A_205 = arith.constant 0 : index
      %parallel_loop3A_206 = tpu.vector_load %parallel_loop3A_203[%parallel_loop3A_204, %parallel_loop3A_205] {strides = array<i32>} : memref<256x128xf32, #tpu.memory_space<vmem>>, vector<1x16xf32>,
      %parallel_loop3A_207 = vector.shape_cast %parallel_loop3A_206 : vector<1x16xf32> to vector<16xf32>
      %parallel_loop3A_208 = vector.shape_cast %parallel_loop3A_199 : vector<16xf32> to vector<1x16xf32>
      tpu.vector_store %parallel_loop3A_203[%parallel_loop3A_204, %parallel_loop3A_205], %parallel_loop3A_208 {strides = array<i32>} : memref<256x128xf32, #tpu.memory_space<vmem>>, vector<1x16xf32>,
      %parallel_loop3A_209 = arith.index_cast %parallel_loop3A_195 : i32 to index
      %parallel_loop3A_210 = arith.constant 16 : index
      %parallel_loop3A_211 = tpu.vector_load %arg6[%parallel_loop3A_209, %parallel_loop3A_210] {strides = array<i32>} : memref<100x128xf32, #tpu.memory_space<vmem>>, vector<1x16xf32>,
      %parallel_loop3A_212 = vector.shape_cast %parallel_loop3A_211 : vector<1x16xf32> to vector<16xf32>
      %parallel_loop3A_213 = arith.constant 0 : i32
      %parallel_loop3A_214 = arith.constant 0 : i32
      %parallel_loop3A_215 = tpu.memref_slice %arg7[%parallel_loop3A_23, %parallel_loop3A_213, %parallel_loop3A_214] : memref<2x256x128xf32, #tpu.memory_space<vmem>> -> memref<1x256x128xf32, #tpu.memory_space<vmem>>
      %parallel_loop3A_216 = tpu.memref_squeeze %parallel_loop3A_215 : memref<1x256x128xf32, #tpu.memory_space<vmem>> -> memref<256x128xf32, #tpu.memory_space<vmem>>
      %parallel_loop3A_217 = arith.index_cast %parallel_loop3A_193 : i32 to index
      %parallel_loop3A_218 = arith.constant 16 : index
      %parallel_loop3A_219 = tpu.vector_load %parallel_loop3A_216[%parallel_loop3A_217, %parallel_loop3A_218] {strides = array<i32>} : memref<256x128xf32, #tpu.memory_space<vmem>>, vector<1x16xf32>,
      %parallel_loop3A_220 = vector.shape_cast %parallel_loop3A_219 : vector<1x16xf32> to vector<16xf32>
      %parallel_loop3A_221 = vector.shape_cast %parallel_loop3A_212 : vector<16xf32> to vector<1x16xf32>
      tpu.vector_store %parallel_loop3A_216[%parallel_loop3A_217, %parallel_loop3A_218], %parallel_loop3A_221 {strides = array<i32>} : memref<256x128xf32, #tpu.memory_space<vmem>>, vector<1x16xf32>,
      %parallel_loop3A_222 = arith.index_cast %parallel_loop3A_195 : i32 to index
      %parallel_loop3A_223 = arith.constant 32 : index
      %parallel_loop3A_224 = tpu.vector_load %arg6[%parallel_loop3A_222, %parallel_loop3A_223] {strides = array<i32>} : memref<100x128xf32, #tpu.memory_space<vmem>>, vector<1x16xf32>,
      %parallel_loop3A_225 = vector.shape_cast %parallel_loop3A_224 : vector<1x16xf32> to vector<16xf32>
      %parallel_loop3A_226 = arith.constant 0 : i32
      %parallel_loop3A_227 = arith.constant 0 : i32
      %parallel_loop3A_228 = tpu.memref_slice %arg7[%parallel_loop3A_23, %parallel_loop3A_226, %parallel_loop3A_227] : memref<2x256x128xf32, #tpu.memory_space<vmem>> -> memref<1x256x128xf32, #tpu.memory_space<vmem>>
      %parallel_loop3A_229 = tpu.memref_squeeze %parallel_loop3A_228 : memref<1x256x128xf32, #tpu.memory_space<vmem>> -> memref<256x128xf32, #tpu.memory_space<vmem>>
      %parallel_loop3A_230 = arith.index_cast %parallel_loop3A_193 : i32 to index
      %parallel_loop3A_231 = arith.constant 32 : index
      %parallel_loop3A_232 = tpu.vector_load %parallel_loop3A_229[%parallel_loop3A_230, %parallel_loop3A_231] {strides = array<i32>} : memref<256x128xf32, #tpu.memory_space<vmem>>, vector<1x16xf32>,
      %parallel_loop3A_233 = vector.shape_cast %parallel_loop3A_232 : vector<1x16xf32> to vector<16xf32>
      %parallel_loop3A_234 = vector.shape_cast %parallel_loop3A_225 : vector<16xf32> to vector<1x16xf32>
      tpu.vector_store %parallel_loop3A_229[%parallel_loop3A_230, %parallel_loop3A_231], %parallel_loop3A_234 {strides = array<i32>} : memref<256x128xf32, #tpu.memory_space<vmem>>, vector<1x16xf32>,
      %parallel_loop3A_235 = arith.index_cast %parallel_loop3A_195 : i32 to index
      %parallel_loop3A_236 = arith.constant 48 : index
      %parallel_loop3A_237 = tpu.vector_load %arg6[%parallel_loop3A_235, %parallel_loop3A_236] {strides = array<i32>} : memref<100x128xf32, #tpu.memory_space<vmem>>, vector<1x16xf32>,
      %parallel_loop3A_238 = vector.shape_cast %parallel_loop3A_237 : vector<1x16xf32> to vector<16xf32>
      %parallel_loop3A_239 = arith.constant 0 : i32
      %parallel_loop3A_240 = arith.constant 0 : i32
      %parallel_loop3A_241 = tpu.memref_slice %arg7[%parallel_loop3A_23, %parallel_loop3A_239, %parallel_loop3A_240] : memref<2x256x128xf32, #tpu.memory_space<vmem>> -> memref<1x256x128xf32, #tpu.memory_space<vmem>>
      %parallel_loop3A_242 = tpu.memref_squeeze %parallel_loop3A_241 : memref<1x256x128xf32, #tpu.memory_space<vmem>> -> memref<256x128xf32, #tpu.memory_space<vmem>>
      %parallel_loop3A_243 = arith.index_cast %parallel_loop3A_193 : i32 to index
      %parallel_loop3A_244 = arith.constant 48 : index
      %parallel_loop3A_245 = tpu.vector_load %parallel_loop3A_242[%parallel_loop3A_243, %parallel_loop3A_244] {strides = array<i32>} : memref<256x128xf32, #tpu.memory_space<vmem>>, vector<1x16xf32>,
      %parallel_loop3A_246 = vector.shape_cast %parallel_loop3A_245 : vector<1x16xf32> to vector<16xf32>
      %parallel_loop3A_247 = vector.shape_cast %parallel_loop3A_238 : vector<16xf32> to vector<1x16xf32>
      tpu.vector_store %parallel_loop3A_242[%parallel_loop3A_243, %parallel_loop3A_244], %parallel_loop3A_247 {strides = array<i32>} : memref<256x128xf32, #tpu.memory_space<vmem>>, vector<1x16xf32>,
      %parallel_loop3A_248 = arith.index_cast %parallel_loop3A_195 : i32 to index
      %parallel_loop3A_249 = arith.constant 64 : index
      %parallel_loop3A_250 = tpu.vector_load %arg6[%parallel_loop3A_248, %parallel_loop3A_249] {strides = array<i32>} : memref<100x128xf32, #tpu.memory_space<vmem>>, vector<1x16xf32>,
      %parallel_loop3A_251 = vector.shape_cast %parallel_loop3A_250 : vector<1x16xf32> to vector<16xf32>
      %parallel_loop3A_252 = arith.constant 0 : i32
      %parallel_loop3A_253 = arith.constant 0 : i32
      %parallel_loop3A_254 = tpu.memref_slice %arg7[%parallel_loop3A_23, %parallel_loop3A_252, %parallel_loop3A_253] : memref<2x256x128xf32, #tpu.memory_space<vmem>> -> memref<1x256x128xf32, #tpu.memory_space<vmem>>
      %parallel_loop3A_255 = tpu.memref_squeeze %parallel_loop3A_254 : memref<1x256x128xf32, #tpu.memory_space<vmem>> -> memref<256x128xf32, #tpu.memory_space<vmem>>
      %parallel_loop3A_256 = arith.index_cast %parallel_loop3A_193 : i32 to index
      %parallel_loop3A_257 = arith.constant 64 : index
      %parallel_loop3A_258 = tpu.vector_load %parallel_loop3A_255[%parallel_loop3A_256, %parallel_loop3A_257] {strides = array<i32>} : memref<256x128xf32, #tpu.memory_space<vmem>>, vector<1x16xf32>,
      %parallel_loop3A_259 = vector.shape_cast %parallel_loop3A_258 : vector<1x16xf32> to vector<16xf32>
      %parallel_loop3A_260 = vector.shape_cast %parallel_loop3A_251 : vector<16xf32> to vector<1x16xf32>
      tpu.vector_store %parallel_loop3A_255[%parallel_loop3A_256, %parallel_loop3A_257], %parallel_loop3A_260 {strides = array<i32>} : memref<256x128xf32, #tpu.memory_space<vmem>>, vector<1x16xf32>,
      %parallel_loop3A_261 = arith.index_cast %parallel_loop3A_195 : i32 to index
      %parallel_loop3A_262 = arith.constant 80 : index
      %parallel_loop3A_263 = tpu.vector_load %arg6[%parallel_loop3A_261, %parallel_loop3A_262] {strides = array<i32>} : memref<100x128xf32, #tpu.memory_space<vmem>>, vector<1x16xf32>,
      %parallel_loop3A_264 = vector.shape_cast %parallel_loop3A_263 : vector<1x16xf32> to vector<16xf32>
      %parallel_loop3A_265 = arith.constant 0 : i32
      %parallel_loop3A_266 = arith.constant 0 : i32
      %parallel_loop3A_267 = tpu.memref_slice %arg7[%parallel_loop3A_23, %parallel_loop3A_265, %parallel_loop3A_266] : memref<2x256x128xf32, #tpu.memory_space<vmem>> -> memref<1x256x128xf32, #tpu.memory_space<vmem>>
      %parallel_loop3A_268 = tpu.memref_squeeze %parallel_loop3A_267 : memref<1x256x128xf32, #tpu.memory_space<vmem>> -> memref<256x128xf32, #tpu.memory_space<vmem>>
      %parallel_loop3A_269 = arith.index_cast %parallel_loop3A_193 : i32 to index
      %parallel_loop3A_270 = arith.constant 80 : index
      %parallel_loop3A_271 = tpu.vector_load %parallel_loop3A_268[%parallel_loop3A_269, %parallel_loop3A_270] {strides = array<i32>} : memref<256x128xf32, #tpu.memory_space<vmem>>, vector<1x16xf32>,
      %parallel_loop3A_272 = vector.shape_cast %parallel_loop3A_271 : vector<1x16xf32> to vector<16xf32>
      %parallel_loop3A_273 = vector.shape_cast %parallel_loop3A_264 : vector<16xf32> to vector<1x16xf32>
      tpu.vector_store %parallel_loop3A_268[%parallel_loop3A_269, %parallel_loop3A_270], %parallel_loop3A_273 {strides = array<i32>} : memref<256x128xf32, #tpu.memory_space<vmem>>, vector<1x16xf32>,
      %parallel_loop3A_274 = arith.index_cast %parallel_loop3A_195 : i32 to index
      %parallel_loop3A_275 = arith.constant 96 : index
      %parallel_loop3A_276 = tpu.vector_load %arg6[%parallel_loop3A_274, %parallel_loop3A_275] {strides = array<i32>} : memref<100x128xf32, #tpu.memory_space<vmem>>, vector<1x16xf32>,
      %parallel_loop3A_277 = vector.shape_cast %parallel_loop3A_276 : vector<1x16xf32> to vector<16xf32>
      %parallel_loop3A_278 = arith.constant 0 : i32
      %parallel_loop3A_279 = arith.constant 0 : i32
      %parallel_loop3A_280 = tpu.memref_slice %arg7[%parallel_loop3A_23, %parallel_loop3A_278, %parallel_loop3A_279] : memref<2x256x128xf32, #tpu.memory_space<vmem>> -> memref<1x256x128xf32, #tpu.memory_space<vmem>>
      %parallel_loop3A_281 = tpu.memref_squeeze %parallel_loop3A_280 : memref<1x256x128xf32, #tpu.memory_space<vmem>> -> memref<256x128xf32, #tpu.memory_space<vmem>>
      %parallel_loop3A_282 = arith.index_cast %parallel_loop3A_193 : i32 to index
      %parallel_loop3A_283 = arith.constant 96 : index
      %parallel_loop3A_284 = tpu.vector_load %parallel_loop3A_281[%parallel_loop3A_282, %parallel_loop3A_283] {strides = array<i32>} : memref<256x128xf32, #tpu.memory_space<vmem>>, vector<1x16xf32>,
      %parallel_loop3A_285 = vector.shape_cast %parallel_loop3A_284 : vector<1x16xf32> to vector<16xf32>
      %parallel_loop3A_286 = vector.shape_cast %parallel_loop3A_277 : vector<16xf32> to vector<1x16xf32>
      tpu.vector_store %parallel_loop3A_281[%parallel_loop3A_282, %parallel_loop3A_283], %parallel_loop3A_286 {strides = array<i32>} : memref<256x128xf32, #tpu.memory_space<vmem>>, vector<1x16xf32>,
      %parallel_loop3A_287 = arith.index_cast %parallel_loop3A_195 : i32 to index
      %parallel_loop3A_288 = arith.constant 112 : index
      %parallel_loop3A_289 = tpu.vector_load %arg6[%parallel_loop3A_287, %parallel_loop3A_288] {strides = array<i32>} : memref<100x128xf32, #tpu.memory_space<vmem>>, vector<1x16xf32>,
      %parallel_loop3A_290 = vector.shape_cast %parallel_loop3A_289 : vector<1x16xf32> to vector<16xf32>
      %parallel_loop3A_291 = arith.constant 0 : i32
      %parallel_loop3A_292 = arith.constant 0 : i32
      %parallel_loop3A_293 = tpu.memref_slice %arg7[%parallel_loop3A_23, %parallel_loop3A_291, %parallel_loop3A_292] : memref<2x256x128xf32, #tpu.memory_space<vmem>> -> memref<1x256x128xf32, #tpu.memory_space<vmem>>
      %parallel_loop3A_294 = tpu.memref_squeeze %parallel_loop3A_293 : memref<1x256x128xf32, #tpu.memory_space<vmem>> -> memref<256x128xf32, #tpu.memory_space<vmem>>
      %parallel_loop3A_295 = arith.index_cast %parallel_loop3A_193 : i32 to index
      %parallel_loop3A_296 = arith.constant 112 : index
      %parallel_loop3A_297 = tpu.vector_load %parallel_loop3A_294[%parallel_loop3A_295, %parallel_loop3A_296] {strides = array<i32>} : memref<256x128xf32, #tpu.memory_space<vmem>>, vector<1x16xf32>,
      %parallel_loop3A_298 = vector.shape_cast %parallel_loop3A_297 : vector<1x16xf32> to vector<16xf32>
      %parallel_loop3A_299 = vector.shape_cast %parallel_loop3A_290 : vector<16xf32> to vector<1x16xf32>
      tpu.vector_store %parallel_loop3A_294[%parallel_loop3A_295, %parallel_loop3A_296], %parallel_loop3A_299 {strides = array<i32>} : memref<256x128xf32, #tpu.memory_space<vmem>>, vector<1x16xf32>,
    } {sc.loop_unroll_factor = 2 : i64, sc.parallel_access}
    %add3A_24 = arith.constant 256 : i32
    %add3A_25 = arith.addi %mul3A_2, %add3A_24 : i32
    %dma_start3A_26 = arith.constant 1 : i32
    %dma_start3A_27 = arith.constant 0 : i32
    %dma_start3A_28 = arith.constant 0 : i32
    %dma_start3A_29 = tpu.memref_slice %arg7[%dma_start3A_26, %dma_start3A_27, %dma_start3A_28] : memref<2x256x128xf32, #tpu.memory_space<vmem>> -> memref<1x256x128xf32, #tpu.memory_space<vmem>>
    %dma_start3A_30 = tpu.memref_squeeze %dma_start3A_29 : memref<1x256x128xf32, #tpu.memory_space<vmem>> -> memref<256x128xf32, #tpu.memory_space<vmem>>
    %dma_start3A_31 = arith.constant 0 : i32
    %dma_start3A_32 = tpu.memref_slice %arg4[%add3A_25, %dma_start3A_31] : memref<819200x128xf32, #tpu.memory_space<hbm>> -> memref<256x128xf32, #tpu.memory_space<hbm>>
    %dma_start3A_33 = arith.constant 0 : i32
    %dma_start3A_34 = tpu.memref_slice %arg4[%add3A_25, %dma_start3A_33] : memref<819200x128xf32, #tpu.memory_space<hbm>> -> memref<256x128xf32, #tpu.memory_space<hbm>>
    %dma_start3A_35 = arith.constant 0 : i32
    %dma_start3A_36 = arith.constant 0 : i32
    %dma_start3A_37 = tpu.memref_slice %arg7[%dma_start3A_26, %dma_start3A_35, %dma_start3A_36] : memref<2x256x128xf32, #tpu.memory_space<vmem>> -> memref<1x256x128xf32, #tpu.memory_space<vmem>>
    %dma_start3A_38 = tpu.memref_squeeze %dma_start3A_37 : memref<1x256x128xf32, #tpu.memory_space<vmem>> -> memref<256x128xf32, #tpu.memory_space<vmem>>
    tpu.enqueue_dma source(%dma_start3A_38 : memref<256x128xf32, #tpu.memory_space<vmem>>) target(%dma_start3A_34 : memref<256x128xf32, #tpu.memory_space<hbm>>) target_semaphore(%arg9 : memref<!tpu.dma_semaphore, #tpu.memory_space<semaphore_mem>>)
    %scan3A = arith.constant 0 : i32
    %scan3A_39 = arith.constant 49 : i32
    %scan3A_40 = arith.addi %scan3A, %scan3A_39 : i32
    %scan3A_41 = arith.constant 1 : i32
    scf.for %scan3A_72 = %scan3A to %scan3A_40 step %scan3A_41  : i32 {
      %mul3A_73 = arith.constant 1 : i32
      %mul3A_74 = arith.muli %scan3A_72, %mul3A_73 : i32
      %add3A_75 = arith.constant 0 : i32
      %add3A_76 = arith.addi %add3A_75, %mul3A_74 : i32
      %mul3A_77 = arith.constant 2 : i32
      %mul3A_78 = arith.muli %mul3A_77, %add3A_76 : i32
      %add3A_79 = arith.constant 2 : i32
      %add3A_80 = arith.addi %mul3A_78, %add3A_79 : i32
      %add3A_81 = arith.constant 0 : i32
      %add3A_82 = arith.addi %add3A_80, %add3A_81 : i32
      %sub3A = arith.constant 2 : i32
      %sub3A_83 = arith.subi %add3A_82, %sub3A : i32
      %mul3A_84 = arith.constant 256 : i32
      %mul3A_85 = arith.muli %sub3A_83, %mul3A_84 : i32
      %add3A_86 = arith.addi %mul3A_2, %mul3A_85 : i32
      %dma_wait3A_87 = arith.constant 0 : i32
      %dma_wait3A_88 = arith.constant 0 : i32
      %dma_wait3A_89 = arith.constant 0 : i32
      %dma_wait3A_90 = tpu.memref_slice %arg7[%dma_wait3A_87, %dma_wait3A_88, %dma_wait3A_89] : memref<2x256x128xf32, #tpu.memory_space<vmem>> -> memref<1x256x128xf32, #tpu.memory_space<vmem>>
      %dma_wait3A_91 = tpu.memref_squeeze %dma_wait3A_90 : memref<1x256x128xf32, #tpu.memory_space<vmem>> -> memref<256x128xf32, #tpu.memory_space<vmem>>
      %dma_wait3A_92 = arith.constant 0 : i32
      %dma_wait3A_93 = tpu.memref_slice %arg4[%add3A_86, %dma_wait3A_92] : memref<819200x128xf32, #tpu.memory_space<hbm>> -> memref<256x128xf32, #tpu.memory_space<hbm>>
      %dma_wait3A_94 = arith.constant 0 : i32
      %dma_wait3A_95 = tpu.memref_slice %arg4[%add3A_86, %dma_wait3A_94] : memref<819200x128xf32, #tpu.memory_space<hbm>> -> memref<256x128xf32, #tpu.memory_space<hbm>>
      %dma_wait3A_96 = arith.constant 0 : i32
      %dma_wait3A_97 = arith.constant 0 : i32
      %dma_wait3A_98 = tpu.memref_slice %arg7[%dma_wait3A_87, %dma_wait3A_96, %dma_wait3A_97] : memref<2x256x128xf32, #tpu.memory_space<vmem>> -> memref<1x256x128xf32, #tpu.memory_space<vmem>>
      %dma_wait3A_99 = tpu.memref_squeeze %dma_wait3A_98 : memref<1x256x128xf32, #tpu.memory_space<vmem>> -> memref<256x128xf32, #tpu.memory_space<vmem>>
      tpu.wait_dma2 semaphore(%arg8 : memref<!tpu.dma_semaphore, #tpu.memory_space<semaphore_mem>>) src(%dma_wait3A_99 : memref<256x128xf32, #tpu.memory_space<vmem>>) dst(%dma_wait3A_95 : memref<256x128xf32, #tpu.memory_space<hbm>>)
      %parallel_loop3A_100 = arith.constant 0 : i32
      %parallel_loop3A_101 = arith.constant 128 : i32
      %parallel_loop3A_102 = arith.constant 1 : i32
      %parallel_loop3A_103 = arith.constant 0 : i32
      scf.for %parallel_loop3A_164 = %parallel_loop3A_100 to %parallel_loop3A_101 step %parallel_loop3A_102  : i32 {
        %parallel_loop3A_165 = arith.constant 256 : i32
        %parallel_loop3A_166 = arith.muli %add3A_82, %parallel_loop3A_165 : i32
        %parallel_loop3A_167 = arith.constant 2 : i32
        %parallel_loop3A_168 = arith.muli %parallel_loop3A_164, %parallel_loop3A_167 : i32
        %parallel_loop3A_169 = arith.addi %parallel_loop3A_166, %parallel_loop3A_168 : i32
        %parallel_loop3A_170 = arith.index_cast %parallel_loop3A_169 : i32 to index
        %parallel_loop3A_171 = tpu.vector_load %arg5[%parallel_loop3A_170] {strides = array<i32>} : memref<25600xi32, #tpu.memory_space<vmem>>, vector<2xi32>,
        %parallel_loop3A_172 = vector.shape_cast %parallel_loop3A_171 : vector<2xi32> to vector<2xi32>
        %parallel_loop3A_173 = arith.constant 2 : i32
        %parallel_loop3A_174 = arith.muli %parallel_loop3A_164, %parallel_loop3A_173 : i32
        %parallel_loop3A_175 = arith.constant 0 : i32
        %parallel_loop3A_176 = arith.addi %parallel_loop3A_174, %parallel_loop3A_175 : i32
        %parallel_loop3A_177 = vector.extract_strided_slice %parallel_loop3A_172 {offsets = [0], sizes = [1], strides = [1]} : vector<2xi32> to vector<1xi32>
        %parallel_loop3A_178 = vector.extract %parallel_loop3A_177[0] : i32 from vector<1xi32>
        %parallel_loop3A_179 = arith.index_cast %parallel_loop3A_178 : i32 to index
        %parallel_loop3A_180 = arith.constant 0 : index
        %parallel_loop3A_181 = tpu.vector_load %arg6[%parallel_loop3A_179, %parallel_loop3A_180] {strides = array<i32>} : memref<100x128xf32, #tpu.memory_space<vmem>>, vector<1x16xf32>,
        %parallel_loop3A_182 = vector.shape_cast %parallel_loop3A_181 : vector<1x16xf32> to vector<16xf32>
        %parallel_loop3A_183 = arith.constant 0 : i32
        %parallel_loop3A_184 = arith.constant 0 : i32
        %parallel_loop3A_185 = tpu.memref_slice %arg7[%parallel_loop3A_103, %parallel_loop3A_183, %parallel_loop3A_184] : memref<2x256x128xf32, #tpu.memory_space<vmem>> -> memref<1x256x128xf32, #tpu.memory_space<vmem>>
        %parallel_loop3A_186 = tpu.memref_squeeze %parallel_loop3A_185 : memref<1x256x128xf32, #tpu.memory_space<vmem>> -> memref<256x128xf32, #tpu.memory_space<vmem>>
        %parallel_loop3A_187 = arith.index_cast %parallel_loop3A_176 : i32 to index
        %parallel_loop3A_188 = arith.constant 0 : index
        %parallel_loop3A_189 = tpu.vector_load %parallel_loop3A_186[%parallel_loop3A_187, %parallel_loop3A_188] {strides = array<i32>} : memref<256x128xf32, #tpu.memory_space<vmem>>, vector<1x16xf32>,
        %parallel_loop3A_190 = vector.shape_cast %parallel_loop3A_189 : vector<1x16xf32> to vector<16xf32>
        %parallel_loop3A_191 = vector.shape_cast %parallel_loop3A_182 : vector<16xf32> to vector<1x16xf32>
        tpu.vector_store %parallel_loop3A_186[%parallel_loop3A_187, %parallel_loop3A_188], %parallel_loop3A_191 {strides = array<i32>} : memref<256x128xf32, #tpu.memory_space<vmem>>, vector<1x16xf32>,
        %parallel_loop3A_192 = arith.index_cast %parallel_loop3A_178 : i32 to index
        %parallel_loop3A_193 = arith.constant 16 : index
        %parallel_loop3A_194 = tpu.vector_load %arg6[%parallel_loop3A_192, %parallel_loop3A_193] {strides = array<i32>} : memref<100x128xf32, #tpu.memory_space<vmem>>, vector<1x16xf32>,
        %parallel_loop3A_195 = vector.shape_cast %parallel_loop3A_194 : vector<1x16xf32> to vector<16xf32>
        %parallel_loop3A_196 = arith.constant 0 : i32
        %parallel_loop3A_197 = arith.constant 0 : i32
        %parallel_loop3A_198 = tpu.memref_slice %arg7[%parallel_loop3A_103, %parallel_loop3A_196, %parallel_loop3A_197] : memref<2x256x128xf32, #tpu.memory_space<vmem>> -> memref<1x256x128xf32, #tpu.memory_space<vmem>>
        %parallel_loop3A_199 = tpu.memref_squeeze %parallel_loop3A_198 : memref<1x256x128xf32, #tpu.memory_space<vmem>> -> memref<256x128xf32, #tpu.memory_space<vmem>>
        %parallel_loop3A_200 = arith.index_cast %parallel_loop3A_176 : i32 to index
        %parallel_loop3A_201 = arith.constant 16 : index
        %parallel_loop3A_202 = tpu.vector_load %parallel_loop3A_199[%parallel_loop3A_200, %parallel_loop3A_201] {strides = array<i32>} : memref<256x128xf32, #tpu.memory_space<vmem>>, vector<1x16xf32>,
        %parallel_loop3A_203 = vector.shape_cast %parallel_loop3A_202 : vector<1x16xf32> to vector<16xf32>
        %parallel_loop3A_204 = vector.shape_cast %parallel_loop3A_195 : vector<16xf32> to vector<1x16xf32>
        tpu.vector_store %parallel_loop3A_199[%parallel_loop3A_200, %parallel_loop3A_201], %parallel_loop3A_204 {strides = array<i32>} : memref<256x128xf32, #tpu.memory_space<vmem>>, vector<1x16xf32>,
        %parallel_loop3A_205 = arith.index_cast %parallel_loop3A_178 : i32 to index
        %parallel_loop3A_206 = arith.constant 32 : index
        %parallel_loop3A_207 = tpu.vector_load %arg6[%parallel_loop3A_205, %parallel_loop3A_206] {strides = array<i32>} : memref<100x128xf32, #tpu.memory_space<vmem>>, vector<1x16xf32>,
        %parallel_loop3A_208 = vector.shape_cast %parallel_loop3A_207 : vector<1x16xf32> to vector<16xf32>
        %parallel_loop3A_209 = arith.constant 0 : i32
        %parallel_loop3A_210 = arith.constant 0 : i32
        %parallel_loop3A_211 = tpu.memref_slice %arg7[%parallel_loop3A_103, %parallel_loop3A_209, %parallel_loop3A_210] : memref<2x256x128xf32, #tpu.memory_space<vmem>> -> memref<1x256x128xf32, #tpu.memory_space<vmem>>
        %parallel_loop3A_212 = tpu.memref_squeeze %parallel_loop3A_211 : memref<1x256x128xf32, #tpu.memory_space<vmem>> -> memref<256x128xf32, #tpu.memory_space<vmem>>
        %parallel_loop3A_213 = arith.index_cast %parallel_loop3A_176 : i32 to index
        %parallel_loop3A_214 = arith.constant 32 : index
        %parallel_loop3A_215 = tpu.vector_load %parallel_loop3A_212[%parallel_loop3A_213, %parallel_loop3A_214] {strides = array<i32>} : memref<256x128xf32, #tpu.memory_space<vmem>>, vector<1x16xf32>,
        %parallel_loop3A_216 = vector.shape_cast %parallel_loop3A_215 : vector<1x16xf32> to vector<16xf32>
        %parallel_loop3A_217 = vector.shape_cast %parallel_loop3A_208 : vector<16xf32> to vector<1x16xf32>
        tpu.vector_store %parallel_loop3A_212[%parallel_loop3A_213, %parallel_loop3A_214], %parallel_loop3A_217 {strides = array<i32>} : memref<256x128xf32, #tpu.memory_space<vmem>>, vector<1x16xf32>,
        %parallel_loop3A_218 = arith.index_cast %parallel_loop3A_178 : i32 to index
        %parallel_loop3A_219 = arith.constant 48 : index
        %parallel_loop3A_220 = tpu.vector_load %arg6[%parallel_loop3A_218, %parallel_loop3A_219] {strides = array<i32>} : memref<100x128xf32, #tpu.memory_space<vmem>>, vector<1x16xf32>,
        %parallel_loop3A_221 = vector.shape_cast %parallel_loop3A_220 : vector<1x16xf32> to vector<16xf32>
        %parallel_loop3A_222 = arith.constant 0 : i32
        %parallel_loop3A_223 = arith.constant 0 : i32
        %parallel_loop3A_224 = tpu.memref_slice %arg7[%parallel_loop3A_103, %parallel_loop3A_222, %parallel_loop3A_223] : memref<2x256x128xf32, #tpu.memory_space<vmem>> -> memref<1x256x128xf32, #tpu.memory_space<vmem>>
        %parallel_loop3A_225 = tpu.memref_squeeze %parallel_loop3A_224 : memref<1x256x128xf32, #tpu.memory_space<vmem>> -> memref<256x128xf32, #tpu.memory_space<vmem>>
        %parallel_loop3A_226 = arith.index_cast %parallel_loop3A_176 : i32 to index
        %parallel_loop3A_227 = arith.constant 48 : index
        %parallel_loop3A_228 = tpu.vector_load %parallel_loop3A_225[%parallel_loop3A_226, %parallel_loop3A_227] {strides = array<i32>} : memref<256x128xf32, #tpu.memory_space<vmem>>, vector<1x16xf32>,
        %parallel_loop3A_229 = vector.shape_cast %parallel_loop3A_228 : vector<1x16xf32> to vector<16xf32>
        %parallel_loop3A_230 = vector.shape_cast %parallel_loop3A_221 : vector<16xf32> to vector<1x16xf32>
        tpu.vector_store %parallel_loop3A_225[%parallel_loop3A_226, %parallel_loop3A_227], %parallel_loop3A_230 {strides = array<i32>} : memref<256x128xf32, #tpu.memory_space<vmem>>, vector<1x16xf32>,
        %parallel_loop3A_231 = arith.index_cast %parallel_loop3A_178 : i32 to index
        %parallel_loop3A_232 = arith.constant 64 : index
        %parallel_loop3A_233 = tpu.vector_load %arg6[%parallel_loop3A_231, %parallel_loop3A_232] {strides = array<i32>} : memref<100x128xf32, #tpu.memory_space<vmem>>, vector<1x16xf32>,
        %parallel_loop3A_234 = vector.shape_cast %parallel_loop3A_233 : vector<1x16xf32> to vector<16xf32>
        %parallel_loop3A_235 = arith.constant 0 : i32
        %parallel_loop3A_236 = arith.constant 0 : i32
        %parallel_loop3A_237 = tpu.memref_slice %arg7[%parallel_loop3A_103, %parallel_loop3A_235, %parallel_loop3A_236] : memref<2x256x128xf32, #tpu.memory_space<vmem>> -> memref<1x256x128xf32, #tpu.memory_space<vmem>>
        %parallel_loop3A_238 = tpu.memref_squeeze %parallel_loop3A_237 : memref<1x256x128xf32, #tpu.memory_space<vmem>> -> memref<256x128xf32, #tpu.memory_space<vmem>>
        %parallel_loop3A_239 = arith.index_cast %parallel_loop3A_176 : i32 to index
        %parallel_loop3A_240 = arith.constant 64 : index
        %parallel_loop3A_241 = tpu.vector_load %parallel_loop3A_238[%parallel_loop3A_239, %parallel_loop3A_240] {strides = array<i32>} : memref<256x128xf32, #tpu.memory_space<vmem>>, vector<1x16xf32>,
        %parallel_loop3A_242 = vector.shape_cast %parallel_loop3A_241 : vector<1x16xf32> to vector<16xf32>
        %parallel_loop3A_243 = vector.shape_cast %parallel_loop3A_234 : vector<16xf32> to vector<1x16xf32>
        tpu.vector_store %parallel_loop3A_238[%parallel_loop3A_239, %parallel_loop3A_240], %parallel_loop3A_243 {strides = array<i32>} : memref<256x128xf32, #tpu.memory_space<vmem>>, vector<1x16xf32>,
        %parallel_loop3A_244 = arith.index_cast %parallel_loop3A_178 : i32 to index
        %parallel_loop3A_245 = arith.constant 80 : index
        %parallel_loop3A_246 = tpu.vector_load %arg6[%parallel_loop3A_244, %parallel_loop3A_245] {strides = array<i32>} : memref<100x128xf32, #tpu.memory_space<vmem>>, vector<1x16xf32>,
        %parallel_loop3A_247 = vector.shape_cast %parallel_loop3A_246 : vector<1x16xf32> to vector<16xf32>
        %parallel_loop3A_248 = arith.constant 0 : i32
        %parallel_loop3A_249 = arith.constant 0 : i32
        %parallel_loop3A_250 = tpu.memref_slice %arg7[%parallel_loop3A_103, %parallel_loop3A_248, %parallel_loop3A_249] : memref<2x256x128xf32, #tpu.memory_space<vmem>> -> memref<1x256x128xf32, #tpu.memory_space<vmem>>
        %parallel_loop3A_251 = tpu.memref_squeeze %parallel_loop3A_250 : memref<1x256x128xf32, #tpu.memory_space<vmem>> -> memref<256x128xf32, #tpu.memory_space<vmem>>
        %parallel_loop3A_252 = arith.index_cast %parallel_loop3A_176 : i32 to index
        %parallel_loop3A_253 = arith.constant 80 : index
        %parallel_loop3A_254 = tpu.vector_load %parallel_loop3A_251[%parallel_loop3A_252, %parallel_loop3A_253] {strides = array<i32>} : memref<256x128xf32, #tpu.memory_space<vmem>>, vector<1x16xf32>,
        %parallel_loop3A_255 = vector.shape_cast %parallel_loop3A_254 : vector<1x16xf32> to vector<16xf32>
        %parallel_loop3A_256 = vector.shape_cast %parallel_loop3A_247 : vector<16xf32> to vector<1x16xf32>
        tpu.vector_store %parallel_loop3A_251[%parallel_loop3A_252, %parallel_loop3A_253], %parallel_loop3A_256 {strides = array<i32>} : memref<256x128xf32, #tpu.memory_space<vmem>>, vector<1x16xf32>,
        %parallel_loop3A_257 = arith.index_cast %parallel_loop3A_178 : i32 to index
        %parallel_loop3A_258 = arith.constant 96 : index
        %parallel_loop3A_259 = tpu.vector_load %arg6[%parallel_loop3A_257, %parallel_loop3A_258] {strides = array<i32>} : memref<100x128xf32, #tpu.memory_space<vmem>>, vector<1x16xf32>,
        %parallel_loop3A_260 = vector.shape_cast %parallel_loop3A_259 : vector<1x16xf32> to vector<16xf32>
        %parallel_loop3A_261 = arith.constant 0 : i32
        %parallel_loop3A_262 = arith.constant 0 : i32
        %parallel_loop3A_263 = tpu.memref_slice %arg7[%parallel_loop3A_103, %parallel_loop3A_261, %parallel_loop3A_262] : memref<2x256x128xf32, #tpu.memory_space<vmem>> -> memref<1x256x128xf32, #tpu.memory_space<vmem>>
        %parallel_loop3A_264 = tpu.memref_squeeze %parallel_loop3A_263 : memref<1x256x128xf32, #tpu.memory_space<vmem>> -> memref<256x128xf32, #tpu.memory_space<vmem>>
        %parallel_loop3A_265 = arith.index_cast %parallel_loop3A_176 : i32 to index
        %parallel_loop3A_266 = arith.constant 96 : index
        %parallel_loop3A_267 = tpu.vector_load %parallel_loop3A_264[%parallel_loop3A_265, %parallel_loop3A_266] {strides = array<i32>} : memref<256x128xf32, #tpu.memory_space<vmem>>, vector<1x16xf32>,
        %parallel_loop3A_268 = vector.shape_cast %parallel_loop3A_267 : vector<1x16xf32> to vector<16xf32>
        %parallel_loop3A_269 = vector.shape_cast %parallel_loop3A_260 : vector<16xf32> to vector<1x16xf32>
        tpu.vector_store %parallel_loop3A_264[%parallel_loop3A_265, %parallel_loop3A_266], %parallel_loop3A_269 {strides = array<i32>} : memref<256x128xf32, #tpu.memory_space<vmem>>, vector<1x16xf32>,
        %parallel_loop3A_270 = arith.index_cast %parallel_loop3A_178 : i32 to index
        %parallel_loop3A_271 = arith.constant 112 : index
        %parallel_loop3A_272 = tpu.vector_load %arg6[%parallel_loop3A_270, %parallel_loop3A_271] {strides = array<i32>} : memref<100x128xf32, #tpu.memory_space<vmem>>, vector<1x16xf32>,
        %parallel_loop3A_273 = vector.shape_cast %parallel_loop3A_272 : vector<1x16xf32> to vector<16xf32>
        %parallel_loop3A_274 = arith.constant 0 : i32
        %parallel_loop3A_275 = arith.constant 0 : i32
        %parallel_loop3A_276 = tpu.memref_slice %arg7[%parallel_loop3A_103, %parallel_loop3A_274, %parallel_loop3A_275] : memref<2x256x128xf32, #tpu.memory_space<vmem>> -> memref<1x256x128xf32, #tpu.memory_space<vmem>>
        %parallel_loop3A_277 = tpu.memref_squeeze %parallel_loop3A_276 : memref<1x256x128xf32, #tpu.memory_space<vmem>> -> memref<256x128xf32, #tpu.memory_space<vmem>>
        %parallel_loop3A_278 = arith.index_cast %parallel_loop3A_176 : i32 to index
        %parallel_loop3A_279 = arith.constant 112 : index
        %parallel_loop3A_280 = tpu.vector_load %parallel_loop3A_277[%parallel_loop3A_278, %parallel_loop3A_279] {strides = array<i32>} : memref<256x128xf32, #tpu.memory_space<vmem>>, vector<1x16xf32>,
        %parallel_loop3A_281 = vector.shape_cast %parallel_loop3A_280 : vector<1x16xf32> to vector<16xf32>
        %parallel_loop3A_282 = vector.shape_cast %parallel_loop3A_273 : vector<16xf32> to vector<1x16xf32>
        tpu.vector_store %parallel_loop3A_277[%parallel_loop3A_278, %parallel_loop3A_279], %parallel_loop3A_282 {strides = array<i32>} : memref<256x128xf32, #tpu.memory_space<vmem>>, vector<1x16xf32>,
        %parallel_loop3A_283 = arith.constant 2 : i32
        %parallel_loop3A_284 = arith.muli %parallel_loop3A_164, %parallel_loop3A_283 : i32
        %parallel_loop3A_285 = arith.constant 1 : i32
        %parallel_loop3A_286 = arith.addi %parallel_loop3A_284, %parallel_loop3A_285 : i32
        %parallel_loop3A_287 = vector.extract_strided_slice %parallel_loop3A_172 {offsets = [1], sizes = [1], strides = [1]} : vector<2xi32> to vector<1xi32>
        %parallel_loop3A_288 = vector.extract %parallel_loop3A_287[0] : i32 from vector<1xi32>
        %parallel_loop3A_289 = arith.index_cast %parallel_loop3A_288 : i32 to index
        %parallel_loop3A_290 = arith.constant 0 : index
        %parallel_loop3A_291 = tpu.vector_load %arg6[%parallel_loop3A_289, %parallel_loop3A_290] {strides = array<i32>} : memref<100x128xf32, #tpu.memory_space<vmem>>, vector<1x16xf32>,
        %parallel_loop3A_292 = vector.shape_cast %parallel_loop3A_291 : vector<1x16xf32> to vector<16xf32>
        %parallel_loop3A_293 = arith.constant 0 : i32
        %parallel_loop3A_294 = arith.constant 0 : i32
        %parallel_loop3A_295 = tpu.memref_slice %arg7[%parallel_loop3A_103, %parallel_loop3A_293, %parallel_loop3A_294] : memref<2x256x128xf32, #tpu.memory_space<vmem>> -> memref<1x256x128xf32, #tpu.memory_space<vmem>>
        %parallel_loop3A_296 = tpu.memref_squeeze %parallel_loop3A_295 : memref<1x256x128xf32, #tpu.memory_space<vmem>> -> memref<256x128xf32, #tpu.memory_space<vmem>>
        %parallel_loop3A_297 = arith.index_cast %parallel_loop3A_286 : i32 to index
        %parallel_loop3A_298 = arith.constant 0 : index
        %parallel_loop3A_299 = tpu.vector_load %parallel_loop3A_296[%parallel_loop3A_297, %parallel_loop3A_298] {strides = array<i32>} : memref<256x128xf32, #tpu.memory_space<vmem>>, vector<1x16xf32>,
        %parallel_loop3A_300 = vector.shape_cast %parallel_loop3A_299 : vector<1x16xf32> to vector<16xf32>
        %parallel_loop3A_301 = vector.shape_cast %parallel_loop3A_292 : vector<16xf32> to vector<1x16xf32>
        tpu.vector_store %parallel_loop3A_296[%parallel_loop3A_297, %parallel_loop3A_298], %parallel_loop3A_301 {strides = array<i32>} : memref<256x128xf32, #tpu.memory_space<vmem>>, vector<1x16xf32>,
        %parallel_loop3A_302 = arith.index_cast %parallel_loop3A_288 : i32 to index
        %parallel_loop3A_303 = arith.constant 16 : index
        %parallel_loop3A_304 = tpu.vector_load %arg6[%parallel_loop3A_302, %parallel_loop3A_303] {strides = array<i32>} : memref<100x128xf32, #tpu.memory_space<vmem>>, vector<1x16xf32>,
        %parallel_loop3A_305 = vector.shape_cast %parallel_loop3A_304 : vector<1x16xf32> to vector<16xf32>
        %parallel_loop3A_306 = arith.constant 0 : i32
        %parallel_loop3A_307 = arith.constant 0 : i32
        %parallel_loop3A_308 = tpu.memref_slice %arg7[%parallel_loop3A_103, %parallel_loop3A_306, %parallel_loop3A_307] : memref<2x256x128xf32, #tpu.memory_space<vmem>> -> memref<1x256x128xf32, #tpu.memory_space<vmem>>
        %parallel_loop3A_309 = tpu.memref_squeeze %parallel_loop3A_308 : memref<1x256x128xf32, #tpu.memory_space<vmem>> -> memref<256x128xf32, #tpu.memory_space<vmem>>
        %parallel_loop3A_310 = arith.index_cast %parallel_loop3A_286 : i32 to index
        %parallel_loop3A_311 = arith.constant 16 : index
        %parallel_loop3A_312 = tpu.vector_load %parallel_loop3A_309[%parallel_loop3A_310, %parallel_loop3A_311] {strides = array<i32>} : memref<256x128xf32, #tpu.memory_space<vmem>>, vector<1x16xf32>,
        %parallel_loop3A_313 = vector.shape_cast %parallel_loop3A_312 : vector<1x16xf32> to vector<16xf32>
        %parallel_loop3A_314 = vector.shape_cast %parallel_loop3A_305 : vector<16xf32> to vector<1x16xf32>
        tpu.vector_store %parallel_loop3A_309[%parallel_loop3A_310, %parallel_loop3A_311], %parallel_loop3A_314 {strides = array<i32>} : memref<256x128xf32, #tpu.memory_space<vmem>>, vector<1x16xf32>,
        %parallel_loop3A_315 = arith.index_cast %parallel_loop3A_288 : i32 to index
        %parallel_loop3A_316 = arith.constant 32 : index
        %parallel_loop3A_317 = tpu.vector_load %arg6[%parallel_loop3A_315, %parallel_loop3A_316] {strides = array<i32>} : memref<100x128xf32, #tpu.memory_space<vmem>>, vector<1x16xf32>,
        %parallel_loop3A_318 = vector.shape_cast %parallel_loop3A_317 : vector<1x16xf32> to vector<16xf32>
        %parallel_loop3A_319 = arith.constant 0 : i32
        %parallel_loop3A_320 = arith.constant 0 : i32
        %parallel_loop3A_321 = tpu.memref_slice %arg7[%parallel_loop3A_103, %parallel_loop3A_319, %parallel_loop3A_320] : memref<2x256x128xf32, #tpu.memory_space<vmem>> -> memref<1x256x128xf32, #tpu.memory_space<vmem>>
        %parallel_loop3A_322 = tpu.memref_squeeze %parallel_loop3A_321 : memref<1x256x128xf32, #tpu.memory_space<vmem>> -> memref<256x128xf32, #tpu.memory_space<vmem>>
        %parallel_loop3A_323 = arith.index_cast %parallel_loop3A_286 : i32 to index
        %parallel_loop3A_324 = arith.constant 32 : index
        %parallel_loop3A_325 = tpu.vector_load %parallel_loop3A_322[%parallel_loop3A_323, %parallel_loop3A_324] {strides = array<i32>} : memref<256x128xf32, #tpu.memory_space<vmem>>, vector<1x16xf32>,
        %parallel_loop3A_326 = vector.shape_cast %parallel_loop3A_325 : vector<1x16xf32> to vector<16xf32>
        %parallel_loop3A_327 = vector.shape_cast %parallel_loop3A_318 : vector<16xf32> to vector<1x16xf32>
        tpu.vector_store %parallel_loop3A_322[%parallel_loop3A_323, %parallel_loop3A_324], %parallel_loop3A_327 {strides = array<i32>} : memref<256x128xf32, #tpu.memory_space<vmem>>, vector<1x16xf32>,
        %parallel_loop3A_328 = arith.index_cast %parallel_loop3A_288 : i32 to index
        %parallel_loop3A_329 = arith.constant 48 : index
        %parallel_loop3A_330 = tpu.vector_load %arg6[%parallel_loop3A_328, %parallel_loop3A_329] {strides = array<i32>} : memref<100x128xf32, #tpu.memory_space<vmem>>, vector<1x16xf32>,
        %parallel_loop3A_331 = vector.shape_cast %parallel_loop3A_330 : vector<1x16xf32> to vector<16xf32>
        %parallel_loop3A_332 = arith.constant 0 : i32
        %parallel_loop3A_333 = arith.constant 0 : i32
        %parallel_loop3A_334 = tpu.memref_slice %arg7[%parallel_loop3A_103, %parallel_loop3A_332, %parallel_loop3A_333] : memref<2x256x128xf32, #tpu.memory_space<vmem>> -> memref<1x256x128xf32, #tpu.memory_space<vmem>>
        %parallel_loop3A_335 = tpu.memref_squeeze %parallel_loop3A_334 : memref<1x256x128xf32, #tpu.memory_space<vmem>> -> memref<256x128xf32, #tpu.memory_space<vmem>>
        %parallel_loop3A_336 = arith.index_cast %parallel_loop3A_286 : i32 to index
        %parallel_loop3A_337 = arith.constant 48 : index
        %parallel_loop3A_338 = tpu.vector_load %parallel_loop3A_335[%parallel_loop3A_336, %parallel_loop3A_337] {strides = array<i32>} : memref<256x128xf32, #tpu.memory_space<vmem>>, vector<1x16xf32>,
        %parallel_loop3A_339 = vector.shape_cast %parallel_loop3A_338 : vector<1x16xf32> to vector<16xf32>
        %parallel_loop3A_340 = vector.shape_cast %parallel_loop3A_331 : vector<16xf32> to vector<1x16xf32>
        tpu.vector_store %parallel_loop3A_335[%parallel_loop3A_336, %parallel_loop3A_337], %parallel_loop3A_340 {strides = array<i32>} : memref<256x128xf32, #tpu.memory_space<vmem>>, vector<1x16xf32>,
        %parallel_loop3A_341 = arith.index_cast %parallel_loop3A_288 : i32 to index
        %parallel_loop3A_342 = arith.constant 64 : index
        %parallel_loop3A_343 = tpu.vector_load %arg6[%parallel_loop3A_341, %parallel_loop3A_342] {strides = array<i32>} : memref<100x128xf32, #tpu.memory_space<vmem>>, vector<1x16xf32>,
        %parallel_loop3A_344 = vector.shape_cast %parallel_loop3A_343 : vector<1x16xf32> to vector<16xf32>
        %parallel_loop3A_345 = arith.constant 0 : i32
        %parallel_loop3A_346 = arith.constant 0 : i32
        %parallel_loop3A_347 = tpu.memref_slice %arg7[%parallel_loop3A_103, %parallel_loop3A_345, %parallel_loop3A_346] : memref<2x256x128xf32, #tpu.memory_space<vmem>> -> memref<1x256x128xf32, #tpu.memory_space<vmem>>
        %parallel_loop3A_348 = tpu.memref_squeeze %parallel_loop3A_347 : memref<1x256x128xf32, #tpu.memory_space<vmem>> -> memref<256x128xf32, #tpu.memory_space<vmem>>
        %parallel_loop3A_349 = arith.index_cast %parallel_loop3A_286 : i32 to index
        %parallel_loop3A_350 = arith.constant 64 : index
        %parallel_loop3A_351 = tpu.vector_load %parallel_loop3A_348[%parallel_loop3A_349, %parallel_loop3A_350] {strides = array<i32>} : memref<256x128xf32, #tpu.memory_space<vmem>>, vector<1x16xf32>,
        %parallel_loop3A_352 = vector.shape_cast %parallel_loop3A_351 : vector<1x16xf32> to vector<16xf32>
        %parallel_loop3A_353 = vector.shape_cast %parallel_loop3A_344 : vector<16xf32> to vector<1x16xf32>
        tpu.vector_store %parallel_loop3A_348[%parallel_loop3A_349, %parallel_loop3A_350], %parallel_loop3A_353 {strides = array<i32>} : memref<256x128xf32, #tpu.memory_space<vmem>>, vector<1x16xf32>,
        %parallel_loop3A_354 = arith.index_cast %parallel_loop3A_288 : i32 to index
        %parallel_loop3A_355 = arith.constant 80 : index
        %parallel_loop3A_356 = tpu.vector_load %arg6[%parallel_loop3A_354, %parallel_loop3A_355] {strides = array<i32>} : memref<100x128xf32, #tpu.memory_space<vmem>>, vector<1x16xf32>,
        %parallel_loop3A_357 = vector.shape_cast %parallel_loop3A_356 : vector<1x16xf32> to vector<16xf32>
        %parallel_loop3A_358 = arith.constant 0 : i32
        %parallel_loop3A_359 = arith.constant 0 : i32
        %parallel_loop3A_360 = tpu.memref_slice %arg7[%parallel_loop3A_103, %parallel_loop3A_358, %parallel_loop3A_359] : memref<2x256x128xf32, #tpu.memory_space<vmem>> -> memref<1x256x128xf32, #tpu.memory_space<vmem>>
        %parallel_loop3A_361 = tpu.memref_squeeze %parallel_loop3A_360 : memref<1x256x128xf32, #tpu.memory_space<vmem>> -> memref<256x128xf32, #tpu.memory_space<vmem>>
        %parallel_loop3A_362 = arith.index_cast %parallel_loop3A_286 : i32 to index
        %parallel_loop3A_363 = arith.constant 80 : index
        %parallel_loop3A_364 = tpu.vector_load %parallel_loop3A_361[%parallel_loop3A_362, %parallel_loop3A_363] {strides = array<i32>} : memref<256x128xf32, #tpu.memory_space<vmem>>, vector<1x16xf32>,
        %parallel_loop3A_365 = vector.shape_cast %parallel_loop3A_364 : vector<1x16xf32> to vector<16xf32>
        %parallel_loop3A_366 = vector.shape_cast %parallel_loop3A_357 : vector<16xf32> to vector<1x16xf32>
        tpu.vector_store %parallel_loop3A_361[%parallel_loop3A_362, %parallel_loop3A_363], %parallel_loop3A_366 {strides = array<i32>} : memref<256x128xf32, #tpu.memory_space<vmem>>, vector<1x16xf32>,
        %parallel_loop3A_367 = arith.index_cast %parallel_loop3A_288 : i32 to index
        %parallel_loop3A_368 = arith.constant 96 : index
        %parallel_loop3A_369 = tpu.vector_load %arg6[%parallel_loop3A_367, %parallel_loop3A_368] {strides = array<i32>} : memref<100x128xf32, #tpu.memory_space<vmem>>, vector<1x16xf32>,
        %parallel_loop3A_370 = vector.shape_cast %parallel_loop3A_369 : vector<1x16xf32> to vector<16xf32>
        %parallel_loop3A_371 = arith.constant 0 : i32
        %parallel_loop3A_372 = arith.constant 0 : i32
        %parallel_loop3A_373 = tpu.memref_slice %arg7[%parallel_loop3A_103, %parallel_loop3A_371, %parallel_loop3A_372] : memref<2x256x128xf32, #tpu.memory_space<vmem>> -> memref<1x256x128xf32, #tpu.memory_space<vmem>>
        %parallel_loop3A_374 = tpu.memref_squeeze %parallel_loop3A_373 : memref<1x256x128xf32, #tpu.memory_space<vmem>> -> memref<256x128xf32, #tpu.memory_space<vmem>>
        %parallel_loop3A_375 = arith.index_cast %parallel_loop3A_286 : i32 to index
        %parallel_loop3A_376 = arith.constant 96 : index
        %parallel_loop3A_377 = tpu.vector_load %parallel_loop3A_374[%parallel_loop3A_375, %parallel_loop3A_376] {strides = array<i32>} : memref<256x128xf32, #tpu.memory_space<vmem>>, vector<1x16xf32>,
        %parallel_loop3A_378 = vector.shape_cast %parallel_loop3A_377 : vector<1x16xf32> to vector<16xf32>
        %parallel_loop3A_379 = vector.shape_cast %parallel_loop3A_370 : vector<16xf32> to vector<1x16xf32>
        tpu.vector_store %parallel_loop3A_374[%parallel_loop3A_375, %parallel_loop3A_376], %parallel_loop3A_379 {strides = array<i32>} : memref<256x128xf32, #tpu.memory_space<vmem>>, vector<1x16xf32>,
        %parallel_loop3A_380 = arith.index_cast %parallel_loop3A_288 : i32 to index
        %parallel_loop3A_381 = arith.constant 112 : index
        %parallel_loop3A_382 = tpu.vector_load %arg6[%parallel_loop3A_380, %parallel_loop3A_381] {strides = array<i32>} : memref<100x128xf32, #tpu.memory_space<vmem>>, vector<1x16xf32>,
        %parallel_loop3A_383 = vector.shape_cast %parallel_loop3A_382 : vector<1x16xf32> to vector<16xf32>
        %parallel_loop3A_384 = arith.constant 0 : i32
        %parallel_loop3A_385 = arith.constant 0 : i32
        %parallel_loop3A_386 = tpu.memref_slice %arg7[%parallel_loop3A_103, %parallel_loop3A_384, %parallel_loop3A_385] : memref<2x256x128xf32, #tpu.memory_space<vmem>> -> memref<1x256x128xf32, #tpu.memory_space<vmem>>
        %parallel_loop3A_387 = tpu.memref_squeeze %parallel_loop3A_386 : memref<1x256x128xf32, #tpu.memory_space<vmem>> -> memref<256x128xf32, #tpu.memory_space<vmem>>
        %parallel_loop3A_388 = arith.index_cast %parallel_loop3A_286 : i32 to index
        %parallel_loop3A_389 = arith.constant 112 : index
        %parallel_loop3A_390 = tpu.vector_load %parallel_loop3A_387[%parallel_loop3A_388, %parallel_loop3A_389] {strides = array<i32>} : memref<256x128xf32, #tpu.memory_space<vmem>>, vector<1x16xf32>,
        %parallel_loop3A_391 = vector.shape_cast %parallel_loop3A_390 : vector<1x16xf32> to vector<16xf32>
        %parallel_loop3A_392 = vector.shape_cast %parallel_loop3A_383 : vector<16xf32> to vector<1x16xf32>
        tpu.vector_store %parallel_loop3A_387[%parallel_loop3A_388, %parallel_loop3A_389], %parallel_loop3A_392 {strides = array<i32>} : memref<256x128xf32, #tpu.memory_space<vmem>>, vector<1x16xf32>,
      } {sc.loop_unroll_factor = 2 : i64, sc.parallel_access}
      %mul3A_104 = arith.constant 256 : i32
      %mul3A_105 = arith.muli %add3A_82, %mul3A_104 : i32
      %add3A_106 = arith.addi %mul3A_2, %mul3A_105 : i32
      %dma_start3A_107 = arith.constant 0 : i32
      %dma_start3A_108 = arith.constant 0 : i32
      %dma_start3A_109 = arith.constant 0 : i32
      %dma_start3A_110 = tpu.memref_slice %arg7[%dma_start3A_107, %dma_start3A_108, %dma_start3A_109] : memref<2x256x128xf32, #tpu.memory_space<vmem>> -> memref<1x256x128xf32, #tpu.memory_space<vmem>>
      %dma_start3A_111 = tpu.memref_squeeze %dma_start3A_110 : memref<1x256x128xf32, #tpu.memory_space<vmem>> -> memref<256x128xf32, #tpu.memory_space<vmem>>
      %dma_start3A_112 = arith.constant 0 : i32
      %dma_start3A_113 = tpu.memref_slice %arg4[%add3A_106, %dma_start3A_112] : memref<819200x128xf32, #tpu.memory_space<hbm>> -> memref<256x128xf32, #tpu.memory_space<hbm>>
      %dma_start3A_114 = arith.constant 0 : i32
      %dma_start3A_115 = tpu.memref_slice %arg4[%add3A_106, %dma_start3A_114] : memref<819200x128xf32, #tpu.memory_space<hbm>> -> memref<256x128xf32, #tpu.memory_space<hbm>>
      %dma_start3A_116 = arith.constant 0 : i32
      %dma_start3A_117 = arith.constant 0 : i32
      %dma_start3A_118 = tpu.memref_slice %arg7[%dma_start3A_107, %dma_start3A_116, %dma_start3A_117] : memref<2x256x128xf32, #tpu.memory_space<vmem>> -> memref<1x256x128xf32, #tpu.memory_space<vmem>>
      %dma_start3A_119 = tpu.memref_squeeze %dma_start3A_118 : memref<1x256x128xf32, #tpu.memory_space<vmem>> -> memref<256x128xf32, #tpu.memory_space<vmem>>
      tpu.enqueue_dma source(%dma_start3A_119 : memref<256x128xf32, #tpu.memory_space<vmem>>) target(%dma_start3A_115 : memref<256x128xf32, #tpu.memory_space<hbm>>) target_semaphore(%arg8 : memref<!tpu.dma_semaphore, #tpu.memory_space<semaphore_mem>>)
      %mul3A_120 = arith.constant 2 : i32
      %mul3A_121 = arith.muli %mul3A_120, %add3A_76 : i32
      %add3A_122 = arith.constant 2 : i32
      %add3A_123 = arith.addi %mul3A_121, %add3A_122 : i32
      %add3A_124 = arith.constant 1 : i32
      %add3A_125 = arith.addi %add3A_123, %add3A_124 : i32
      %sub3A_126 = arith.constant 2 : i32
      %sub3A_127 = arith.subi %add3A_125, %sub3A_126 : i32
      %mul3A_128 = arith.constant 256 : i32
      %mul3A_129 = arith.muli %sub3A_127, %mul3A_128 : i32
      %add3A_130 = arith.addi %mul3A_2, %mul3A_129 : i32
      %dma_wait3A_131 = arith.constant 1 : i32
      %dma_wait3A_132 = arith.constant 0 : i32
      %dma_wait3A_133 = arith.constant 0 : i32
      %dma_wait3A_134 = tpu.memref_slice %arg7[%dma_wait3A_131, %dma_wait3A_132, %dma_wait3A_133] : memref<2x256x128xf32, #tpu.memory_space<vmem>> -> memref<1x256x128xf32, #tpu.memory_space<vmem>>
      %dma_wait3A_135 = tpu.memref_squeeze %dma_wait3A_134 : memref<1x256x128xf32, #tpu.memory_space<vmem>> -> memref<256x128xf32, #tpu.memory_space<vmem>>
      %dma_wait3A_136 = arith.constant 0 : i32
      %dma_wait3A_137 = tpu.memref_slice %arg4[%add3A_130, %dma_wait3A_136] : memref<819200x128xf32, #tpu.memory_space<hbm>> -> memref<256x128xf32, #tpu.memory_space<hbm>>
      %dma_wait3A_138 = arith.constant 0 : i32
      %dma_wait3A_139 = tpu.memref_slice %arg4[%add3A_130, %dma_wait3A_138] : memref<819200x128xf32, #tpu.memory_space<hbm>> -> memref<256x128xf32, #tpu.memory_space<hbm>>
      %dma_wait3A_140 = arith.constant 0 : i32
      %dma_wait3A_141 = arith.constant 0 : i32
      %dma_wait3A_142 = tpu.memref_slice %arg7[%dma_wait3A_131, %dma_wait3A_140, %dma_wait3A_141] : memref<2x256x128xf32, #tpu.memory_space<vmem>> -> memref<1x256x128xf32, #tpu.memory_space<vmem>>
      %dma_wait3A_143 = tpu.memref_squeeze %dma_wait3A_142 : memref<1x256x128xf32, #tpu.memory_space<vmem>> -> memref<256x128xf32, #tpu.memory_space<vmem>>
      tpu.wait_dma2 semaphore(%arg9 : memref<!tpu.dma_semaphore, #tpu.memory_space<semaphore_mem>>) src(%dma_wait3A_143 : memref<256x128xf32, #tpu.memory_space<vmem>>) dst(%dma_wait3A_139 : memref<256x128xf32, #tpu.memory_space<hbm>>)
      %parallel_loop3A_144 = arith.constant 0 : i32
      %parallel_loop3A_145 = arith.constant 128 : i32
      %parallel_loop3A_146 = arith.constant 1 : i32
      %parallel_loop3A_147 = arith.constant 1 : i32
      scf.for %parallel_loop3A_164 = %parallel_loop3A_144 to %parallel_loop3A_145 step %parallel_loop3A_146  : i32 {
        %parallel_loop3A_165 = arith.constant 256 : i32
        %parallel_loop3A_166 = arith.muli %add3A_125, %parallel_loop3A_165 : i32
        %parallel_loop3A_167 = arith.constant 2 : i32
        %parallel_loop3A_168 = arith.muli %parallel_loop3A_164, %parallel_loop3A_167 : i32
        %parallel_loop3A_169 = arith.addi %parallel_loop3A_166, %parallel_loop3A_168 : i32
        %parallel_loop3A_170 = arith.index_cast %parallel_loop3A_169 : i32 to index
        %parallel_loop3A_171 = tpu.vector_load %arg5[%parallel_loop3A_170] {strides = array<i32>} : memref<25600xi32, #tpu.memory_space<vmem>>, vector<2xi32>,
        %parallel_loop3A_172 = vector.shape_cast %parallel_loop3A_171 : vector<2xi32> to vector<2xi32>
        %parallel_loop3A_173 = arith.constant 2 : i32
        %parallel_loop3A_174 = arith.muli %parallel_loop3A_164, %parallel_loop3A_173 : i32
        %parallel_loop3A_175 = arith.constant 0 : i32
        %parallel_loop3A_176 = arith.addi %parallel_loop3A_174, %parallel_loop3A_175 : i32
        %parallel_loop3A_177 = vector.extract_strided_slice %parallel_loop3A_172 {offsets = [0], sizes = [1], strides = [1]} : vector<2xi32> to vector<1xi32>
        %parallel_loop3A_178 = vector.extract %parallel_loop3A_177[0] : i32 from vector<1xi32>
        %parallel_loop3A_179 = arith.index_cast %parallel_loop3A_178 : i32 to index
        %parallel_loop3A_180 = arith.constant 0 : index
        %parallel_loop3A_181 = tpu.vector_load %arg6[%parallel_loop3A_179, %parallel_loop3A_180] {strides = array<i32>} : memref<100x128xf32, #tpu.memory_space<vmem>>, vector<1x16xf32>,
        %parallel_loop3A_182 = vector.shape_cast %parallel_loop3A_181 : vector<1x16xf32> to vector<16xf32>
        %parallel_loop3A_183 = arith.constant 0 : i32
        %parallel_loop3A_184 = arith.constant 0 : i32
        %parallel_loop3A_185 = tpu.memref_slice %arg7[%parallel_loop3A_147, %parallel_loop3A_183, %parallel_loop3A_184] : memref<2x256x128xf32, #tpu.memory_space<vmem>> -> memref<1x256x128xf32, #tpu.memory_space<vmem>>
        %parallel_loop3A_186 = tpu.memref_squeeze %parallel_loop3A_185 : memref<1x256x128xf32, #tpu.memory_space<vmem>> -> memref<256x128xf32, #tpu.memory_space<vmem>>
        %parallel_loop3A_187 = arith.index_cast %parallel_loop3A_176 : i32 to index
        %parallel_loop3A_188 = arith.constant 0 : index
        %parallel_loop3A_189 = tpu.vector_load %parallel_loop3A_186[%parallel_loop3A_187, %parallel_loop3A_188] {strides = array<i32>} : memref<256x128xf32, #tpu.memory_space<vmem>>, vector<1x16xf32>,
        %parallel_loop3A_190 = vector.shape_cast %parallel_loop3A_189 : vector<1x16xf32> to vector<16xf32>
        %parallel_loop3A_191 = vector.shape_cast %parallel_loop3A_182 : vector<16xf32> to vector<1x16xf32>
        tpu.vector_store %parallel_loop3A_186[%parallel_loop3A_187, %parallel_loop3A_188], %parallel_loop3A_191 {strides = array<i32>} : memref<256x128xf32, #tpu.memory_space<vmem>>, vector<1x16xf32>,
        %parallel_loop3A_192 = arith.index_cast %parallel_loop3A_178 : i32 to index
        %parallel_loop3A_193 = arith.constant 16 : index
        %parallel_loop3A_194 = tpu.vector_load %arg6[%parallel_loop3A_192, %parallel_loop3A_193] {strides = array<i32>} : memref<100x128xf32, #tpu.memory_space<vmem>>, vector<1x16xf32>,
        %parallel_loop3A_195 = vector.shape_cast %parallel_loop3A_194 : vector<1x16xf32> to vector<16xf32>
        %parallel_loop3A_196 = arith.constant 0 : i32
        %parallel_loop3A_197 = arith.constant 0 : i32
        %parallel_loop3A_198 = tpu.memref_slice %arg7[%parallel_loop3A_147, %parallel_loop3A_196, %parallel_loop3A_197] : memref<2x256x128xf32, #tpu.memory_space<vmem>> -> memref<1x256x128xf32, #tpu.memory_space<vmem>>
        %parallel_loop3A_199 = tpu.memref_squeeze %parallel_loop3A_198 : memref<1x256x128xf32, #tpu.memory_space<vmem>> -> memref<256x128xf32, #tpu.memory_space<vmem>>
        %parallel_loop3A_200 = arith.index_cast %parallel_loop3A_176 : i32 to index
        %parallel_loop3A_201 = arith.constant 16 : index
        %parallel_loop3A_202 = tpu.vector_load %parallel_loop3A_199[%parallel_loop3A_200, %parallel_loop3A_201] {strides = array<i32>} : memref<256x128xf32, #tpu.memory_space<vmem>>, vector<1x16xf32>,
        %parallel_loop3A_203 = vector.shape_cast %parallel_loop3A_202 : vector<1x16xf32> to vector<16xf32>
        %parallel_loop3A_204 = vector.shape_cast %parallel_loop3A_195 : vector<16xf32> to vector<1x16xf32>
        tpu.vector_store %parallel_loop3A_199[%parallel_loop3A_200, %parallel_loop3A_201], %parallel_loop3A_204 {strides = array<i32>} : memref<256x128xf32, #tpu.memory_space<vmem>>, vector<1x16xf32>,
        %parallel_loop3A_205 = arith.index_cast %parallel_loop3A_178 : i32 to index
        %parallel_loop3A_206 = arith.constant 32 : index
        %parallel_loop3A_207 = tpu.vector_load %arg6[%parallel_loop3A_205, %parallel_loop3A_206] {strides = array<i32>} : memref<100x128xf32, #tpu.memory_space<vmem>>, vector<1x16xf32>,
        %parallel_loop3A_208 = vector.shape_cast %parallel_loop3A_207 : vector<1x16xf32> to vector<16xf32>
        %parallel_loop3A_209 = arith.constant 0 : i32
        %parallel_loop3A_210 = arith.constant 0 : i32
        %parallel_loop3A_211 = tpu.memref_slice %arg7[%parallel_loop3A_147, %parallel_loop3A_209, %parallel_loop3A_210] : memref<2x256x128xf32, #tpu.memory_space<vmem>> -> memref<1x256x128xf32, #tpu.memory_space<vmem>>
        %parallel_loop3A_212 = tpu.memref_squeeze %parallel_loop3A_211 : memref<1x256x128xf32, #tpu.memory_space<vmem>> -> memref<256x128xf32, #tpu.memory_space<vmem>>
        %parallel_loop3A_213 = arith.index_cast %parallel_loop3A_176 : i32 to index
        %parallel_loop3A_214 = arith.constant 32 : index
        %parallel_loop3A_215 = tpu.vector_load %parallel_loop3A_212[%parallel_loop3A_213, %parallel_loop3A_214] {strides = array<i32>} : memref<256x128xf32, #tpu.memory_space<vmem>>, vector<1x16xf32>,
        %parallel_loop3A_216 = vector.shape_cast %parallel_loop3A_215 : vector<1x16xf32> to vector<16xf32>
        %parallel_loop3A_217 = vector.shape_cast %parallel_loop3A_208 : vector<16xf32> to vector<1x16xf32>
        tpu.vector_store %parallel_loop3A_212[%parallel_loop3A_213, %parallel_loop3A_214], %parallel_loop3A_217 {strides = array<i32>} : memref<256x128xf32, #tpu.memory_space<vmem>>, vector<1x16xf32>,
        %parallel_loop3A_218 = arith.index_cast %parallel_loop3A_178 : i32 to index
        %parallel_loop3A_219 = arith.constant 48 : index
        %parallel_loop3A_220 = tpu.vector_load %arg6[%parallel_loop3A_218, %parallel_loop3A_219] {strides = array<i32>} : memref<100x128xf32, #tpu.memory_space<vmem>>, vector<1x16xf32>,
        %parallel_loop3A_221 = vector.shape_cast %parallel_loop3A_220 : vector<1x16xf32> to vector<16xf32>
        %parallel_loop3A_222 = arith.constant 0 : i32
        %parallel_loop3A_223 = arith.constant 0 : i32
        %parallel_loop3A_224 = tpu.memref_slice %arg7[%parallel_loop3A_147, %parallel_loop3A_222, %parallel_loop3A_223] : memref<2x256x128xf32, #tpu.memory_space<vmem>> -> memref<1x256x128xf32, #tpu.memory_space<vmem>>
        %parallel_loop3A_225 = tpu.memref_squeeze %parallel_loop3A_224 : memref<1x256x128xf32, #tpu.memory_space<vmem>> -> memref<256x128xf32, #tpu.memory_space<vmem>>
        %parallel_loop3A_226 = arith.index_cast %parallel_loop3A_176 : i32 to index
        %parallel_loop3A_227 = arith.constant 48 : index
        %parallel_loop3A_228 = tpu.vector_load %parallel_loop3A_225[%parallel_loop3A_226, %parallel_loop3A_227] {strides = array<i32>} : memref<256x128xf32, #tpu.memory_space<vmem>>, vector<1x16xf32>,
        %parallel_loop3A_229 = vector.shape_cast %parallel_loop3A_228 : vector<1x16xf32> to vector<16xf32>
        %parallel_loop3A_230 = vector.shape_cast %parallel_loop3A_221 : vector<16xf32> to vector<1x16xf32>
        tpu.vector_store %parallel_loop3A_225[%parallel_loop3A_226, %parallel_loop3A_227], %parallel_loop3A_230 {strides = array<i32>} : memref<256x128xf32, #tpu.memory_space<vmem>>, vector<1x16xf32>,
        %parallel_loop3A_231 = arith.index_cast %parallel_loop3A_178 : i32 to index
        %parallel_loop3A_232 = arith.constant 64 : index
        %parallel_loop3A_233 = tpu.vector_load %arg6[%parallel_loop3A_231, %parallel_loop3A_232] {strides = array<i32>} : memref<100x128xf32, #tpu.memory_space<vmem>>, vector<1x16xf32>,
        %parallel_loop3A_234 = vector.shape_cast %parallel_loop3A_233 : vector<1x16xf32> to vector<16xf32>
        %parallel_loop3A_235 = arith.constant 0 : i32
        %parallel_loop3A_236 = arith.constant 0 : i32
        %parallel_loop3A_237 = tpu.memref_slice %arg7[%parallel_loop3A_147, %parallel_loop3A_235, %parallel_loop3A_236] : memref<2x256x128xf32, #tpu.memory_space<vmem>> -> memref<1x256x128xf32, #tpu.memory_space<vmem>>
        %parallel_loop3A_238 = tpu.memref_squeeze %parallel_loop3A_237 : memref<1x256x128xf32, #tpu.memory_space<vmem>> -> memref<256x128xf32, #tpu.memory_space<vmem>>
        %parallel_loop3A_239 = arith.index_cast %parallel_loop3A_176 : i32 to index
        %parallel_loop3A_240 = arith.constant 64 : index
        %parallel_loop3A_241 = tpu.vector_load %parallel_loop3A_238[%parallel_loop3A_239, %parallel_loop3A_240] {strides = array<i32>} : memref<256x128xf32, #tpu.memory_space<vmem>>, vector<1x16xf32>,
        %parallel_loop3A_242 = vector.shape_cast %parallel_loop3A_241 : vector<1x16xf32> to vector<16xf32>
        %parallel_loop3A_243 = vector.shape_cast %parallel_loop3A_234 : vector<16xf32> to vector<1x16xf32>
        tpu.vector_store %parallel_loop3A_238[%parallel_loop3A_239, %parallel_loop3A_240], %parallel_loop3A_243 {strides = array<i32>} : memref<256x128xf32, #tpu.memory_space<vmem>>, vector<1x16xf32>,
        %parallel_loop3A_244 = arith.index_cast %parallel_loop3A_178 : i32 to index
        %parallel_loop3A_245 = arith.constant 80 : index
        %parallel_loop3A_246 = tpu.vector_load %arg6[%parallel_loop3A_244, %parallel_loop3A_245] {strides = array<i32>} : memref<100x128xf32, #tpu.memory_space<vmem>>, vector<1x16xf32>,
        %parallel_loop3A_247 = vector.shape_cast %parallel_loop3A_246 : vector<1x16xf32> to vector<16xf32>
        %parallel_loop3A_248 = arith.constant 0 : i32
        %parallel_loop3A_249 = arith.constant 0 : i32
        %parallel_loop3A_250 = tpu.memref_slice %arg7[%parallel_loop3A_147, %parallel_loop3A_248, %parallel_loop3A_249] : memref<2x256x128xf32, #tpu.memory_space<vmem>> -> memref<1x256x128xf32, #tpu.memory_space<vmem>>
        %parallel_loop3A_251 = tpu.memref_squeeze %parallel_loop3A_250 : memref<1x256x128xf32, #tpu.memory_space<vmem>> -> memref<256x128xf32, #tpu.memory_space<vmem>>
        %parallel_loop3A_252 = arith.index_cast %parallel_loop3A_176 : i32 to index
        %parallel_loop3A_253 = arith.constant 80 : index
        %parallel_loop3A_254 = tpu.vector_load %parallel_loop3A_251[%parallel_loop3A_252, %parallel_loop3A_253] {strides = array<i32>} : memref<256x128xf32, #tpu.memory_space<vmem>>, vector<1x16xf32>,
        %parallel_loop3A_255 = vector.shape_cast %parallel_loop3A_254 : vector<1x16xf32> to vector<16xf32>
        %parallel_loop3A_256 = vector.shape_cast %parallel_loop3A_247 : vector<16xf32> to vector<1x16xf32>
        tpu.vector_store %parallel_loop3A_251[%parallel_loop3A_252, %parallel_loop3A_253], %parallel_loop3A_256 {strides = array<i32>} : memref<256x128xf32, #tpu.memory_space<vmem>>, vector<1x16xf32>,
        %parallel_loop3A_257 = arith.index_cast %parallel_loop3A_178 : i32 to index
        %parallel_loop3A_258 = arith.constant 96 : index
        %parallel_loop3A_259 = tpu.vector_load %arg6[%parallel_loop3A_257, %parallel_loop3A_258] {strides = array<i32>} : memref<100x128xf32, #tpu.memory_space<vmem>>, vector<1x16xf32>,
        %parallel_loop3A_260 = vector.shape_cast %parallel_loop3A_259 : vector<1x16xf32> to vector<16xf32>
        %parallel_loop3A_261 = arith.constant 0 : i32
        %parallel_loop3A_262 = arith.constant 0 : i32
        %parallel_loop3A_263 = tpu.memref_slice %arg7[%parallel_loop3A_147, %parallel_loop3A_261, %parallel_loop3A_262] : memref<2x256x128xf32, #tpu.memory_space<vmem>> -> memref<1x256x128xf32, #tpu.memory_space<vmem>>
        %parallel_loop3A_264 = tpu.memref_squeeze %parallel_loop3A_263 : memref<1x256x128xf32, #tpu.memory_space<vmem>> -> memref<256x128xf32, #tpu.memory_space<vmem>>
        %parallel_loop3A_265 = arith.index_cast %parallel_loop3A_176 : i32 to index
        %parallel_loop3A_266 = arith.constant 96 : index
        %parallel_loop3A_267 = tpu.vector_load %parallel_loop3A_264[%parallel_loop3A_265, %parallel_loop3A_266] {strides = array<i32>} : memref<256x128xf32, #tpu.memory_space<vmem>>, vector<1x16xf32>,
        %parallel_loop3A_268 = vector.shape_cast %parallel_loop3A_267 : vector<1x16xf32> to vector<16xf32>
        %parallel_loop3A_269 = vector.shape_cast %parallel_loop3A_260 : vector<16xf32> to vector<1x16xf32>
        tpu.vector_store %parallel_loop3A_264[%parallel_loop3A_265, %parallel_loop3A_266], %parallel_loop3A_269 {strides = array<i32>} : memref<256x128xf32, #tpu.memory_space<vmem>>, vector<1x16xf32>,
        %parallel_loop3A_270 = arith.index_cast %parallel_loop3A_178 : i32 to index
        %parallel_loop3A_271 = arith.constant 112 : index
        %parallel_loop3A_272 = tpu.vector_load %arg6[%parallel_loop3A_270, %parallel_loop3A_271] {strides = array<i32>} : memref<100x128xf32, #tpu.memory_space<vmem>>, vector<1x16xf32>,
        %parallel_loop3A_273 = vector.shape_cast %parallel_loop3A_272 : vector<1x16xf32> to vector<16xf32>
        %parallel_loop3A_274 = arith.constant 0 : i32
        %parallel_loop3A_275 = arith.constant 0 : i32
        %parallel_loop3A_276 = tpu.memref_slice %arg7[%parallel_loop3A_147, %parallel_loop3A_274, %parallel_loop3A_275] : memref<2x256x128xf32, #tpu.memory_space<vmem>> -> memref<1x256x128xf32, #tpu.memory_space<vmem>>
        %parallel_loop3A_277 = tpu.memref_squeeze %parallel_loop3A_276 : memref<1x256x128xf32, #tpu.memory_space<vmem>> -> memref<256x128xf32, #tpu.memory_space<vmem>>
        %parallel_loop3A_278 = arith.index_cast %parallel_loop3A_176 : i32 to index
        %parallel_loop3A_279 = arith.constant 112 : index
        %parallel_loop3A_280 = tpu.vector_load %parallel_loop3A_277[%parallel_loop3A_278, %parallel_loop3A_279] {strides = array<i32>} : memref<256x128xf32, #tpu.memory_space<vmem>>, vector<1x16xf32>,
        %parallel_loop3A_281 = vector.shape_cast %parallel_loop3A_280 : vector<1x16xf32> to vector<16xf32>
        %parallel_loop3A_282 = vector.shape_cast %parallel_loop3A_273 : vector<16xf32> to vector<1x16xf32>
        tpu.vector_store %parallel_loop3A_277[%parallel_loop3A_278, %parallel_loop3A_279], %parallel_loop3A_282 {strides = array<i32>} : memref<256x128xf32, #tpu.memory_space<vmem>>, vector<1x16xf32>,
        %parallel_loop3A_283 = arith.constant 2 : i32
        %parallel_loop3A_284 = arith.muli %parallel_loop3A_164, %parallel_loop3A_283 : i32
        %parallel_loop3A_285 = arith.constant 1 : i32
        %parallel_loop3A_286 = arith.addi %parallel_loop3A_284, %parallel_loop3A_285 : i32
        %parallel_loop3A_287 = vector.extract_strided_slice %parallel_loop3A_172 {offsets = [1], sizes = [1], strides = [1]} : vector<2xi32> to vector<1xi32>
        %parallel_loop3A_288 = vector.extract %parallel_loop3A_287[0] : i32 from vector<1xi32>
        %parallel_loop3A_289 = arith.index_cast %parallel_loop3A_288 : i32 to index
        %parallel_loop3A_290 = arith.constant 0 : index
        %parallel_loop3A_291 = tpu.vector_load %arg6[%parallel_loop3A_289, %parallel_loop3A_290] {strides = array<i32>} : memref<100x128xf32, #tpu.memory_space<vmem>>, vector<1x16xf32>,
        %parallel_loop3A_292 = vector.shape_cast %parallel_loop3A_291 : vector<1x16xf32> to vector<16xf32>
        %parallel_loop3A_293 = arith.constant 0 : i32
        %parallel_loop3A_294 = arith.constant 0 : i32
        %parallel_loop3A_295 = tpu.memref_slice %arg7[%parallel_loop3A_147, %parallel_loop3A_293, %parallel_loop3A_294] : memref<2x256x128xf32, #tpu.memory_space<vmem>> -> memref<1x256x128xf32, #tpu.memory_space<vmem>>
        %parallel_loop3A_296 = tpu.memref_squeeze %parallel_loop3A_295 : memref<1x256x128xf32, #tpu.memory_space<vmem>> -> memref<256x128xf32, #tpu.memory_space<vmem>>
        %parallel_loop3A_297 = arith.index_cast %parallel_loop3A_286 : i32 to index
        %parallel_loop3A_298 = arith.constant 0 : index
        %parallel_loop3A_299 = tpu.vector_load %parallel_loop3A_296[%parallel_loop3A_297, %parallel_loop3A_298] {strides = array<i32>} : memref<256x128xf32, #tpu.memory_space<vmem>>, vector<1x16xf32>,
        %parallel_loop3A_300 = vector.shape_cast %parallel_loop3A_299 : vector<1x16xf32> to vector<16xf32>
        %parallel_loop3A_301 = vector.shape_cast %parallel_loop3A_292 : vector<16xf32> to vector<1x16xf32>
        tpu.vector_store %parallel_loop3A_296[%parallel_loop3A_297, %parallel_loop3A_298], %parallel_loop3A_301 {strides = array<i32>} : memref<256x128xf32, #tpu.memory_space<vmem>>, vector<1x16xf32>,
        %parallel_loop3A_302 = arith.index_cast %parallel_loop3A_288 : i32 to index
        %parallel_loop3A_303 = arith.constant 16 : index
        %parallel_loop3A_304 = tpu.vector_load %arg6[%parallel_loop3A_302, %parallel_loop3A_303] {strides = array<i32>} : memref<100x128xf32, #tpu.memory_space<vmem>>, vector<1x16xf32>,
        %parallel_loop3A_305 = vector.shape_cast %parallel_loop3A_304 : vector<1x16xf32> to vector<16xf32>
        %parallel_loop3A_306 = arith.constant 0 : i32
        %parallel_loop3A_307 = arith.constant 0 : i32
        %parallel_loop3A_308 = tpu.memref_slice %arg7[%parallel_loop3A_147, %parallel_loop3A_306, %parallel_loop3A_307] : memref<2x256x128xf32, #tpu.memory_space<vmem>> -> memref<1x256x128xf32, #tpu.memory_space<vmem>>
        %parallel_loop3A_309 = tpu.memref_squeeze %parallel_loop3A_308 : memref<1x256x128xf32, #tpu.memory_space<vmem>> -> memref<256x128xf32, #tpu.memory_space<vmem>>
        %parallel_loop3A_310 = arith.index_cast %parallel_loop3A_286 : i32 to index
        %parallel_loop3A_311 = arith.constant 16 : index
        %parallel_loop3A_312 = tpu.vector_load %parallel_loop3A_309[%parallel_loop3A_310, %parallel_loop3A_311] {strides = array<i32>} : memref<256x128xf32, #tpu.memory_space<vmem>>, vector<1x16xf32>,
        %parallel_loop3A_313 = vector.shape_cast %parallel_loop3A_312 : vector<1x16xf32> to vector<16xf32>
        %parallel_loop3A_314 = vector.shape_cast %parallel_loop3A_305 : vector<16xf32> to vector<1x16xf32>
        tpu.vector_store %parallel_loop3A_309[%parallel_loop3A_310, %parallel_loop3A_311], %parallel_loop3A_314 {strides = array<i32>} : memref<256x128xf32, #tpu.memory_space<vmem>>, vector<1x16xf32>,
        %parallel_loop3A_315 = arith.index_cast %parallel_loop3A_288 : i32 to index
        %parallel_loop3A_316 = arith.constant 32 : index
        %parallel_loop3A_317 = tpu.vector_load %arg6[%parallel_loop3A_315, %parallel_loop3A_316] {strides = array<i32>} : memref<100x128xf32, #tpu.memory_space<vmem>>, vector<1x16xf32>,
        %parallel_loop3A_318 = vector.shape_cast %parallel_loop3A_317 : vector<1x16xf32> to vector<16xf32>
        %parallel_loop3A_319 = arith.constant 0 : i32
        %parallel_loop3A_320 = arith.constant 0 : i32
        %parallel_loop3A_321 = tpu.memref_slice %arg7[%parallel_loop3A_147, %parallel_loop3A_319, %parallel_loop3A_320] : memref<2x256x128xf32, #tpu.memory_space<vmem>> -> memref<1x256x128xf32, #tpu.memory_space<vmem>>
        %parallel_loop3A_322 = tpu.memref_squeeze %parallel_loop3A_321 : memref<1x256x128xf32, #tpu.memory_space<vmem>> -> memref<256x128xf32, #tpu.memory_space<vmem>>
        %parallel_loop3A_323 = arith.index_cast %parallel_loop3A_286 : i32 to index
        %parallel_loop3A_324 = arith.constant 32 : index
        %parallel_loop3A_325 = tpu.vector_load %parallel_loop3A_322[%parallel_loop3A_323, %parallel_loop3A_324] {strides = array<i32>} : memref<256x128xf32, #tpu.memory_space<vmem>>, vector<1x16xf32>,
        %parallel_loop3A_326 = vector.shape_cast %parallel_loop3A_325 : vector<1x16xf32> to vector<16xf32>
        %parallel_loop3A_327 = vector.shape_cast %parallel_loop3A_318 : vector<16xf32> to vector<1x16xf32>
        tpu.vector_store %parallel_loop3A_322[%parallel_loop3A_323, %parallel_loop3A_324], %parallel_loop3A_327 {strides = array<i32>} : memref<256x128xf32, #tpu.memory_space<vmem>>, vector<1x16xf32>,
        %parallel_loop3A_328 = arith.index_cast %parallel_loop3A_288 : i32 to index
        %parallel_loop3A_329 = arith.constant 48 : index
        %parallel_loop3A_330 = tpu.vector_load %arg6[%parallel_loop3A_328, %parallel_loop3A_329] {strides = array<i32>} : memref<100x128xf32, #tpu.memory_space<vmem>>, vector<1x16xf32>,
        %parallel_loop3A_331 = vector.shape_cast %parallel_loop3A_330 : vector<1x16xf32> to vector<16xf32>
        %parallel_loop3A_332 = arith.constant 0 : i32
        %parallel_loop3A_333 = arith.constant 0 : i32
        %parallel_loop3A_334 = tpu.memref_slice %arg7[%parallel_loop3A_147, %parallel_loop3A_332, %parallel_loop3A_333] : memref<2x256x128xf32, #tpu.memory_space<vmem>> -> memref<1x256x128xf32, #tpu.memory_space<vmem>>
        %parallel_loop3A_335 = tpu.memref_squeeze %parallel_loop3A_334 : memref<1x256x128xf32, #tpu.memory_space<vmem>> -> memref<256x128xf32, #tpu.memory_space<vmem>>
        %parallel_loop3A_336 = arith.index_cast %parallel_loop3A_286 : i32 to index
        %parallel_loop3A_337 = arith.constant 48 : index
        %parallel_loop3A_338 = tpu.vector_load %parallel_loop3A_335[%parallel_loop3A_336, %parallel_loop3A_337] {strides = array<i32>} : memref<256x128xf32, #tpu.memory_space<vmem>>, vector<1x16xf32>,
        %parallel_loop3A_339 = vector.shape_cast %parallel_loop3A_338 : vector<1x16xf32> to vector<16xf32>
        %parallel_loop3A_340 = vector.shape_cast %parallel_loop3A_331 : vector<16xf32> to vector<1x16xf32>
        tpu.vector_store %parallel_loop3A_335[%parallel_loop3A_336, %parallel_loop3A_337], %parallel_loop3A_340 {strides = array<i32>} : memref<256x128xf32, #tpu.memory_space<vmem>>, vector<1x16xf32>,
        %parallel_loop3A_341 = arith.index_cast %parallel_loop3A_288 : i32 to index
        %parallel_loop3A_342 = arith.constant 64 : index
        %parallel_loop3A_343 = tpu.vector_load %arg6[%parallel_loop3A_341, %parallel_loop3A_342] {strides = array<i32>} : memref<100x128xf32, #tpu.memory_space<vmem>>, vector<1x16xf32>,
        %parallel_loop3A_344 = vector.shape_cast %parallel_loop3A_343 : vector<1x16xf32> to vector<16xf32>
        %parallel_loop3A_345 = arith.constant 0 : i32
        %parallel_loop3A_346 = arith.constant 0 : i32
        %parallel_loop3A_347 = tpu.memref_slice %arg7[%parallel_loop3A_147, %parallel_loop3A_345, %parallel_loop3A_346] : memref<2x256x128xf32, #tpu.memory_space<vmem>> -> memref<1x256x128xf32, #tpu.memory_space<vmem>>
        %parallel_loop3A_348 = tpu.memref_squeeze %parallel_loop3A_347 : memref<1x256x128xf32, #tpu.memory_space<vmem>> -> memref<256x128xf32, #tpu.memory_space<vmem>>
        %parallel_loop3A_349 = arith.index_cast %parallel_loop3A_286 : i32 to index
        %parallel_loop3A_350 = arith.constant 64 : index
        %parallel_loop3A_351 = tpu.vector_load %parallel_loop3A_348[%parallel_loop3A_349, %parallel_loop3A_350] {strides = array<i32>} : memref<256x128xf32, #tpu.memory_space<vmem>>, vector<1x16xf32>,
        %parallel_loop3A_352 = vector.shape_cast %parallel_loop3A_351 : vector<1x16xf32> to vector<16xf32>
        %parallel_loop3A_353 = vector.shape_cast %parallel_loop3A_344 : vector<16xf32> to vector<1x16xf32>
        tpu.vector_store %parallel_loop3A_348[%parallel_loop3A_349, %parallel_loop3A_350], %parallel_loop3A_353 {strides = array<i32>} : memref<256x128xf32, #tpu.memory_space<vmem>>, vector<1x16xf32>,
        %parallel_loop3A_354 = arith.index_cast %parallel_loop3A_288 : i32 to index
        %parallel_loop3A_355 = arith.constant 80 : index
        %parallel_loop3A_356 = tpu.vector_load %arg6[%parallel_loop3A_354, %parallel_loop3A_355] {strides = array<i32>} : memref<100x128xf32, #tpu.memory_space<vmem>>, vector<1x16xf32>,
        %parallel_loop3A_357 = vector.shape_cast %parallel_loop3A_356 : vector<1x16xf32> to vector<16xf32>
        %parallel_loop3A_358 = arith.constant 0 : i32
        %parallel_loop3A_359 = arith.constant 0 : i32
        %parallel_loop3A_360 = tpu.memref_slice %arg7[%parallel_loop3A_147, %parallel_loop3A_358, %parallel_loop3A_359] : memref<2x256x128xf32, #tpu.memory_space<vmem>> -> memref<1x256x128xf32, #tpu.memory_space<vmem>>
        %parallel_loop3A_361 = tpu.memref_squeeze %parallel_loop3A_360 : memref<1x256x128xf32, #tpu.memory_space<vmem>> -> memref<256x128xf32, #tpu.memory_space<vmem>>
        %parallel_loop3A_362 = arith.index_cast %parallel_loop3A_286 : i32 to index
        %parallel_loop3A_363 = arith.constant 80 : index
        %parallel_loop3A_364 = tpu.vector_load %parallel_loop3A_361[%parallel_loop3A_362, %parallel_loop3A_363] {strides = array<i32>} : memref<256x128xf32, #tpu.memory_space<vmem>>, vector<1x16xf32>,
        %parallel_loop3A_365 = vector.shape_cast %parallel_loop3A_364 : vector<1x16xf32> to vector<16xf32>
        %parallel_loop3A_366 = vector.shape_cast %parallel_loop3A_357 : vector<16xf32> to vector<1x16xf32>
        tpu.vector_store %parallel_loop3A_361[%parallel_loop3A_362, %parallel_loop3A_363], %parallel_loop3A_366 {strides = array<i32>} : memref<256x128xf32, #tpu.memory_space<vmem>>, vector<1x16xf32>,
        %parallel_loop3A_367 = arith.index_cast %parallel_loop3A_288 : i32 to index
        %parallel_loop3A_368 = arith.constant 96 : index
        %parallel_loop3A_369 = tpu.vector_load %arg6[%parallel_loop3A_367, %parallel_loop3A_368] {strides = array<i32>} : memref<100x128xf32, #tpu.memory_space<vmem>>, vector<1x16xf32>,
        %parallel_loop3A_370 = vector.shape_cast %parallel_loop3A_369 : vector<1x16xf32> to vector<16xf32>
        %parallel_loop3A_371 = arith.constant 0 : i32
        %parallel_loop3A_372 = arith.constant 0 : i32
        %parallel_loop3A_373 = tpu.memref_slice %arg7[%parallel_loop3A_147, %parallel_loop3A_371, %parallel_loop3A_372] : memref<2x256x128xf32, #tpu.memory_space<vmem>> -> memref<1x256x128xf32, #tpu.memory_space<vmem>>
        %parallel_loop3A_374 = tpu.memref_squeeze %parallel_loop3A_373 : memref<1x256x128xf32, #tpu.memory_space<vmem>> -> memref<256x128xf32, #tpu.memory_space<vmem>>
        %parallel_loop3A_375 = arith.index_cast %parallel_loop3A_286 : i32 to index
        %parallel_loop3A_376 = arith.constant 96 : index
        %parallel_loop3A_377 = tpu.vector_load %parallel_loop3A_374[%parallel_loop3A_375, %parallel_loop3A_376] {strides = array<i32>} : memref<256x128xf32, #tpu.memory_space<vmem>>, vector<1x16xf32>,
        %parallel_loop3A_378 = vector.shape_cast %parallel_loop3A_377 : vector<1x16xf32> to vector<16xf32>
        %parallel_loop3A_379 = vector.shape_cast %parallel_loop3A_370 : vector<16xf32> to vector<1x16xf32>
        tpu.vector_store %parallel_loop3A_374[%parallel_loop3A_375, %parallel_loop3A_376], %parallel_loop3A_379 {strides = array<i32>} : memref<256x128xf32, #tpu.memory_space<vmem>>, vector<1x16xf32>,
        %parallel_loop3A_380 = arith.index_cast %parallel_loop3A_288 : i32 to index
        %parallel_loop3A_381 = arith.constant 112 : index
        %parallel_loop3A_382 = tpu.vector_load %arg6[%parallel_loop3A_380, %parallel_loop3A_381] {strides = array<i32>} : memref<100x128xf32, #tpu.memory_space<vmem>>, vector<1x16xf32>,
        %parallel_loop3A_383 = vector.shape_cast %parallel_loop3A_382 : vector<1x16xf32> to vector<16xf32>
        %parallel_loop3A_384 = arith.constant 0 : i32
        %parallel_loop3A_385 = arith.constant 0 : i32
        %parallel_loop3A_386 = tpu.memref_slice %arg7[%parallel_loop3A_147, %parallel_loop3A_384, %parallel_loop3A_385] : memref<2x256x128xf32, #tpu.memory_space<vmem>> -> memref<1x256x128xf32, #tpu.memory_space<vmem>>
        %parallel_loop3A_387 = tpu.memref_squeeze %parallel_loop3A_386 : memref<1x256x128xf32, #tpu.memory_space<vmem>> -> memref<256x128xf32, #tpu.memory_space<vmem>>
        %parallel_loop3A_388 = arith.index_cast %parallel_loop3A_286 : i32 to index
        %parallel_loop3A_389 = arith.constant 112 : index
        %parallel_loop3A_390 = tpu.vector_load %parallel_loop3A_387[%parallel_loop3A_388, %parallel_loop3A_389] {strides = array<i32>} : memref<256x128xf32, #tpu.memory_space<vmem>>, vector<1x16xf32>,
        %parallel_loop3A_391 = vector.shape_cast %parallel_loop3A_390 : vector<1x16xf32> to vector<16xf32>
        %parallel_loop3A_392 = vector.shape_cast %parallel_loop3A_383 : vector<16xf32> to vector<1x16xf32>
        tpu.vector_store %parallel_loop3A_387[%parallel_loop3A_388, %parallel_loop3A_389], %parallel_loop3A_392 {strides = array<i32>} : memref<256x128xf32, #tpu.memory_space<vmem>>, vector<1x16xf32>,
      } {sc.loop_unroll_factor = 2 : i64, sc.parallel_access}
      %mul3A_148 = arith.constant 256 : i32
      %mul3A_149 = arith.muli %add3A_125, %mul3A_148 : i32
      %add3A_150 = arith.addi %mul3A_2, %mul3A_149 : i32
      %dma_start3A_151 = arith.constant 1 : i32
      %dma_start3A_152 = arith.constant 0 : i32
      %dma_start3A_153 = arith.constant 0 : i32
      %dma_start3A_154 = tpu.memref_slice %arg7[%dma_start3A_151, %dma_start3A_152, %dma_start3A_153] : memref<2x256x128xf32, #tpu.memory_space<vmem>> -> memref<1x256x128xf32, #tpu.memory_space<vmem>>
      %dma_start3A_155 = tpu.memref_squeeze %dma_start3A_154 : memref<1x256x128xf32, #tpu.memory_space<vmem>> -> memref<256x128xf32, #tpu.memory_space<vmem>>
      %dma_start3A_156 = arith.constant 0 : i32
      %dma_start3A_157 = tpu.memref_slice %arg4[%add3A_150, %dma_start3A_156] : memref<819200x128xf32, #tpu.memory_space<hbm>> -> memref<256x128xf32, #tpu.memory_space<hbm>>
      %dma_start3A_158 = arith.constant 0 : i32
      %dma_start3A_159 = tpu.memref_slice %arg4[%add3A_150, %dma_start3A_158] : memref<819200x128xf32, #tpu.memory_space<hbm>> -> memref<256x128xf32, #tpu.memory_space<hbm>>
      %dma_start3A_160 = arith.constant 0 : i32
      %dma_start3A_161 = arith.constant 0 : i32
      %dma_start3A_162 = tpu.memref_slice %arg7[%dma_start3A_151, %dma_start3A_160, %dma_start3A_161] : memref<2x256x128xf32, #tpu.memory_space<vmem>> -> memref<1x256x128xf32, #tpu.memory_space<vmem>>
      %dma_start3A_163 = tpu.memref_squeeze %dma_start3A_162 : memref<1x256x128xf32, #tpu.memory_space<vmem>> -> memref<256x128xf32, #tpu.memory_space<vmem>>
      tpu.enqueue_dma source(%dma_start3A_163 : memref<256x128xf32, #tpu.memory_space<vmem>>) target(%dma_start3A_159 : memref<256x128xf32, #tpu.memory_space<hbm>>) target_semaphore(%arg9 : memref<!tpu.dma_semaphore, #tpu.memory_space<semaphore_mem>>)
    }
    %scan3A_42 = arith.constant 49 : i32
    %add3A_43 = arith.constant 25088 : i32
    %add3A_44 = arith.addi %mul3A_2, %add3A_43 : i32
    %dma_wait3A = arith.constant 0 : i32
    %dma_wait3A_45 = arith.constant 0 : i32
    %dma_wait3A_46 = arith.constant 0 : i32
    %dma_wait3A_47 = tpu.memref_slice %arg7[%dma_wait3A, %dma_wait3A_45, %dma_wait3A_46] : memref<2x256x128xf32, #tpu.memory_space<vmem>> -> memref<1x256x128xf32, #tpu.memory_space<vmem>>
    %dma_wait3A_48 = tpu.memref_squeeze %dma_wait3A_47 : memref<1x256x128xf32, #tpu.memory_space<vmem>> -> memref<256x128xf32, #tpu.memory_space<vmem>>
    %dma_wait3A_49 = arith.constant 0 : i32
    %dma_wait3A_50 = tpu.memref_slice %arg4[%add3A_44, %dma_wait3A_49] : memref<819200x128xf32, #tpu.memory_space<hbm>> -> memref<256x128xf32, #tpu.memory_space<hbm>>
    %dma_wait3A_51 = arith.constant 0 : i32
    %dma_wait3A_52 = tpu.memref_slice %arg4[%add3A_44, %dma_wait3A_51] : memref<819200x128xf32, #tpu.memory_space<hbm>> -> memref<256x128xf32, #tpu.memory_space<hbm>>
    %dma_wait3A_53 = arith.constant 0 : i32
    %dma_wait3A_54 = arith.constant 0 : i32
    %dma_wait3A_55 = tpu.memref_slice %arg7[%dma_wait3A, %dma_wait3A_53, %dma_wait3A_54] : memref<2x256x128xf32, #tpu.memory_space<vmem>> -> memref<1x256x128xf32, #tpu.memory_space<vmem>>
    %dma_wait3A_56 = tpu.memref_squeeze %dma_wait3A_55 : memref<1x256x128xf32, #tpu.memory_space<vmem>> -> memref<256x128xf32, #tpu.memory_space<vmem>>
    tpu.wait_dma2 semaphore(%arg8 : memref<!tpu.dma_semaphore, #tpu.memory_space<semaphore_mem>>) src(%dma_wait3A_56 : memref<256x128xf32, #tpu.memory_space<vmem>>) dst(%dma_wait3A_52 : memref<256x128xf32, #tpu.memory_space<hbm>>)
    %add3A_57 = arith.constant 25344 : i32
    %add3A_58 = arith.addi %mul3A_2, %add3A_57 : i32
    %dma_wait3A_59 = arith.constant 1 : i32
    %dma_wait3A_60 = arith.constant 0 : i32
    %dma_wait3A_61 = arith.constant 0 : i32
    %dma_wait3A_62 = tpu.memref_slice %arg7[%dma_wait3A_59, %dma_wait3A_60, %dma_wait3A_61] : memref<2x256x128xf32, #tpu.memory_space<vmem>> -> memref<1x256x128xf32, #tpu.memory_space<vmem>>
    %dma_wait3A_63 = tpu.memref_squeeze %dma_wait3A_62 : memref<1x256x128xf32, #tpu.memory_space<vmem>> -> memref<256x128xf32, #tpu.memory_space<vmem>>
    %dma_wait3A_64 = arith.constant 0 : i32
    %dma_wait3A_65 = tpu.memref_slice %arg4[%add3A_58, %dma_wait3A_64] : memref<819200x128xf32, #tpu.memory_space<hbm>> -> memref<256x128xf32, #tpu.memory_space<hbm>>
    %dma_wait3A_66 = arith.constant 0 : i32
    %dma_wait3A_67 = tpu.memref_slice %arg4[%add3A_58, %dma_wait3A_66] : memref<819200x128xf32, #tpu.memory_space<hbm>> -> memref<256x128xf32, #tpu.memory_space<hbm>>
    %dma_wait3A_68 = arith.constant 0 : i32
    %dma_wait3A_69 = arith.constant 0 : i32
    %dma_wait3A_70 = tpu.memref_slice %arg7[%dma_wait3A_59, %dma_wait3A_68, %dma_wait3A_69] : memref<2x256x128xf32, #tpu.memory_space<vmem>> -> memref<1x256x128xf32, #tpu.memory_space<vmem>>
    %dma_wait3A_71 = tpu.memref_squeeze %dma_wait3A_70 : memref<1x256x128xf32, #tpu.memory_space<vmem>> -> memref<256x128xf32, #tpu.memory_space<vmem>>
    tpu.wait_dma2 semaphore(%arg9 : memref<!tpu.dma_semaphore, #tpu.memory_space<semaphore_mem>>) src(%dma_wait3A_71 : memref<256x128xf32, #tpu.memory_space<vmem>>) dst(%dma_wait3A_67 : memref<256x128xf32, #tpu.memory_space<hbm>>)
    return
  }
}

</mosaic_0001>

<sc_bundles>
// kernel: kernel.3.cloned.1.call-start
scs
__scs_entry_jumppad:
0x0: {  	(pc) =	sbr.rel $0x88, $3  }
0x1: {  	(tag) =	ssettag $0x0;
	lr =	simm.s32 $0x1  }
0x2: {  	[smem:$0x3F9F] =	sst lr;
	_ =	strace $0xD0000000  }
0x3: {  	_ = 	snop  }
0x4: {  	_ = 	snop  }
0x5: {  	_ = 	snop  }
0x6: {  	_ = 	snop  }
0x7: {  	_ = 	snop  }
__scs_overlays_trampoline_lowered:
0x8: {  	[smem:$0x3FAE] =	sst s0  }
0x9: {  	[smem:$0x3FAF] =	sst s1  }
0xa: {  	[smem:$0x3FB0] =	sst s2  }
0xb: {  	[smem:$0x3FB1] =	sst s3  }
0xc: {  	[smem:$0x3FB2] =	sst s4  }
0xd: {  	[smem:$0x3FB3] =	sst s5  }
0xe: {  	[smem:$0x3FB4] =	sst s6  }
0xf: {  	[smem:$0x3FB5] =	sst s7  }
0x10: {  	[smem:$0x3FB6] =	sst s8  }
0x11: {  	[smem:$0x3FB7] =	sst s9;
	s0 =	simm.s32 @!p0 $0x0  }
0x12: {  	s1 =	sld [smem:$0x3F9D];
	s0 =	simm.s32 @p0 $0x1  }
0x13: {  	[smem:$0x3FB8] =	sst s0;
	s0 =	simm.s32 @!p1 $0x0  }
0x14: {  	s2 =	sld [smem:$0x3F9C];
	s0 =	simm.s32 @p1 $0x1  }
0x15: {  	[smem:$0x3FB9] =	sst s0;
	s0 =	simm.s32 @!p2 $0x0  }
0x16: {  	s3 =	sld [smem:$0x3FDB];
	s0 =	simm.s32 @p2 $0x1  }
0x17: {  	s4 =	simm.s32 $0x1BF5;
	[smem:$0x3FBB] =	sst s0  }
0x18: {  	s0 =	sld [smem:$0x3F9E];
	_ =	swait.ge [sflag:s4], $0x0  }
0x19: {  	s7 =	sld [smem:$0x3F9F]  }
0x1a: {  	s8 =	sadd.s32 $0xFFFFE003, lr  }
0x1b: {  	s9 =	sadd.s32 $0xFFFFFEF7, lr;
	s5 =	simm.s32 $0xFFFFFFFF;
	p2 =	slt.u32 s8, $0xFFFFF086  }
0x1c: {  	p1 =	slt.u32 s9, $0xF7A;
	s5 =	simm.s32 @!p2 $0x0  }
0x1d: {  	s5 =	simm.s32 @p1 $0x1;
	p0 =	seq.s32 s7, s2  }
0x1e: {  	s7 =	smul.u32 @!p0 $0xF7A, s2;
	p2 =	seq.s32 @!p0 s5, $0x0  }
0x1f: {  	s9 =	smul.u32 $0xF7A, s1;
	s8 =	simm.s32 @!p0 $0x1BF5;
	p2 =	por !p2, p0  }
0x20: {  	[sflag:s8] =	ssyncset.s32 @!p0 $0xFFFFF086;
	s6 =	sadd.s32 @!p0 s3, s7;
	s7 =	simm.s32 @!p0 $0x108  }
0x21: {  	s3 =	sadd.s32 s3, s9;
	s6 =	sadd.s32 @!p0 $0x88, s6;
	s7 =	simm.s32 @p2 $0x1082  }
0x22: {  	[simem:s7], [sflag:s8] =	dma.local @!p0 [hbm:s6], $0xF7A  }
0x23: {  	s9 =	sor.u32 $0xD0000000, s2;
	s6 =	simm.s32 $0x108;
	_ =	swait.ge @!p0 [sflag:s8], $0x0  }
0x24: {  	s3 =	sadd.s32 $0x88, s3;
	s6 =	simm.s32 @!p1 $0x1082;
	[sflag:s4] =	ssyncset.s32 $0xFFFFF086  }
0x25: {  	[simem:s6], [sflag:s4] =	dma.local [hbm:s3], $0xF7A  }
0x26: {  	[smem:$0x3F9F] =	sst s1;
	(tag) =	ssettag s2;
	_ =	strace s9  }
0x27: {  	s1 =	sld [smem:$0x3FAF]  }
0x28: {  	s2 =	sld [smem:$0x3FB0]  }
0x29: {  	s4 =	sld [smem:$0x3FB2]  }
0x2a: {  	p0 =	seq.s32 s5, $0x0;
	s5 =	sld [smem:$0x3FB3]  }
0x2b: {  	s6 =	sld [smem:$0x3FB4]  }
0x2c: {  	s7 =	sld [smem:$0x3FB5]  }
0x2d: {  	s3 =	simm.s32 $0x108;
	s8 =	sld [smem:$0x3FB6]  }
0x2e: {  	s3 =	simm.s32 @!p0 $0x1082;
	s9 =	sld [smem:$0x3FB7]  }
0x2f: {  	lr =	sadd.s32 s0, s3;
	s0 =	sld [smem:$0x3FAE]  }
0x30: {  	s3 =	sld [smem:$0x3FB1]  }
0x31: {  	[smem:$0x3FBA] =	sst s10  }
0x32: {  	s10 =	sld [smem:$0x3FB8];
	_ =	sdelay $0x3  }
0x33: {  	p0 =	seq.s32 s10, $0x1;
	s10 =	sld [smem:$0x3FBA];
	_ =	sdelay $0x3  }
0x34: {  	[smem:$0x3FBA] =	sst s10  }
0x35: {  	s10 =	sld [smem:$0x3FB9];
	_ =	sdelay $0x3  }
0x36: {  	p1 =	seq.s32 s10, $0x1;
	s10 =	sld [smem:$0x3FBA];
	_ =	sdelay $0x3  }
0x37: {  	[smem:$0x3FBA] =	sst s10  }
0x38: {  	s10 =	sld [smem:$0x3FBB]  }
0x39: {  	_ = 	snop;
	(pc) =	sbr.ind lr, $3  }
0x3a: {  	_ = 	snop  }
0x3b: {  	_ = 	snop  }
0x3c: {  	p2 =	seq.s32 s10, $0x1;
	s10 =	sld [smem:$0x3FBA]  }
0x3d: {  	_ =	shalt  }
0x3e: {  	_ =	shalt  }
0x3f: {  	_ =	shalt  }
0x40: {  	_ =	shalt  }
0x41: {  	_ =	shalt  }
0x42: {  	_ =	shalt  }
0x43: {  	_ =	shalt  }
0x44: {  	_ =	shalt  }
0x45: {  	_ =	shalt  }
0x46: {  	_ =	shalt  }
0x47: {  	_ =	shalt  }
0x48: {  	_ =	shalt  }
0x49: {  	_ =	shalt  }
0x4a: {  	_ =	shalt  }
0x4b: {  	_ =	shalt  }
0x4c: {  	_ =	shalt  }
0x4d: {  	_ =	shalt  }
0x4e: {  	_ =	shalt  }
0x4f: {  	_ =	shalt  }
0x50: {  	_ =	shalt  }
0x51: {  	_ =	shalt  }
0x52: {  	_ =	shalt  }
0x53: {  	_ =	shalt  }
0x54: {  	_ =	shalt  }
0x55: {  	_ =	shalt  }
0x56: {  	_ =	shalt  }
0x57: {  	_ =	shalt  }
0x58: {  	_ =	shalt  }
0x59: {  	_ =	shalt  }
0x5a: {  	_ =	shalt  }
0x5b: {  	_ =	shalt  }
0x5c: {  	_ =	shalt  }
0x5d: {  	_ =	shalt  }
0x5e: {  	_ =	shalt  }
0x5f: {  	_ =	shalt  }
0x60: {  	_ =	shalt  }
0x61: {  	_ =	shalt  }
0x62: {  	_ =	shalt  }
0x63: {  	_ =	shalt  }
0x64: {  	_ =	shalt  }
0x65: {  	_ =	shalt  }
0x66: {  	_ =	shalt  }
0x67: {  	_ =	shalt  }
0x68: {  	_ =	shalt  }
0x69: {  	_ =	shalt  }
0x6a: {  	_ =	shalt  }
0x6b: {  	_ =	shalt  }
0x6c: {  	_ =	shalt  }
0x6d: {  	_ =	shalt  }
0x6e: {  	_ =	shalt  }
0x6f: {  	_ =	shalt  }
0x70: {  	_ =	shalt  }
0x71: {  	_ =	shalt  }
0x72: {  	_ =	shalt  }
0x73: {  	_ =	shalt  }
0x74: {  	_ =	shalt  }
0x75: {  	_ =	shalt  }
0x76: {  	_ =	shalt  }
0x77: {  	_ =	shalt  }
0x78: {  	_ =	shalt  }
0x79: {  	_ =	shalt  }
0x7a: {  	_ =	shalt  }
0x7b: {  	_ =	shalt  }
0x7c: {  	_ =	shalt  }
0x7d: {  	_ =	shalt  }
0x7e: {  	_ =	shalt  }
0x7f: {  	_ =	shalt  }
0x80: {  	_ =	shalt  }
0x81: {  	_ =	shalt  }
0x82: {  	_ =	shalt  }
0x83: {  	_ =	shalt  }
0x84: {  	_ =	shalt  }
0x85: {  	_ =	shalt  }
0x86: {  	_ =	shalt  }
0x87: {  	_ =	shalt  }
.Lfunc_end0:
.L_simem_size_0:
called_computation_lowered:
.L_overlay_start_0:
0x88: {  	s2 =	sld [smem:$0x3FD9]  }
0x89: {  	s3 =	sld [smem:$0x3FFE];
	_ =	sdelay $0x1  }
0x8a: {  	s1 =	srdreg.scid  }
0x8b: {  	s0 =	sand.u32 $0x1, s1  }
0x8c: {  	s17 =	sshll.u32 s0, $0xA;
	s2 =	sadd.s32 s3, s2  }
0x8d: {  	s2 =	sadd.s32 s2, s17  }
0x8e: {  	[smem:$0x3FC6] =	sst s2  }
0x8f: {  	_ = 	snop  }
0x90: {  	s2 =	sld [smem:$0x3FC8]  }
0x91: {  	s18 =	sld [smem:$0x3FD0];
	(tm) =	ssettm $0x1  }
0x92: {  	s4 =	sld [smem:$0x3FFB];
	_ =	sdelay $0x3  }
0x93: {  	_ =	strace s4  }
0x94: {  	s4 =	sld [smem:$0x3FFC];
	_ =	sdelay $0x3  }
0x95: {  	_ =	strace s4  }
0x96: {  	s4 =	sld [smem:$0x3FFD];
	_ =	sdelay $0x3  }
0x97: {  	_ =	strace s4  }
0x98: {  	_ =	strace $0x8FFFFFFF  }
0x99: {  	s19 =	sld [smem:$0x3FDB];
	_ =	sdelay $0x1  }
0x9a: {  	s5 =	simm.s32 $_scs_section_size  }
0x9b: {  	s6 =	simm.s32 $_size__tile_overlayer_lowered;
	s7 =	simm.s32 $_tile_overlayer_lowered  }
0x9c: {  	s22 =	simm.s32 $0x1BFF;
	s21 =	sshll.u32 s7, $0x1;
	s4 =	sadd.s32 s5, s19  }
0x9d: {  	s8 =	simm.s32 $0x0;
	s20 =	sshll.u32 s6, $0x1;
	s6 =	sadd.s32 s21, s4  }
0x9e: {  	[timem:s8], [sflag:s22] =	dma.local [hbm:s6], s20  }
0x9f: {  	_ =	swait.ge [sflag:s22], s20  }
0xa0: {  	s5 =	ssub.s32 $0x0, s20;
	[sflag:s22] =	ssyncset.done $0x0  }
0xa1: {  	[sflag:s22] =	ssyncadd.s32 s5;
	_ =	sdelay $0x1  }
0xa2: {  	s23 =	simm.s32 $0x1B8B  }
0xa3: {  	_ =	swait.ge [sflag:s23], $0x1  }
0xa4: {  	[sflag:s23] =	ssyncset.done $0x0  }
0xa5: {  	s25 =	simm.s32 $0x1B8E;
	s24 =	sld [smem:$0x3FFE];
	[sflag:s23] =	ssyncadd.s32 $0xFFFFFFFF  }
0xa6: {  	s26 =	simm.s32 $execute0_lowered;
	[smem:$0x3FD2] =	sst s25  }
0xa7: {  	s6 =	sshll.u32 s26, $0x1;
	_ =	strace $0x80000046;
	[dreg:$0x1] =	wrdreg $0xFFFFFFFF  }
0xa8: {  	s28 =	simm.s32 $_size_execute0_lowered;
	s4 =	sadd.s32 s4, s6;
	[dreg:$0x0] =	wrdreg $0x0  }
0xa9: {  	s6 =	sshll.u32 s28, $0x1;
	[dreg:$0x2] =	wrdreg s4  }
0xaa: {  	[dreg:$0x3] =	wrdreg s6  }
0xab: {  	[dreg:$0x4] =	wrdreg $0xC0  }
0xac: {  	_ =	task [dreg:s8], $0x5FFFF  }
0xad: {  	[dreg:$0x1] =	wrdreg $0xFFFFFFFF  }
0xae: {  	[dreg:$0x0] =	wrdreg $0x60  }
0xaf: {  	[dreg:$0x2] =	wrdreg s24  }
0xb0: {  	[dreg:$0x3] =	wrdreg s2  }
0xb1: {  	[dreg:$0x4] =	wrdreg s18  }
0xb2: {  	[dreg:$0x5] =	wrdreg $0x9  }
0xb3: {  	_ =	task.clear_ibuf [dreg:s8], $0x6FFFF;
	_ =	strace $0x90000046  }
0xb4: {  	s29 =	simm.s32 $0x9;
	_ =	strace $0x80000048  }
0xb5: {  	_ =	swait.ge [sflag:s29], $0x1  }
0xb6: {  	[sflag:s29] =	ssyncadd.s32 $0xFFFFFFFF  }
0xb7: {  	_ =	strace $0x90000048  }
0xb8: {  	_ =	sfence  }
0xb9: {  	s30 =	sld [smem:$0x0];
	_ =	sdelay $0x2  }
0xba: {  	s31 =	sshll.u32 s1, $0xD;
	s1 =	sshrl.u32 s1, $0x2  }
0xbb: {  	s3 =	sand.u32 $0x4000, s31;
	s1 =	sadd.s32 s1, s30  }
0xbc: {  	s0 =	sor.u32 s3, s0;
	s1 =	sshll.u32 s1, $0x11  }
0xbd: {  	s0 =	sor.u32 s1, s0  }
0xbe: {  	s0 =	sadd.s32 $0x8F2B, s0  }
0xbf: {  	[sflag:s0] =	ssyncadd.remote.s32 $0x1  }
0xc0: {  	_ =	sfence.sel $0xFFFF  }
0xc1: {  	[dreg:$0x0] =	wrdreg $0xFFFFFFFF;
	(pc) =	sbr.abs _section_cstart, $3  }
0xc2: {  	[dreg:$0x1] =	wrdreg $0xFFFFFFFF  }
0xc3: {  	_ =	task.clear_ibuf [dreg:s8], $0x2FFFF;
	_ =	strace $0x9FFFFFFF  }
0xc4: {  	(tm) =	ssettm $0x7FFFFFFF  }
0xc5: {  	_ =	shalt  }
tec
execute0_lowered:
.L_overlay_start_1:
0x0: {  	(tag) =	ssettag $0x1  }
0x1: {  	s1 =	srdreg.scid;
	s2 =	stileid.u32  }
0x2: {  	s0 =	rddreg [dreg:$0x0];
	s1 =	sand.u32 $0x1, s1;
	s2 =	sshll.u32 s2, $0x1  }
0x3: {  	s3 =	rddreg [dreg:$0x2];
	s2 =	sor.u32 s1, s2  }
0x4: {  	s4 =	simm.s32 $0x0;
	s1 =	ssub.s32 $0x2, s1;
	s6 =	smul.u32 $0x64000, s2  }
0x5: {  	[smem:$0x7FF] =	sst s4;
	s5 =	smul.u32 $0xC80, s2;
	s29 =	sshrl.u32 s1, $0x1  }
0x6: {  	_ =	strace $0x80000047;
	s1 =	ssub.s32 s1, s29;
	s6 =	sadd.s32 s3, s6  }
0x7: {  	s0 =	sadd.s32 s5, s0;
	s31 =	smax.u32 s1, $0x1;
	[dreg:$0x4] =	wrdreg s6  }
0x8: {  	s14 =	simm.s32 $0x1;
	s0 =	sadd.s32 $0x400, s0;
	[dreg:$0x7] =	wrdreg s31  }
0x9: {  	s10 =	simm.s32 $0x2;
	s30 =	sadd.s32 $0x1000, s6;
	[dreg:$0x5] =	wrdreg s0  }
0xa: {  	s8 =	smul.u32 $0x320000, s2;
	s1 =	simm.s32 $0x0;
	[dreg:$0x6] =	wrdreg s30  }
.LBB2_1:
0xb: {  	[dreg:$0x8] =	wrdreg s1  }
0xc: {  	s0 =	rddreg [dreg:$0x1];
	s23 =	simm.s32 $0x6400;
	s24 =	simm.s32 $0x3  }
0xd: {  	[tilespmem:s23], [sflag:$0x3] =	stream.linear.gather [hbm4b:s0+s4], $0x3200, $0x38;
	[tilespmem:$0x19800] =	vst v63  }
0xe: {  	_ =	swait.ge [sflag:s24], $0x3200  }
0xf: {  	[sflag:s24] =	ssyncset.done $0x0  }
0x10: {  	s25 =	rddreg [dreg:$0x5];
	[sflag:s24] =	ssyncadd.s32 $0xFFFFCE00  }
0x11: {  	[tilespmem:s4], [sflag:$0x3] =	stream.linear.gather [hbm4b:s25+s4], $0x6400, $0x38;
	[tilespmem:$0x19800] =	vst v63  }
0x12: {  	_ =	swait.ge [sflag:s24], $0x6400  }
0x13: {  	[sflag:s24] =	ssyncset.done $0x0  }
0x14: {  	[sflag:s24] =	ssyncadd.s32 $0xFFFF9C00  }
0x15: {  	v0 =	vld.msk [tilespmem:s10+$0xFFFFFFFE], $0x3;
	_ =	sdelay $0x4  }
0x16: {  	v0 =	vshll.u32 v0, $0x9  }
0x17: {  	v0 =	vshra.s32 v0, $0x2  }
0x18: {  	(v2sf) =	vpush v0, $0x0;
	_ =	sdelay $0xe  }
0x19: {  	s26 =	spop (v2sf)  }
0x1a: {  	v1 =	vld [tilespmem:s26+$0x6400];
	_ =	sdelay $0x3  }
0x1b: {  	s17 =	simm.s32 $0x9900;
	s2 =	simm.s32 $0x6  }
0x1c: {  	v2 =	vld.msk [tilespmem:s2+$0xFFFFFFFE], $0x3;
	[tilespmem:s17+$0xFFFFFF00] =	vst v1  }
0x1d: {  	v1 =	vld [tilespmem:s26+$0x6410];
	_ =	sdelay $0x3  }
0x1e: {  	v2 =	vshll.u32 v2, $0x9  }
0x1f: {  	v2 =	vshra.s32 v2, $0x2;
	[tilespmem:s17+$0xFFFFFF10] =	vst v1  }
0x20: {  	(v2sf) =	vpush v2, $0x0;
	v1 =	vld [tilespmem:s26+$0x6420];
	_ =	sdelay $0x4  }
0x21: {  	[tilespmem:s17+$0xFFFFFF20] =	vst v1  }
0x22: {  	v1 =	vld [tilespmem:s26+$0x6430];
	_ =	sdelay $0x4  }
0x23: {  	[tilespmem:s17+$0xFFFFFF30] =	vst v1  }
0x24: {  	v1 =	vld [tilespmem:s26+$0x6440];
	_ =	sdelay $0x2  }
0x25: {  	s5 =	spop (v2sf)  }
0x26: {  	(v2sf) =	vpush v0, $0x1;
	v0 =	vld [tilespmem:s5+$0x6400]  }
0x27: {  	[tilespmem:s17+$0xFFFFFF40] =	vst v1  }
0x28: {  	v1 =	vld [tilespmem:s26+$0x6450];
	_ =	sdelay $0x1  }
0x29: {  	s18 =	simm.s32 $0x9B00  }
0x2a: {  	[tilespmem:s18+$0xFFFFFF00] =	vst v0  }
0x2b: {  	v0 =	vld [tilespmem:s5+$0x6410]  }
0x2c: {  	[tilespmem:s17+$0xFFFFFF50] =	vst v1  }
0x2d: {  	v1 =	vld [tilespmem:s26+$0x6460];
	_ =	sdelay $0x2  }
0x2e: {  	[tilespmem:s18+$0xFFFFFF10] =	vst v0  }
0x2f: {  	v0 =	vld [tilespmem:s5+$0x6420]  }
0x30: {  	[tilespmem:s17+$0xFFFFFF60] =	vst v1  }
0x31: {  	v1 =	vld [tilespmem:s26+$0x6470];
	_ =	sdelay $0x2  }
0x32: {  	[tilespmem:s18+$0xFFFFFF20] =	vst v0  }
0x33: {  	s28 =	simm.s32 $0xA;
	v0 =	vld [tilespmem:s5+$0x6430]  }
0x34: {  	v3 =	vld.msk [tilespmem:s28+$0xFFFFFFFE], $0x3;
	s6 =	spop (v2sf);
	[tilespmem:s17+$0xFFFFFF70] =	vst v1  }
0x35: {  	v1 =	vld [tilespmem:s6+$0x6400];
	_ =	sdelay $0x2  }
0x36: {  	[tilespmem:s18+$0xFFFFFF30] =	vst v0  }
0x37: {  	v0 =	vld [tilespmem:s5+$0x6440]  }
0x38: {  	v3 =	vshll.u32 v3, $0x9;
	[tilespmem:s17+$0xFFFFFF80] =	vst v1  }
0x39: {  	v1 =	vshra.s32 v3, $0x2;
	v3 =	vld [tilespmem:s6+$0x6410]  }
0x3a: {  	(v2sf) =	vpush v1, $0x0;
	_ =	sdelay $0x1  }
0x3b: {  	[tilespmem:s18+$0xFFFFFF40] =	vst v0  }
0x3c: {  	v0 =	vld [tilespmem:s5+$0x6450]  }
0x3d: {  	[tilespmem:s17+$0xFFFFFF90] =	vst v3  }
0x3e: {  	(v2sf) =	vpush v2, $0x1;
	v3 =	vld [tilespmem:s6+$0x6420];
	_ =	sdelay $0x2  }
0x3f: {  	[tilespmem:s18+$0xFFFFFF50] =	vst v0  }
0x40: {  	v0 =	vld [tilespmem:s5+$0x6460]  }
0x41: {  	[tilespmem:s17+$0xFFFFFFA0] =	vst v3  }
0x42: {  	v2 =	vld [tilespmem:s6+$0x6430];
	_ =	sdelay $0x2  }
0x43: {  	[tilespmem:s18+$0xFFFFFF60] =	vst v0  }
0x44: {  	v0 =	vld [tilespmem:s5+$0x6470];
	s7 =	spop (v2sf)  }
0x45: {  	v3 =	vld [tilespmem:s7+$0x6400];
	[tilespmem:s17+$0xFFFFFFB0] =	vst v2  }
0x46: {  	v2 =	vld [tilespmem:s6+$0x6440];
	_ =	sdelay $0x1  }
0x47: {  	s0 =	simm.s32 $0xE  }
0x48: {  	s19 =	simm.s32 $0x9D00;
	v4 =	vld.msk [tilespmem:s0+$0xFFFFFFFE], $0x3;
	[tilespmem:s18+$0xFFFFFF70] =	vst v0;
	s9 =	spop (v2sf)  }
0x49: {  	v0 =	vld [tilespmem:s9+$0x6400];
	[tilespmem:s19+$0xFFFFFF00] =	vst v3  }
0x4a: {  	v3 =	vld [tilespmem:s7+$0x6410];
	[tilespmem:s17+$0xFFFFFFC0] =	vst v2  }
0x4b: {  	v2 =	vld [tilespmem:s6+$0x6450];
	_ =	sdelay $0x2  }
0x4c: {  	[tilespmem:s18+$0xFFFFFF80] =	vst v0  }
0x4d: {  	v0 =	vld [tilespmem:s9+$0x6410];
	[tilespmem:s19+$0xFFFFFF10] =	vst v3  }
0x4e: {  	[tilespmem:s17+$0xFFFFFFD0] =	vst v2;
	v2 =	vshll.u32 v4, $0x9;
	v4 =	vld [tilespmem:s7+$0x6420];
	_ =	sdelay $0x3  }
0x4f: {  	[tilespmem:s18+$0xFFFFFF90] =	vst v0;
	v3 =	vld [tilespmem:s6+$0x6460]  }
0x50: {  	v0 =	vld [tilespmem:s9+$0x6420];
	v2 =	vshra.s32 v2, $0x2;
	[tilespmem:s19+$0xFFFFFF20] =	vst v4  }
0x51: {  	(v2sf) =	vpush v2, $0x0;
	v4 =	vld [tilespmem:s7+$0x6430];
	_ =	sdelay $0x2  }
0x52: {  	[tilespmem:s17+$0xFFFFFFE0] =	vst v3  }
0x53: {  	[tilespmem:s18+$0xFFFFFFA0] =	vst v0;
	v3 =	vld [tilespmem:s6+$0x6470]  }
0x54: {  	v0 =	vld [tilespmem:s9+$0x6430];
	[tilespmem:s19+$0xFFFFFF30] =	vst v4  }
0x55: {  	v4 =	vld [tilespmem:s7+$0x6440];
	_ =	sdelay $0x2  }
0x56: {  	[tilespmem:s17+$0xFFFFFFF0] =	vst v3  }
0x57: {  	(v2sf) =	vpush v1, $0x1;
	[tilespmem:s18+$0xFFFFFFB0] =	vst v0;
	v3 =	vld.msk [tilespmem:s10+$0x0], $0x3  }
0x58: {  	v0 =	vld [tilespmem:s9+$0x6440];
	[tilespmem:s19+$0xFFFFFF40] =	vst v4  }
0x59: {  	v4 =	vld [tilespmem:s7+$0x6450];
	_ =	sdelay $0x1  }
0x5a: {  	s10 =	simm.s32 $0x12  }
0x5b: {  	v5 =	vld.msk [tilespmem:s10+$0xFFFFFFFE], $0x3;
	s29 =	spop (v2sf);
	v3 =	vshll.u32 v3, $0x9  }
0x5c: {  	[tilespmem:s18+$0xFFFFFFC0] =	vst v0;
	v1 =	vld [tilespmem:s29+$0x6400];
	v3 =	vshra.s32 v3, $0x2  }
0x5d: {  	v0 =	vld [tilespmem:s9+$0x6450];
	(v2sf) =	vpush v3, $0x0;
	[tilespmem:s19+$0xFFFFFF50] =	vst v4  }
0x5e: {  	v4 =	vld [tilespmem:s7+$0x6460];
	_ =	sdelay $0x1  }
0x5f: {  	s20 =	simm.s32 $0x9F00  }
0x60: {  	[tilespmem:s20+$0xFFFFFF00] =	vst v1  }
0x61: {  	[tilespmem:s18+$0xFFFFFFD0] =	vst v0;
	v1 =	vld [tilespmem:s29+$0x6410]  }
0x62: {  	v0 =	vshll.u32 v5, $0x9;
	[tilespmem:s19+$0xFFFFFF60] =	vst v4  }
0x63: {  	v7 =	vshra.s32 v0, $0x2;
	v4 =	vld [tilespmem:s7+$0x6470]  }
0x64: {  	s30 =	spop (v2sf);
	(v2sf) =	vpush v7, $0x0;
	_ =	sdelay $0x1  }
0x65: {  	[tilespmem:s20+$0xFFFFFF10] =	vst v1  }
0x66: {  	v1 =	vld [tilespmem:s29+$0x6420]  }
0x67: {  	[tilespmem:s19+$0xFFFFFF70] =	vst v4  }
0x68: {  	v4 =	vld [tilespmem:s30+$0x6400]  }
0x69: {  	v5 =	vld [tilespmem:s9+$0x6460]  }
0x6a: {  	s11 =	spop (v2sf)  }
0x6b: {  	[tilespmem:s20+$0xFFFFFF20] =	vst v1;
	v0 =	vld [tilespmem:s11+$0x6400]  }
0x6c: {  	v1 =	vld [tilespmem:s29+$0x6430]  }
0x6d: {  	[tilespmem:s19+$0xFFFFFF80] =	vst v4  }
0x6e: {  	[tilespmem:s18+$0xFFFFFFE0] =	vst v5;
	v4 =	vld [tilespmem:s30+$0x6410]  }
0x6f: {  	v5 =	vld [tilespmem:s9+$0x6470]  }
0x70: {  	[tilespmem:s17+$0x0] =	vst v0  }
0x71: {  	[tilespmem:s20+$0xFFFFFF30] =	vst v1;
	v0 =	vld [tilespmem:s11+$0x6410]  }
0x72: {  	s31 =	spop (v2sf);
	v1 =	vld [tilespmem:s29+$0x6440]  }
0x73: {  	(v2sf) =	vpush v2, $0x1;
	v2 =	vld [tilespmem:s31+$0x6400];
	[tilespmem:s19+$0xFFFFFF90] =	vst v4  }
0x74: {  	[tilespmem:s18+$0xFFFFFFF0] =	vst v5;
	v6 =	vld [tilespmem:s30+$0x6420]  }
0x75: {  	v5 =	vld.msk [tilespmem:s2+$0x0], $0x3  }
0x76: {  	[tilespmem:s17+$0x10] =	vst v0  }
0x77: {  	s21 =	simm.s32 $0xA100;
	[tilespmem:s20+$0xFFFFFF40] =	vst v1;
	v1 =	vld [tilespmem:s11+$0x6420]  }
0x78: {  	[tilespmem:s21+$0xFFFFFF00] =	vst v2;
	v4 =	vld [tilespmem:s29+$0x6450]  }
0x79: {  	v2 =	vld [tilespmem:s31+$0x6410];
	[tilespmem:s19+$0xFFFFFFA0] =	vst v6  }
0x7a: {  	v0 =	vshll.u32 v5, $0x9;
	v5 =	vld [tilespmem:s30+$0x6430];
	_ =	sdelay $0x1  }
0x7b: {  	v0 =	vshra.s32 v0, $0x2;
	[tilespmem:s17+$0x20] =	vst v1  }
0x7c: {  	(v2sf) =	vpush v0, $0x0;
	[tilespmem:s20+$0xFFFFFF50] =	vst v4;
	v1 =	vld [tilespmem:s11+$0x6430]  }
0x7d: {  	[tilespmem:s21+$0xFFFFFF10] =	vst v2;
	v4 =	vld [tilespmem:s29+$0x6460]  }
0x7e: {  	v2 =	vld [tilespmem:s31+$0x6420];
	[tilespmem:s19+$0xFFFFFFB0] =	vst v5  }
0x7f: {  	v5 =	vld [tilespmem:s30+$0x6440];
	_ =	sdelay $0x1  }
0x80: {  	[tilespmem:s17+$0x30] =	vst v1  }
0x81: {  	[tilespmem:s20+$0xFFFFFF60] =	vst v4;
	v1 =	vld [tilespmem:s11+$0x6440]  }
0x82: {  	[tilespmem:s21+$0xFFFFFF20] =	vst v2;
	v4 =	vld [tilespmem:s29+$0x6470]  }
0x83: {  	s7 =	spop (v2sf);
	(v2sf) =	vpush v3, $0x1;
	v3 =	vld [tilespmem:s31+$0x6430];
	[tilespmem:s19+$0xFFFFFFC0] =	vst v5  }
0x84: {  	s6 =	simm.s32 $0x16;
	v8 =	vld [tilespmem:s30+$0x6450]  }
0x85: {  	v6 =	vld.msk [tilespmem:s6+$0xFFFFFFFE], $0x3  }
0x86: {  	[tilespmem:s17+$0x40] =	vst v1  }
0x87: {  	[tilespmem:s20+$0xFFFFFF70] =	vst v4;
	v4 =	vld [tilespmem:s11+$0x6450]  }
0x88: {  	[tilespmem:s21+$0xFFFFFF30] =	vst v3;
	v5 =	vld [tilespmem:s7+$0x6400]  }
0x89: {  	v3 =	vld [tilespmem:s31+$0x6440];
	[tilespmem:s19+$0xFFFFFFD0] =	vst v8  }
0x8a: {  	s2 =	spop (v2sf);
	v1 =	vshll.u32 v6, $0x9;
	v6 =	vld [tilespmem:s30+$0x6460]  }
0x8b: {  	v2 =	vld [tilespmem:s2+$0x6400];
	v1 =	vshra.s32 v1, $0x2  }
0x8c: {  	(v2sf) =	vpush v1, $0x0;
	[tilespmem:s17+$0x50] =	vst v4  }
0x8d: {  	[tilespmem:s20+$0xFFFFFF80] =	vst v5;
	v4 =	vld [tilespmem:s11+$0x6460]  }
0x8e: {  	[tilespmem:s21+$0xFFFFFF40] =	vst v3;
	v5 =	vld [tilespmem:s7+$0x6410]  }
0x8f: {  	v3 =	vld [tilespmem:s31+$0x6450];
	[tilespmem:s19+$0xFFFFFFE0] =	vst v6  }
0x90: {  	[tilespmem:s18+$0x0] =	vst v2;
	v6 =	vld [tilespmem:s30+$0x6470]  }
0x91: {  	v2 =	vld [tilespmem:s2+$0x6410]  }
0x92: {  	[tilespmem:s17+$0x60] =	vst v4  }
0x93: {  	[tilespmem:s20+$0xFFFFFF90] =	vst v5;
	v4 =	vld [tilespmem:s11+$0x6470]  }
0x94: {  	[tilespmem:s21+$0xFFFFFF50] =	vst v3;
	v5 =	vld [tilespmem:s7+$0x6420]  }
0x95: {  	v3 =	vld [tilespmem:s31+$0x6460];
	[tilespmem:s19+$0xFFFFFFF0] =	vst v6  }
0x96: {  	[tilespmem:s18+$0x10] =	vst v2;
	v8 =	vld.msk [tilespmem:s28+$0x0], $0x3  }
0x97: {  	v2 =	vld [tilespmem:s2+$0x6420]  }
0x98: {  	s22 =	spop (v2sf);
	[tilespmem:s17+$0x70] =	vst v4  }
0x99: {  	[tilespmem:s20+$0xFFFFFFA0] =	vst v5;
	v4 =	vld [tilespmem:s22+$0x6400]  }
0x9a: {  	(v2sf) =	vpush v7, $0x1;
	v5 =	vld [tilespmem:s7+$0x6430]  }
0x9b: {  	s5 =	spop (v2sf);
	[tilespmem:s21+$0xFFFFFF60] =	vst v3;
	v3 =	vshll.u32 v8, $0x9  }
0x9c: {  	[tilespmem:s18+$0x20] =	vst v2;
	v6 =	vld [tilespmem:s5+$0x6400];
	v3 =	vshra.s32 v3, $0x2  }
0x9d: {  	v2 =	vld [tilespmem:s2+$0x6430];
	(v2sf) =	vpush v3, $0x0  }
0x9e: {  	[tilespmem:s17+$0x80] =	vst v4  }
0x9f: {  	[tilespmem:s20+$0xFFFFFFB0] =	vst v5;
	v4 =	vld [tilespmem:s22+$0x6410]  }
0xa0: {  	s1 =	simm.s32 $0xA300;
	v5 =	vld [tilespmem:s7+$0x6440]  }
0xa1: {  	[tilespmem:s1+$0xFFFFFF00] =	vst v6  }
0xa2: {  	[tilespmem:s18+$0x30] =	vst v2;
	v6 =	vld [tilespmem:s5+$0x6410]  }
0xa3: {  	v2 =	vld [tilespmem:s2+$0x6440]  }
0xa4: {  	[tilespmem:s17+$0x90] =	vst v4;
	v4 =	vld [tilespmem:s31+$0x6470]  }
0xa5: {  	[tilespmem:s20+$0xFFFFFFC0] =	vst v5;
	v5 =	vld [tilespmem:s22+$0x6420]  }
0xa6: {  	s9 =	simm.s32 $0xA;
	s11 =	simm.s32 $0x1A;
	v7 =	vld [tilespmem:s7+$0x6450]  }
.LBB2_2:
0xa7: {  	v8 =	vld.msk [tilespmem:s11+$0xFFFFFFFE], $0x3;
	s9 =	sadd.s32 $0x2, s9;
	[tilespmem:s1+$0xFFFFFF10] =	vst v6;
	s15 =	smov.u32 s19;
	s19 =	smov.u32 s20  }
0xa8: {  	s20 =	smov.u32 s21;
	s21 =	smov.u32 s1;
	p0 =	slt.u32 s9, $0x7E;
	v6 =	vld [tilespmem:s5+$0x6420];
	[tilespmem:s18+$0x40] =	vst v2  }
0xa9: {  	[tilespmem:s20+$0xFFFFFF70] =	vst v4;
	s16 =	spop (v2sf);
	v2 =	vld [tilespmem:s2+$0x6450]  }
0xaa: {  	v4 =	vld [tilespmem:s16+$0x6400];
	[tilespmem:s17+$0xA0] =	vst v5  }
0xab: {  	[tilespmem:s19+$0xFFFFFFD0] =	vst v7;
	(v2sf) =	vpush v0, $0x1;
	v5 =	vld [tilespmem:s22+$0x6430];
	v0 =	vmov v3  }
0xac: {  	v3 =	vshll.u32 v8, $0x9;
	v7 =	vld [tilespmem:s7+$0x6460];
	s23 =	spop (v2sf)  }
0xad: {  	v3 =	vshra.s32 v3, $0x2;
	[tilespmem:s1+$0xFFFFFF20] =	vst v6;
	v6 =	vld [tilespmem:s23+$0x6400]  }
0xae: {  	(v2sf) =	vpush v3, $0x0;
	v8 =	vld [tilespmem:s5+$0x6430];
	[tilespmem:s18+$0x50] =	vst v2  }
0xaf: {  	[tilespmem:s20+$0xFFFFFF80] =	vst v4;
	v2 =	vld [tilespmem:s2+$0x6460]  }
0xb0: {  	v4 =	vld [tilespmem:s16+$0x6410];
	[tilespmem:s17+$0xB0] =	vst v5  }
0xb1: {  	[tilespmem:s19+$0xFFFFFFE0] =	vst v7;
	v5 =	vld [tilespmem:s22+$0x6440]  }
0xb2: {  	v7 =	vld [tilespmem:s7+$0x6470];
	[tilespmem:s15+$0x0] =	vst v6;
	s7 =	smov.u32 s16  }
0xb3: {  	[tilespmem:s1+$0xFFFFFF30] =	vst v8;
	v6 =	vld [tilespmem:s23+$0x6410]  }
0xb4: {  	v8 =	vld [tilespmem:s5+$0x6440];
	[tilespmem:s18+$0x60] =	vst v2  }
0xb5: {  	[tilespmem:s20+$0xFFFFFF90] =	vst v4;
	v2 =	vld [tilespmem:s2+$0x6470];
	s2 =	smov.u32 s23  }
0xb6: {  	v4 =	vld [tilespmem:s7+$0x6420];
	[tilespmem:s17+$0xC0] =	vst v5  }
0xb7: {  	[tilespmem:s19+$0xFFFFFFF0] =	vst v7;
	v5 =	vld [tilespmem:s22+$0x6450]  }
0xb8: {  	v7 =	vld.msk [tilespmem:s0+$0x0], $0x3;
	[tilespmem:s15+$0x10] =	vst v6;
	s0 =	smov.u32 s10;
	s10 =	smov.u32 s6;
	s6 =	smov.u32 s11  }
0xb9: {  	[tilespmem:s1+$0xFFFFFF40] =	vst v8;
	v6 =	vld [tilespmem:s2+$0x6420]  }
0xba: {  	v8 =	vld [tilespmem:s5+$0x6450];
	[tilespmem:s18+$0x70] =	vst v2;
	s16 =	spop (v2sf)  }
0xbb: {  	[tilespmem:s20+$0xFFFFFFA0] =	vst v4;
	v2 =	vld [tilespmem:s16+$0x6400]  }
0xbc: {  	(v2sf) =	vpush v1, $0x1;
	v4 =	vld [tilespmem:s7+$0x6430];
	[tilespmem:s17+$0xD0] =	vst v5;
	v1 =	vmov v3  }
0xbd: {  	s23 =	spop (v2sf);
	v3 =	vshll.u32 v7, $0x9;
	v5 =	vld [tilespmem:s22+$0x6460]  }
0xbe: {  	v7 =	vld [tilespmem:s23+$0x6400];
	v3 =	vshra.s32 v3, $0x2;
	[tilespmem:s15+$0x20] =	vst v6  }
0xbf: {  	[tilespmem:s1+$0xFFFFFF50] =	vst v8;
	(v2sf) =	vpush v3, $0x0;
	v8 =	vld [tilespmem:s2+$0x6430]  }
0xc0: {  	v9 =	vld [tilespmem:s5+$0x6460];
	[tilespmem:s18+$0x80] =	vst v2  }
0xc1: {  	[tilespmem:s20+$0xFFFFFFB0] =	vst v4;
	v10 =	vld [tilespmem:s16+$0x6410]  }
0xc2: {  	s1 =	sadd.s32 $0x200, s1;
	v11 =	vld [tilespmem:s7+$0x6440];
	[tilespmem:s17+$0xE0] =	vst v5  }
0xc3: {  	[tilespmem:s1+$0xFFFFFF00] =	vst v7;
	v12 =	vld [tilespmem:s22+$0x6470];
	s22 =	smov.u32 s16  }
.Ltmp0:
0xc4: {  	v6 =	vld [tilespmem:s23+$0x6410];
	[tilespmem:s15+$0x30] =	vst v8;
	(pc) =	sbr.rel @p0 .LBB2_2-.Ltmp0, $4  }
0xc5: {  	[tilespmem:s21+$0xFFFFFF60] =	vst v9;
	v2 =	vld [tilespmem:s2+$0x6440]  }
0xc6: {  	v4 =	vld [tilespmem:s5+$0x6470];
	[tilespmem:s18+$0x90] =	vst v10;
	s5 =	smov.u32 s23  }
0xc7: {  	[tilespmem:s20+$0xFFFFFFC0] =	vst v11;
	v5 =	vld [tilespmem:s22+$0x6420]  }
0xc8: {  	s11 =	sadd.s32 $0x4, s11;
	v7 =	vld [tilespmem:s7+$0x6450];
	[tilespmem:s17+$0xF0] =	vst v12;
	s17 =	smov.u32 s18;
	s18 =	smov.u32 s15  }
0xc9: {  	[tilespmem:s1+$0xFFFFFF10] =	vst v6  }
0xca: {  	v6 =	vld [tilespmem:s5+$0x6420];
	_ =	sdelay $0x4  }
0xcb: {  	[tilespmem:s1+$0xFFFFFF20] =	vst v6  }
0xcc: {  	[tilespmem:s18+$0x40] =	vst v2;
	v6 =	vld [tilespmem:s5+$0x6430]  }
0xcd: {  	[tilespmem:s21+$0xFFFFFF70] =	vst v4;
	s11 =	spop (v2sf);
	v4 =	vld [tilespmem:s2+$0x6450]  }
0xce: {  	v8 =	vld [tilespmem:s11+$0x6400];
	[tilespmem:s17+$0xA0] =	vst v5  }
0xcf: {  	[tilespmem:s20+$0xFFFFFFD0] =	vst v7;
	v2 =	vld [tilespmem:s22+$0x6430]  }
0xd0: {  	v5 =	vld [tilespmem:s7+$0x6460];
	s9 =	spop (v2sf)  }
0xd1: {  	(v2sf) =	vpush v0, $0x1;
	v0 =	vld [tilespmem:s9+$0x6400];
	[tilespmem:s1+$0xFFFFFF30] =	vst v6  }
0xd2: {  	v6 =	vld [tilespmem:s5+$0x6440];
	_ =	sdelay $0x4  }
0xd3: {  	[tilespmem:s1+$0xFFFFFF40] =	vst v6  }
0xd4: {  	v6 =	vld [tilespmem:s5+$0x6450];
	_ =	sdelay $0x1  }
0xd5: {  	(v2sf) =	vpush v1, $0x1;
	_ =	sdelay $0x2  }
0xd6: {  	[tilespmem:s1+$0xFFFFFF50] =	vst v6  }
0xd7: {  	v1 =	vld [tilespmem:s5+$0x6460];
	_ =	sdelay $0x4  }
0xd8: {  	[tilespmem:s1+$0xFFFFFF60] =	vst v1  }
0xd9: {  	v1 =	vld [tilespmem:s5+$0x6470];
	_ =	sdelay $0x3  }
0xda: {  	s31 =	spop (v2sf)  }
0xdb: {  	s15 =	spop (v2sf);
	[tilespmem:s1+$0xFFFFFF70] =	vst v1  }
0xdc: {  	v1 =	vld [tilespmem:s15+$0x6400];
	_ =	sdelay $0x2  }
0xdd: {  	[tilespmem:s21+$0xFFFFFF80] =	vst v8  }
0xde: {  	v6 =	vld [tilespmem:s11+$0x6410]  }
0xdf: {  	[tilespmem:s1+$0xFFFFFF80] =	vst v1  }
0xe0: {  	v1 =	vld [tilespmem:s15+$0x6410];
	_ =	sdelay $0x2  }
0xe1: {  	[tilespmem:s21+$0xFFFFFF90] =	vst v6  }
0xe2: {  	v6 =	vld [tilespmem:s11+$0x6420]  }
0xe3: {  	[tilespmem:s1+$0xFFFFFF90] =	vst v1  }
0xe4: {  	v1 =	vld [tilespmem:s15+$0x6420];
	_ =	sdelay $0x2  }
0xe5: {  	[tilespmem:s21+$0xFFFFFFA0] =	vst v6  }
0xe6: {  	v6 =	vld [tilespmem:s11+$0x6430]  }
0xe7: {  	[tilespmem:s1+$0xFFFFFFA0] =	vst v1  }
0xe8: {  	v1 =	vld [tilespmem:s15+$0x6430];
	_ =	sdelay $0x2  }
0xe9: {  	[tilespmem:s21+$0xFFFFFFB0] =	vst v6  }
0xea: {  	v6 =	vld [tilespmem:s11+$0x6440]  }
0xeb: {  	[tilespmem:s1+$0xFFFFFFB0] =	vst v1  }
0xec: {  	v1 =	vld [tilespmem:s15+$0x6440];
	_ =	sdelay $0x2  }
0xed: {  	[tilespmem:s21+$0xFFFFFFC0] =	vst v6  }
0xee: {  	v6 =	vld [tilespmem:s11+$0x6450]  }
0xef: {  	[tilespmem:s1+$0xFFFFFFC0] =	vst v1  }
0xf0: {  	v1 =	vld [tilespmem:s15+$0x6450];
	_ =	sdelay $0x2  }
0xf1: {  	[tilespmem:s21+$0xFFFFFFD0] =	vst v6  }
0xf2: {  	v6 =	vld [tilespmem:s11+$0x6460]  }
0xf3: {  	[tilespmem:s1+$0xFFFFFFD0] =	vst v1  }
0xf4: {  	v1 =	vld [tilespmem:s15+$0x6460]  }
0xf5: {  	[tilespmem:s20+$0xFFFFFFE0] =	vst v5  }
0xf6: {  	v5 =	vld [tilespmem:s7+$0x6470]  }
0xf7: {  	[tilespmem:s21+$0xFFFFFFE0] =	vst v6  }
0xf8: {  	v6 =	vld [tilespmem:s11+$0x6470]  }
0xf9: {  	[tilespmem:s1+$0xFFFFFFE0] =	vst v1  }
0xfa: {  	v1 =	vld [tilespmem:s15+$0x6470]  }
0xfb: {  	[tilespmem:s20+$0xFFFFFFF0] =	vst v5  }
0xfc: {  	v5 =	vld.msk [tilespmem:s0+$0x0], $0x3  }
0xfd: {  	[tilespmem:s21+$0xFFFFFFF0] =	vst v6  }
0xfe: {  	v6 =	vld.msk [tilespmem:s10+$0x0], $0x3  }
0xff: {  	[tilespmem:s1+$0xFFFFFFF0] =	vst v1  }
0x100: {  	v1 =	vld.msk [tilespmem:s6+$0x0], $0x3  }
0x101: {  	v5 =	vshll.u32 v5, $0x9  }
0x102: {  	v5 =	vshra.s32 v5, $0x2  }
0x103: {  	(v2sf) =	vpush v5, $0x0;
	v6 =	vshll.u32 v6, $0x9  }
0x104: {  	(v2sf) =	vpush v3, $0x1;
	v3 =	vshra.s32 v6, $0x2  }
0x105: {  	(v2sf) =	vpush v3, $0x0;
	v1 =	vshll.u32 v1, $0x9  }
0x106: {  	(v2sf) =	vpush v5, $0x1;
	v1 =	vshra.s32 v1, $0x2  }
0x107: {  	(v2sf) =	vpush v1, $0x0;
	_ =	sdelay $0xa  }
0x108: {  	s0 =	spop (v2sf)  }
0x109: {  	s6 =	spop (v2sf)  }
0x10a: {  	v5 =	vld [tilespmem:s0+$0x6400];
	s11 =	spop (v2sf)  }
0x10b: {  	s12 =	spop (v2sf);
	v6 =	vld [tilespmem:s11+$0x6400]  }
0x10c: {  	s13 =	spop (v2sf)  }
0x10d: {  	[tilespmem:s19+$0x0] =	vst v0;
	v7 =	vld [tilespmem:s13+$0x6400]  }
0x10e: {  	v0 =	vld [tilespmem:s9+$0x6410]  }
0x10f: {  	[tilespmem:s20+$0x0] =	vst v5  }
0x110: {  	v5 =	vld [tilespmem:s0+$0x6410];
	[tilespmem:s21+$0x0] =	vst v6  }
0x111: {  	v6 =	vld [tilespmem:s11+$0x6410]  }
0x112: {  	[tilespmem:s1+$0x0] =	vst v7  }
0x113: {  	[tilespmem:s19+$0x10] =	vst v0;
	v7 =	vld [tilespmem:s13+$0x6410]  }
0x114: {  	v0 =	vld [tilespmem:s9+$0x6420]  }
0x115: {  	[tilespmem:s20+$0x10] =	vst v5  }
0x116: {  	v5 =	vld [tilespmem:s0+$0x6420];
	[tilespmem:s21+$0x10] =	vst v6  }
0x117: {  	v6 =	vld [tilespmem:s11+$0x6420]  }
0x118: {  	[tilespmem:s1+$0x10] =	vst v7  }
0x119: {  	[tilespmem:s19+$0x20] =	vst v0;
	v7 =	vld [tilespmem:s13+$0x6420]  }
0x11a: {  	v0 =	vld [tilespmem:s9+$0x6430]  }
0x11b: {  	[tilespmem:s20+$0x20] =	vst v5  }
0x11c: {  	v5 =	vld [tilespmem:s0+$0x6430];
	[tilespmem:s21+$0x20] =	vst v6  }
0x11d: {  	v6 =	vld [tilespmem:s11+$0x6430]  }
0x11e: {  	[tilespmem:s1+$0x20] =	vst v7  }
0x11f: {  	[tilespmem:s19+$0x30] =	vst v0;
	v7 =	vld [tilespmem:s13+$0x6430]  }
0x120: {  	v0 =	vld [tilespmem:s9+$0x6440]  }
0x121: {  	[tilespmem:s20+$0x30] =	vst v5  }
0x122: {  	v5 =	vld [tilespmem:s0+$0x6440];
	[tilespmem:s21+$0x30] =	vst v6  }
0x123: {  	v6 =	vld [tilespmem:s11+$0x6440]  }
0x124: {  	[tilespmem:s1+$0x30] =	vst v7  }
0x125: {  	[tilespmem:s19+$0x40] =	vst v0;
	v7 =	vld [tilespmem:s13+$0x6440]  }
0x126: {  	v0 =	vld [tilespmem:s9+$0x6450]  }
0x127: {  	[tilespmem:s20+$0x40] =	vst v5  }
0x128: {  	v5 =	vld [tilespmem:s0+$0x6450];
	[tilespmem:s21+$0x40] =	vst v6  }
0x129: {  	v6 =	vld [tilespmem:s11+$0x6450]  }
0x12a: {  	[tilespmem:s1+$0x40] =	vst v7  }
0x12b: {  	[tilespmem:s19+$0x50] =	vst v0;
	(v2sf) =	vpush v3, $0x1;
	v7 =	vld [tilespmem:s13+$0x6450]  }
0x12c: {  	[tilespmem:s18+$0x50] =	vst v4;
	v0 =	vld [tilespmem:s9+$0x6460]  }
0x12d: {  	v3 =	vld [tilespmem:s2+$0x6460];
	(v2sf) =	vpush v1, $0x1;
	[tilespmem:s20+$0x50] =	vst v5  }
0x12e: {  	v1 =	vld [tilespmem:s0+$0x6460];
	[tilespmem:s21+$0x50] =	vst v6  }
0x12f: {  	v4 =	vld [tilespmem:s11+$0x6460]  }
0x130: {  	[tilespmem:s1+$0x50] =	vst v7  }
0x131: {  	[tilespmem:s19+$0x60] =	vst v0;
	v5 =	vld [tilespmem:s13+$0x6460]  }
0x132: {  	v0 =	vld [tilespmem:s9+$0x6470];
	[tilespmem:s18+$0x60] =	vst v3  }
0x133: {  	v3 =	vld [tilespmem:s2+$0x6470];
	[tilespmem:s20+$0x60] =	vst v1  }
0x134: {  	v1 =	vld [tilespmem:s0+$0x6470];
	[tilespmem:s21+$0x60] =	vst v4  }
0x135: {  	v4 =	vld [tilespmem:s11+$0x6470]  }
0x136: {  	[tilespmem:s1+$0x60] =	vst v5  }
0x137: {  	[tilespmem:s19+$0x70] =	vst v0;
	v5 =	vld [tilespmem:s13+$0x6470]  }
0x138: {  	v0 =	vld [tilespmem:s6+$0x6400];
	[tilespmem:s18+$0x70] =	vst v3  }
0x139: {  	v3 =	vld [tilespmem:s31+$0x6400];
	[tilespmem:s20+$0x70] =	vst v1  }
0x13a: {  	s15 =	spop (v2sf);
	v1 =	vld [tilespmem:s12+$0x6400];
	[tilespmem:s21+$0x70] =	vst v4  }
0x13b: {  	v4 =	vld [tilespmem:s15+$0x6400]  }
0x13c: {  	s16 =	spop (v2sf);
	[tilespmem:s1+$0x70] =	vst v5  }
0x13d: {  	[tilespmem:s19+$0x80] =	vst v0;
	v5 =	vld [tilespmem:s16+$0x6400]  }
0x13e: {  	v0 =	vld [tilespmem:s6+$0x6410];
	[tilespmem:s18+$0x80] =	vst v3  }
0x13f: {  	v3 =	vld [tilespmem:s31+$0x6410];
	[tilespmem:s20+$0x80] =	vst v1  }
0x140: {  	v1 =	vld [tilespmem:s12+$0x6410];
	[tilespmem:s21+$0x80] =	vst v4  }
0x141: {  	v4 =	vld [tilespmem:s15+$0x6410]  }
0x142: {  	[tilespmem:s1+$0x80] =	vst v5  }
0x143: {  	[tilespmem:s19+$0x90] =	vst v0;
	v5 =	vld [tilespmem:s16+$0x6410]  }
0x144: {  	v0 =	vld [tilespmem:s6+$0x6420];
	[tilespmem:s18+$0x90] =	vst v3  }
0x145: {  	v3 =	vld [tilespmem:s31+$0x6420];
	[tilespmem:s20+$0x90] =	vst v1  }
0x146: {  	v1 =	vld [tilespmem:s12+$0x6420];
	[tilespmem:s21+$0x90] =	vst v4  }
0x147: {  	v4 =	vld [tilespmem:s15+$0x6420]  }
0x148: {  	[tilespmem:s1+$0x90] =	vst v5  }
0x149: {  	[tilespmem:s19+$0xA0] =	vst v0;
	v5 =	vld [tilespmem:s16+$0x6420]  }
0x14a: {  	v0 =	vld [tilespmem:s6+$0x6430];
	[tilespmem:s18+$0xA0] =	vst v3  }
0x14b: {  	v3 =	vld [tilespmem:s31+$0x6430];
	[tilespmem:s20+$0xA0] =	vst v1  }
0x14c: {  	v1 =	vld [tilespmem:s12+$0x6430];
	[tilespmem:s21+$0xA0] =	vst v4  }
0x14d: {  	[tilespmem:s17+$0xB0] =	vst v2;
	v4 =	vld [tilespmem:s15+$0x6430]  }
0x14e: {  	[tilespmem:s1+$0xA0] =	vst v5  }
0x14f: {  	[tilespmem:s19+$0xB0] =	vst v0;
	v2 =	vld [tilespmem:s16+$0x6430]  }
0x150: {  	v0 =	vld [tilespmem:s6+$0x6440];
	[tilespmem:s18+$0xB0] =	vst v3  }
0x151: {  	v3 =	vld [tilespmem:s31+$0x6440];
	[tilespmem:s20+$0xB0] =	vst v1  }
0x152: {  	v1 =	vld [tilespmem:s12+$0x6440];
	[tilespmem:s21+$0xB0] =	vst v4  }
0x153: {  	v4 =	vld [tilespmem:s15+$0x6440]  }
0x154: {  	v5 =	vld [tilespmem:s22+$0x6440];
	[tilespmem:s1+$0xB0] =	vst v2  }
0x155: {  	[tilespmem:s19+$0xC0] =	vst v0;
	v2 =	vld [tilespmem:s16+$0x6440]  }
0x156: {  	v0 =	vld [tilespmem:s6+$0x6450];
	[tilespmem:s18+$0xC0] =	vst v3  }
0x157: {  	v3 =	vld [tilespmem:s31+$0x6450];
	[tilespmem:s20+$0xC0] =	vst v1  }
0x158: {  	v1 =	vld [tilespmem:s12+$0x6450];
	[tilespmem:s21+$0xC0] =	vst v4  }
0x159: {  	v4 =	vld [tilespmem:s15+$0x6450];
	[tilespmem:s17+$0xC0] =	vst v5  }
0x15a: {  	v5 =	vld [tilespmem:s22+$0x6450];
	[tilespmem:s1+$0xC0] =	vst v2  }
0x15b: {  	[tilespmem:s19+$0xD0] =	vst v0;
	v2 =	vld [tilespmem:s16+$0x6450]  }
0x15c: {  	v0 =	vld [tilespmem:s6+$0x6460];
	[tilespmem:s18+$0xD0] =	vst v3  }
0x15d: {  	v3 =	vld [tilespmem:s31+$0x6460];
	[tilespmem:s20+$0xD0] =	vst v1  }
0x15e: {  	v1 =	vld [tilespmem:s12+$0x6460];
	[tilespmem:s21+$0xD0] =	vst v4  }
0x15f: {  	v4 =	vld [tilespmem:s15+$0x6460];
	[tilespmem:s17+$0xD0] =	vst v5  }
0x160: {  	v5 =	vld [tilespmem:s22+$0x6460];
	[tilespmem:s1+$0xD0] =	vst v2  }
0x161: {  	[tilespmem:s19+$0xE0] =	vst v0;
	v2 =	vld [tilespmem:s16+$0x6460]  }
0x162: {  	v0 =	vld [tilespmem:s6+$0x6470];
	[tilespmem:s18+$0xE0] =	vst v3  }
0x163: {  	v3 =	vld [tilespmem:s31+$0x6470];
	[tilespmem:s20+$0xE0] =	vst v1  }
0x164: {  	v1 =	vld [tilespmem:s12+$0x6470];
	[tilespmem:s21+$0xE0] =	vst v4  }
0x165: {  	v4 =	vld [tilespmem:s15+$0x6470];
	[tilespmem:s17+$0xE0] =	vst v5  }
0x166: {  	v5 =	vld [tilespmem:s22+$0x6470];
	[tilespmem:s1+$0xE0] =	vst v2  }
0x167: {  	[tilespmem:s19+$0xF0] =	vst v0;
	v2 =	vld [tilespmem:s16+$0x6470]  }
0x168: {  	[tilespmem:s18+$0xF0] =	vst v3  }
0x169: {  	[tilespmem:s20+$0xF0] =	vst v1  }
0x16a: {  	[tilespmem:s21+$0xF0] =	vst v4  }
0x16b: {  	s21 =	simm.s32 $0x0;
	[tilespmem:s17+$0xF0] =	vst v5  }
0x16c: {  	s0 =	sand.u32 $0xFC, s21;
	[tilespmem:s1+$0xF0] =	vst v2  }
0x16d: {  	s0 =	sor.u32 $0x100, s0;
	s22 =	simm.s32 $0x9800;
	s1 =	rddreg [dreg:$0x4]  }
0x16e: {  	[hbm4b:s1+s21] =	stream.linear.scatter [tilespmem:s22], [sflag:$0x1], $0x8000, $0x38;
	[tilespmem:$0x19800] =	vst v63  }
0x16f: {  	v0 =	vld.msk [tilespmem:s0+$0x0], $0x3;
	_ =	sdelay $0x4  }
0x170: {  	v0 =	vshll.u32 v0, $0x9  }
0x171: {  	v0 =	vshra.s32 v0, $0x2  }
0x172: {  	(v2sf) =	vpush v0, $0x0;
	_ =	sdelay $0xe  }
0x173: {  	s23 =	spop (v2sf)  }
0x174: {  	v1 =	vld [tilespmem:s23+$0x6400];
	_ =	sdelay $0x3  }
0x175: {  	s19 =	simm.s32 $0x11800  }
0x176: {  	[tilespmem:s19+$0x0] =	vst v1  }
0x177: {  	s24 =	simm.s32 $0x4;
	v1 =	vld [tilespmem:s23+$0x6410]  }
0x178: {  	s1 =	sand.u32 $0xFC, s24  }
0x179: {  	s1 =	sor.u32 $0x100, s1  }
0x17a: {  	v2 =	vld.msk [tilespmem:s1+$0x0], $0x3;
	_ =	sdelay $0x1  }
0x17b: {  	[tilespmem:s19+$0x10] =	vst v1  }
0x17c: {  	v1 =	vld [tilespmem:s23+$0x6420];
	_ =	sdelay $0x1  }
0x17d: {  	v2 =	vshll.u32 v2, $0x9  }
0x17e: {  	v2 =	vshra.s32 v2, $0x2  }
0x17f: {  	(v2sf) =	vpush v2, $0x0  }
0x180: {  	[tilespmem:s19+$0x20] =	vst v1  }
0x181: {  	v1 =	vld [tilespmem:s23+$0x6430];
	_ =	sdelay $0x4  }
0x182: {  	[tilespmem:s19+$0x30] =	vst v1  }
0x183: {  	v1 =	vld [tilespmem:s23+$0x6440];
	_ =	sdelay $0x4  }
0x184: {  	[tilespmem:s19+$0x40] =	vst v1  }
0x185: {  	v1 =	vld [tilespmem:s23+$0x6450]  }
0x186: {  	s25 =	spop (v2sf)  }
0x187: {  	(v2sf) =	vpush v0, $0x1;
	v0 =	vld [tilespmem:s25+$0x6400];
	_ =	sdelay $0x2  }
0x188: {  	[tilespmem:s19+$0x50] =	vst v1  }
0x189: {  	s17 =	simm.s32 $0x11A00;
	v1 =	vld [tilespmem:s23+$0x6460]  }
0x18a: {  	[tilespmem:s17+$0x0] =	vst v0  }
0x18b: {  	s26 =	simm.s32 $0x8;
	v0 =	vld [tilespmem:s25+$0x6410]  }
0x18c: {  	s28 =	sand.u32 $0xFC, s26  }
0x18d: {  	s0 =	sor.u32 $0x100, s28  }
0x18e: {  	v3 =	vld.msk [tilespmem:s0+$0x0], $0x3;
	[tilespmem:s19+$0x60] =	vst v1  }
0x18f: {  	v1 =	vld [tilespmem:s23+$0x6470]  }
0x190: {  	[tilespmem:s17+$0x10] =	vst v0  }
0x191: {  	v0 =	vld [tilespmem:s25+$0x6420];
	_ =	sdelay $0x1  }
0x192: {  	v3 =	vshll.u32 v3, $0x9  }
0x193: {  	v3 =	vshra.s32 v3, $0x2;
	s29 =	spop (v2sf);
	[tilespmem:s19+$0x70] =	vst v1  }
0x194: {  	(v2sf) =	vpush v3, $0x0;
	v1 =	vld [tilespmem:s29+$0x6400]  }
0x195: {  	[tilespmem:s17+$0x20] =	vst v0  }
0x196: {  	v0 =	vld [tilespmem:s25+$0x6430];
	_ =	sdelay $0x2  }
0x197: {  	[tilespmem:s19+$0x80] =	vst v1  }
0x198: {  	v1 =	vld [tilespmem:s29+$0x6410]  }
0x199: {  	[tilespmem:s17+$0x30] =	vst v0  }
0x19a: {  	v0 =	vld [tilespmem:s25+$0x6440];
	_ =	sdelay $0x2  }
0x19b: {  	[tilespmem:s19+$0x90] =	vst v1  }
0x19c: {  	v1 =	vld [tilespmem:s29+$0x6420]  }
0x19d: {  	[tilespmem:s17+$0x40] =	vst v0  }
0x19e: {  	v0 =	vld [tilespmem:s25+$0x6450]  }
0x19f: {  	s30 =	spop (v2sf)  }
0x1a0: {  	(v2sf) =	vpush v2, $0x1;
	v2 =	vld [tilespmem:s30+$0x6400]  }
0x1a1: {  	[tilespmem:s19+$0xA0] =	vst v1  }
0x1a2: {  	v1 =	vld [tilespmem:s29+$0x6430]  }
0x1a3: {  	[tilespmem:s17+$0x50] =	vst v0  }
0x1a4: {  	s18 =	simm.s32 $0x11C00;
	v0 =	vld [tilespmem:s25+$0x6460]  }
0x1a5: {  	[tilespmem:s18+$0x0] =	vst v2  }
0x1a6: {  	v2 =	vld [tilespmem:s30+$0x6410]  }
0x1a7: {  	[tilespmem:s19+$0xB0] =	vst v1  }
0x1a8: {  	v1 =	vld [tilespmem:s29+$0x6440]  }
0x1a9: {  	[tilespmem:s17+$0x60] =	vst v0  }
0x1aa: {  	v0 =	vld [tilespmem:s25+$0x6470]  }
0x1ab: {  	[tilespmem:s18+$0x10] =	vst v2  }
0x1ac: {  	s31 =	simm.s32 $0xC;
	v2 =	vld [tilespmem:s30+$0x6420]  }
0x1ad: {  	s6 =	sand.u32 $0xFC, s31;
	[tilespmem:s19+$0xC0] =	vst v1  }
0x1ae: {  	s1 =	sor.u32 $0x100, s6;
	v1 =	vld [tilespmem:s29+$0x6450]  }
0x1af: {  	v4 =	vld.msk [tilespmem:s1+$0x0], $0x3;
	s7 =	spop (v2sf);
	[tilespmem:s17+$0x70] =	vst v0  }
0x1b0: {  	v0 =	vld [tilespmem:s7+$0x6400]  }
0x1b1: {  	[tilespmem:s18+$0x20] =	vst v2  }
0x1b2: {  	v2 =	vld [tilespmem:s30+$0x6430]  }
0x1b3: {  	[tilespmem:s19+$0xD0] =	vst v1  }
0x1b4: {  	v1 =	vshll.u32 v4, $0x9;
	v4 =	vld [tilespmem:s29+$0x6460]  }
0x1b5: {  	[tilespmem:s17+$0x80] =	vst v0;
	v1 =	vshra.s32 v1, $0x2  }
0x1b6: {  	v0 =	vld [tilespmem:s7+$0x6410];
	(v2sf) =	vpush v1, $0x0  }
0x1b7: {  	[tilespmem:s18+$0x30] =	vst v2  }
0x1b8: {  	v2 =	vld [tilespmem:s30+$0x6440]  }
0x1b9: {  	[tilespmem:s19+$0xE0] =	vst v4  }
0x1ba: {  	v4 =	vld [tilespmem:s29+$0x6470]  }
0x1bb: {  	[tilespmem:s17+$0x90] =	vst v0  }
0x1bc: {  	v0 =	vld [tilespmem:s7+$0x6420]  }
0x1bd: {  	[tilespmem:s18+$0x40] =	vst v2  }
0x1be: {  	v2 =	vld [tilespmem:s30+$0x6450]  }
0x1bf: {  	s9 =	simm.s32 $0x102;
	[tilespmem:s19+$0xF0] =	vst v4  }
0x1c0: {  	(v2sf) =	vpush v3, $0x1;
	v4 =	vld.msk [tilespmem:s9+$0x0], $0x3  }
0x1c1: {  	[tilespmem:s17+$0xA0] =	vst v0  }
0x1c2: {  	v0 =	vld [tilespmem:s7+$0x6430]  }
0x1c3: {  	[tilespmem:s18+$0x50] =	vst v2  }
0x1c4: {  	v2 =	vld [tilespmem:s30+$0x6460]  }
0x1c5: {  	s10 =	spop (v2sf);
	v3 =	vshll.u32 v4, $0x9  }
0x1c6: {  	v4 =	vld [tilespmem:s10+$0x6400];
	v3 =	vshra.s32 v3, $0x2  }
0x1c7: {  	[tilespmem:s17+$0xB0] =	vst v0;
	(v2sf) =	vpush v3, $0x0  }
0x1c8: {  	v0 =	vld [tilespmem:s7+$0x6440]  }
0x1c9: {  	[tilespmem:s18+$0x60] =	vst v2  }
0x1ca: {  	s20 =	simm.s32 $0x11E00;
	v2 =	vld [tilespmem:s30+$0x6470]  }
0x1cb: {  	[tilespmem:s20+$0x0] =	vst v4  }
0x1cc: {  	s11 =	simm.s32 $0x10;
	v4 =	vld [tilespmem:s10+$0x6410]  }
0x1cd: {  	s0 =	sand.u32 $0xFC, s11;
	[tilespmem:s17+$0xC0] =	vst v0  }
0x1ce: {  	s0 =	sor.u32 $0x100, s0;
	v0 =	vld [tilespmem:s7+$0x6450]  }
0x1cf: {  	v5 =	vld.msk [tilespmem:s0+$0x0], $0x3;
	[tilespmem:s18+$0x70] =	vst v2;
	s12 =	spop (v2sf)  }
0x1d0: {  	v2 =	vld [tilespmem:s12+$0x6400]  }
0x1d1: {  	[tilespmem:s20+$0x10] =	vst v4  }
0x1d2: {  	v4 =	vld [tilespmem:s10+$0x6420]  }
0x1d3: {  	[tilespmem:s17+$0xD0] =	vst v0  }
0x1d4: {  	v0 =	vshll.u32 v5, $0x9;
	v5 =	vld [tilespmem:s7+$0x6460]  }
0x1d5: {  	[tilespmem:s18+$0x80] =	vst v2  }
0x1d6: {  	v2 =	vld [tilespmem:s12+$0x6410];
	s13 =	spop (v2sf)  }
0x1d7: {  	v0 =	vshra.s32 v0, $0x2;
	[tilespmem:s20+$0x20] =	vst v4;
	v4 =	vld [tilespmem:s13+$0x6400]  }
0x1d8: {  	(v2sf) =	vpush v0, $0x0  }
0x1d9: {  	[tilespmem:s17+$0xE0] =	vst v5  }
0x1da: {  	v5 =	vld [tilespmem:s7+$0x6470]  }
0x1db: {  	[tilespmem:s18+$0x90] =	vst v2;
	v6 =	vld [tilespmem:s10+$0x6430]  }
0x1dc: {  	v2 =	vld [tilespmem:s12+$0x6420];
	[tilespmem:s19+$0x100] =	vst v4  }
0x1dd: {  	v4 =	vld [tilespmem:s13+$0x6410];
	_ =	sdelay $0x1  }
0x1de: {  	s15 =	simm.s32 $0x106;
	[tilespmem:s17+$0xF0] =	vst v5  }
0x1df: {  	v5 =	vld.msk [tilespmem:s15+$0x0], $0x3;
	[tilespmem:s20+$0x30] =	vst v6  }
0x1e0: {  	[tilespmem:s18+$0xA0] =	vst v2;
	v6 =	vld [tilespmem:s10+$0x6440]  }
0x1e1: {  	(v2sf) =	vpush v1, $0x1;
	v1 =	vld [tilespmem:s12+$0x6430];
	[tilespmem:s19+$0x110] =	vst v4  }
0x1e2: {  	v4 =	vld [tilespmem:s13+$0x6420];
	_ =	sdelay $0x1  }
0x1e3: {  	v2 =	vshll.u32 v5, $0x9  }
0x1e4: {  	v2 =	vshra.s32 v2, $0x2;
	[tilespmem:s20+$0x40] =	vst v6  }
0x1e5: {  	[tilespmem:s18+$0xB0] =	vst v1;
	v6 =	vld [tilespmem:s10+$0x6450];
	s16 =	spop (v2sf);
	(v2sf) =	vpush v2, $0x0  }
0x1e6: {  	s22 =	simm.s32 $0x14;
	v1 =	vld [tilespmem:s12+$0x6440];
	[tilespmem:s19+$0x120] =	vst v4  }
0x1e7: {  	s23 =	sand.u32 $0xFC, s22;
	v4 =	vld [tilespmem:s13+$0x6430]  }
0x1e8: {  	s1 =	sor.u32 $0x100, s23  }
0x1e9: {  	v7 =	vld.msk [tilespmem:s1+$0x0], $0x3  }
0x1ea: {  	v5 =	vld [tilespmem:s16+$0x6400];
	[tilespmem:s20+$0x50] =	vst v6  }
0x1eb: {  	[tilespmem:s18+$0xC0] =	vst v1;
	v6 =	vld [tilespmem:s10+$0x6460]  }
0x1ec: {  	v1 =	vld [tilespmem:s12+$0x6450];
	[tilespmem:s19+$0x130] =	vst v4  }
0x1ed: {  	v4 =	vld [tilespmem:s13+$0x6440]  }
0x1ee: {  	s21 =	simm.s32 $0x12000  }
0x1ef: {  	[tilespmem:s21+$0x0] =	vst v5  }
0x1f0: {  	v5 =	vld [tilespmem:s16+$0x6410];
	[tilespmem:s20+$0x60] =	vst v6  }
0x1f1: {  	[tilespmem:s18+$0xD0] =	vst v1;
	v6 =	vld [tilespmem:s10+$0x6470]  }
0x1f2: {  	s24 =	spop (v2sf);
	(v2sf) =	vpush v3, $0x1;
	v1 =	vshll.u32 v7, $0x9;
	v3 =	vld [tilespmem:s12+$0x6460];
	[tilespmem:s19+$0x140] =	vst v4  }
0x1f3: {  	v8 =	vshra.s32 v1, $0x2;
	v4 =	vld [tilespmem:s13+$0x6450]  }
0x1f4: {  	s25 =	spop (v2sf);
	(v2sf) =	vpush v8, $0x0  }
0x1f5: {  	[tilespmem:s21+$0x10] =	vst v5  }
0x1f6: {  	v5 =	vld [tilespmem:s16+$0x6420];
	[tilespmem:s20+$0x70] =	vst v6  }
0x1f7: {  	[tilespmem:s18+$0xE0] =	vst v3;
	v6 =	vld [tilespmem:s24+$0x6400]  }
0x1f8: {  	v3 =	vld [tilespmem:s12+$0x6470];
	[tilespmem:s19+$0x150] =	vst v4  }
0x1f9: {  	v4 =	vld [tilespmem:s13+$0x6460];
	_ =	sdelay $0x1  }
0x1fa: {  	v1 =	vld [tilespmem:s25+$0x6400];
	[tilespmem:s21+$0x20] =	vst v5  }
0x1fb: {  	v5 =	vld [tilespmem:s16+$0x6430];
	[tilespmem:s20+$0x80] =	vst v6  }
0x1fc: {  	s26 =	simm.s32 $0x10A;
	[tilespmem:s18+$0xF0] =	vst v3;
	v6 =	vld [tilespmem:s24+$0x6410]  }
0x1fd: {  	v3 =	vld.msk [tilespmem:s26+$0x0], $0x3;
	[tilespmem:s19+$0x160] =	vst v4  }
0x1fe: {  	v4 =	vld [tilespmem:s13+$0x6470]  }
0x1ff: {  	[tilespmem:s17+$0x100] =	vst v1  }
0x200: {  	v1 =	vld [tilespmem:s25+$0x6410];
	[tilespmem:s21+$0x30] =	vst v5  }
0x201: {  	s28 =	spop (v2sf);
	v5 =	vld [tilespmem:s16+$0x6440];
	[tilespmem:s20+$0x90] =	vst v6  }
0x202: {  	v6 =	vld [tilespmem:s24+$0x6420];
	s29 =	spop (v2sf)  }
0x203: {  	(v2sf) =	vpush v0, $0x1;
	v0 =	vshll.u32 v3, $0x9;
	v3 =	vld [tilespmem:s29+$0x6400];
	[tilespmem:s19+$0x170] =	vst v4  }
0x204: {  	v0 =	vshra.s32 v0, $0x2;
	v4 =	vld [tilespmem:s28+$0x6400]  }
0x205: {  	[tilespmem:s17+$0x110] =	vst v1;
	(v2sf) =	vpush v0, $0x0  }
0x206: {  	v1 =	vld [tilespmem:s25+$0x6420];
	[tilespmem:s21+$0x40] =	vst v5  }
0x207: {  	s22 =	simm.s32 $0x12200;
	v5 =	vld [tilespmem:s16+$0x6450];
	[tilespmem:s20+$0xA0] =	vst v6  }
0x208: {  	s30 =	simm.s32 $0x18;
	v6 =	vld [tilespmem:s24+$0x6430];
	[tilespmem:s22+$0x0] =	vst v3  }
0x209: {  	s31 =	sand.u32 $0xFC, s30;
	v3 =	vld [tilespmem:s29+$0x6410];
	[tilespmem:s19+$0x180] =	vst v4  }
0x20a: {  	s0 =	sor.u32 $0x100, s31;
	v4 =	vld [tilespmem:s28+$0x6410]  }
0x20b: {  	v7 =	vld.msk [tilespmem:s0+$0x0], $0x3;
	[tilespmem:s17+$0x120] =	vst v1  }
0x20c: {  	v1 =	vld [tilespmem:s25+$0x6430];
	[tilespmem:s21+$0x50] =	vst v5  }
0x20d: {  	v5 =	vld [tilespmem:s16+$0x6460];
	[tilespmem:s20+$0xB0] =	vst v6  }
0x20e: {  	v6 =	vld [tilespmem:s24+$0x6440];
	[tilespmem:s22+$0x10] =	vst v3  }
0x20f: {  	v3 =	vld [tilespmem:s29+$0x6420];
	[tilespmem:s19+$0x190] =	vst v4  }
0x210: {  	v4 =	vld [tilespmem:s28+$0x6420]  }
0x211: {  	[tilespmem:s17+$0x130] =	vst v1  }
0x212: {  	v1 =	vld [tilespmem:s25+$0x6440];
	[tilespmem:s21+$0x60] =	vst v5  }
0x213: {  	s2 =	spop (v2sf);
	v5 =	vld [tilespmem:s16+$0x6470];
	[tilespmem:s20+$0xC0] =	vst v6  }
0x214: {  	s0 =	spop (v2sf);
	v6 =	vld [tilespmem:s24+$0x6450];
	[tilespmem:s22+$0x20] =	vst v3  }
0x215: {  	(v2sf) =	vpush v2, $0x1;
	v2 =	vshll.u32 v7, $0x9;
	v3 =	vld [tilespmem:s0+$0x6400];
	[tilespmem:s19+$0x1A0] =	vst v4  }
0x216: {  	v2 =	vshra.s32 v2, $0x2;
	v4 =	vld [tilespmem:s28+$0x6430]  }
0x217: {  	[tilespmem:s17+$0x140] =	vst v1;
	(v2sf) =	vpush v2, $0x0  }
0x218: {  	v1 =	vld [tilespmem:s25+$0x6450];
	[tilespmem:s21+$0x70] =	vst v5  }
0x219: {  	v5 =	vld [tilespmem:s2+$0x6400];
	[tilespmem:s20+$0xD0] =	vst v6  }
0x21a: {  	v6 =	vld [tilespmem:s24+$0x6460];
	[tilespmem:s18+$0x100] =	vst v3  }
0x21b: {  	v3 =	vld [tilespmem:s0+$0x6410];
	[tilespmem:s19+$0x1B0] =	vst v4  }
0x21c: {  	v4 =	vld [tilespmem:s28+$0x6440]  }
0x21d: {  	v7 =	vld [tilespmem:s29+$0x6430];
	[tilespmem:s17+$0x150] =	vst v1  }
0x21e: {  	v1 =	vld [tilespmem:s25+$0x6460];
	[tilespmem:s21+$0x80] =	vst v5  }
0x21f: {  	v5 =	vld [tilespmem:s2+$0x6410];
	[tilespmem:s20+$0xE0] =	vst v6  }
0x220: {  	v6 =	vld [tilespmem:s24+$0x6470];
	[tilespmem:s18+$0x110] =	vst v3  }
0x221: {  	v3 =	vld [tilespmem:s0+$0x6420];
	[tilespmem:s19+$0x1C0] =	vst v4  }
0x222: {  	[tilespmem:s22+$0x30] =	vst v7;
	v4 =	vld [tilespmem:s28+$0x6450]  }
0x223: {  	v7 =	vld [tilespmem:s29+$0x6440];
	[tilespmem:s17+$0x160] =	vst v1  }
0x224: {  	v1 =	vld [tilespmem:s25+$0x6470];
	[tilespmem:s21+$0x90] =	vst v5  }
0x225: {  	s5 =	simm.s32 $0x10E;
	s23 =	spop (v2sf);
	v5 =	vld [tilespmem:s2+$0x6420];
	[tilespmem:s20+$0xF0] =	vst v6  }
0x226: {  	s6 =	spop (v2sf);
	v6 =	vld.msk [tilespmem:s5+$0x0], $0x3;
	[tilespmem:s18+$0x120] =	vst v3  }
0x227: {  	v3 =	vld [tilespmem:s6+$0x6400];
	[tilespmem:s19+$0x1D0] =	vst v4  }
0x228: {  	[tilespmem:s22+$0x40] =	vst v7;
	v4 =	vld [tilespmem:s28+$0x6460]  }
0x229: {  	v7 =	vld [tilespmem:s29+$0x6450];
	[tilespmem:s17+$0x170] =	vst v1  }
0x22a: {  	v1 =	vld [tilespmem:s23+$0x6400];
	[tilespmem:s21+$0xA0] =	vst v5  }
0x22b: {  	s1 =	simm.s32 $0x12400;
	(v2sf) =	vpush v8, $0x1;
	v5 =	vld [tilespmem:s2+$0x6430]  }
0x22c: {  	[tilespmem:s1+$0x0] =	vst v3;
	v3 =	vshll.u32 v6, $0x9  }
0x22d: {  	[tilespmem:s19+$0x1E0] =	vst v4;
	v4 =	vshra.s32 v3, $0x2  }
0x22e: {  	[tilespmem:s22+$0x50] =	vst v7;
	v7 =	vld [tilespmem:s0+$0x6430];
	(v2sf) =	vpush v4, $0x0  }
0x22f: {  	v9 =	vld [tilespmem:s29+$0x6460];
	[tilespmem:s17+$0x180] =	vst v1  }
0x230: {  	v10 =	vld [tilespmem:s23+$0x6410];
	[tilespmem:s21+$0xB0] =	vst v5  }
0x231: {  	v5 =	vld [tilespmem:s2+$0x6440]  }
0x232: {  	v1 =	vld [tilespmem:s28+$0x6470]  }
0x233: {  	[tilespmem:s18+$0x130] =	vst v7;
	v7 =	vld [tilespmem:s6+$0x6410]  }
0x234: {  	[tilespmem:s22+$0x60] =	vst v9;
	v3 =	vld [tilespmem:s0+$0x6440]  }
0x235: {  	s7 =	simm.s32 $0xC;
	s9 =	simm.s32 $0x1C;
	v6 =	vld [tilespmem:s29+$0x6470];
	[tilespmem:s17+$0x190] =	vst v10  }
.LBB2_4:
0x236: {  	s10 =	sand.u32 $0xFC, s9;
	s7 =	sadd.s32 $0x2, s7;
	[tilespmem:s21+$0xC0] =	vst v5;
	v5 =	vld [tilespmem:s23+$0x6420]  }
0x237: {  	s10 =	sor.u32 $0x100, s10;
	p0 =	slt.u32 s7, $0x7E;
	v8 =	vld [tilespmem:s2+$0x6450];
	[tilespmem:s19+$0x1F0] =	vst v1;
	s19 =	smov.u32 s17  }
0x238: {  	s17 =	smov.u32 s18;
	s18 =	smov.u32 s20;
	s20 =	smov.u32 s21;
	v1 =	vld.msk [tilespmem:s10+$0x0], $0x3;
	[tilespmem:s1+$0x10] =	vst v7  }
0x239: {  	s21 =	smov.u32 s22;
	s22 =	smov.u32 s1;
	v7 =	vld [tilespmem:s6+$0x6420];
	[tilespmem:s17+$0x140] =	vst v3  }
0x23a: {  	[tilespmem:s21+$0x70] =	vst v6;
	s10 =	spop (v2sf);
	v3 =	vld [tilespmem:s0+$0x6450]  }
0x23b: {  	v6 =	vld [tilespmem:s10+$0x6400];
	[tilespmem:s19+$0x1A0] =	vst v5  }
0x23c: {  	[tilespmem:s20+$0xD0] =	vst v8;
	(v2sf) =	vpush v0, $0x1;
	v5 =	vld [tilespmem:s23+$0x6430];
	v0 =	vmov v4  }
0x23d: {  	v1 =	vshll.u32 v1, $0x9;
	v4 =	vld [tilespmem:s2+$0x6460];
	s11 =	spop (v2sf)  }
0x23e: {  	v1 =	vshra.s32 v1, $0x2;
	[tilespmem:s1+$0x20] =	vst v7;
	v7 =	vld [tilespmem:s11+$0x6400]  }
0x23f: {  	(v2sf) =	vpush v1, $0x0;
	v8 =	vld [tilespmem:s6+$0x6430];
	[tilespmem:s17+$0x150] =	vst v3  }
0x240: {  	[tilespmem:s21+$0x80] =	vst v6;
	v3 =	vld [tilespmem:s0+$0x6460]  }
0x241: {  	v6 =	vld [tilespmem:s10+$0x6410];
	[tilespmem:s19+$0x1B0] =	vst v5  }
0x242: {  	[tilespmem:s20+$0xE0] =	vst v4;
	v4 =	vld [tilespmem:s23+$0x6440]  }
0x243: {  	v5 =	vld [tilespmem:s2+$0x6470];
	[tilespmem:s18+$0x100] =	vst v7;
	s2 =	smov.u32 s10  }
0x244: {  	[tilespmem:s1+$0x30] =	vst v8;
	v7 =	vld [tilespmem:s11+$0x6410]  }
0x245: {  	v8 =	vld [tilespmem:s6+$0x6440];
	[tilespmem:s17+$0x160] =	vst v3  }
0x246: {  	[tilespmem:s21+$0x90] =	vst v6;
	v3 =	vld [tilespmem:s0+$0x6470];
	s0 =	smov.u32 s11  }
0x247: {  	v6 =	vld [tilespmem:s2+$0x6420];
	[tilespmem:s19+$0x1C0] =	vst v4  }
0x248: {  	s5 =	sadd.s32 $0x4, s5;
	[tilespmem:s20+$0xF0] =	vst v5;
	v4 =	vld [tilespmem:s23+$0x6450]  }
0x249: {  	v5 =	vld.msk [tilespmem:s5+$0x0], $0x3;
	[tilespmem:s18+$0x110] =	vst v7  }
0x24a: {  	[tilespmem:s1+$0x40] =	vst v8;
	v7 =	vld [tilespmem:s0+$0x6420]  }
0x24b: {  	v8 =	vld [tilespmem:s6+$0x6450];
	[tilespmem:s17+$0x170] =	vst v3;
	s10 =	spop (v2sf)  }
0x24c: {  	[tilespmem:s21+$0xA0] =	vst v6;
	v3 =	vld [tilespmem:s10+$0x6400]  }
0x24d: {  	(v2sf) =	vpush v2, $0x1;
	v6 =	vld [tilespmem:s2+$0x6430];
	[tilespmem:s19+$0x1D0] =	vst v4;
	v2 =	vmov v1  }
0x24e: {  	s11 =	spop (v2sf);
	v1 =	vshll.u32 v5, $0x9;
	v9 =	vld [tilespmem:s23+$0x6460]  }
0x24f: {  	v10 =	vld [tilespmem:s11+$0x6400];
	v4 =	vshra.s32 v1, $0x2;
	[tilespmem:s18+$0x120] =	vst v7  }
0x250: {  	[tilespmem:s1+$0x50] =	vst v8;
	(v2sf) =	vpush v4, $0x0;
	v8 =	vld [tilespmem:s0+$0x6430]  }
0x251: {  	v11 =	vld [tilespmem:s6+$0x6460];
	[tilespmem:s17+$0x180] =	vst v3  }
0x252: {  	[tilespmem:s21+$0xB0] =	vst v6;
	v12 =	vld [tilespmem:s10+$0x6410]  }
.Ltmp1:
0x253: {  	s1 =	sadd.s32 $0x200, s1;
	v5 =	vld [tilespmem:s2+$0x6440];
	[tilespmem:s19+$0x1E0] =	vst v9;
	(pc) =	sbr.rel @p0 .LBB2_4-.Ltmp1, $4  }
0x254: {  	[tilespmem:s1+$0x0] =	vst v10;
	v1 =	vld [tilespmem:s23+$0x6470];
	s23 =	smov.u32 s10  }
0x255: {  	v7 =	vld [tilespmem:s11+$0x6410];
	[tilespmem:s18+$0x130] =	vst v8  }
0x256: {  	[tilespmem:s22+$0x60] =	vst v11;
	v3 =	vld [tilespmem:s0+$0x6440]  }
0x257: {  	s9 =	sadd.s32 $0x4, s9;
	v6 =	vld [tilespmem:s6+$0x6470];
	[tilespmem:s17+$0x190] =	vst v12;
	s6 =	smov.u32 s11  }
0x258: {  	_ =	sdelay $0x1  }
0x259: {  	[tilespmem:s1+$0x10] =	vst v7  }
0x25a: {  	v7 =	vld [tilespmem:s6+$0x6420];
	_ =	sdelay $0x4  }
0x25b: {  	[tilespmem:s1+$0x20] =	vst v7  }
0x25c: {  	v7 =	vld [tilespmem:s6+$0x6430];
	_ =	sdelay $0x4  }
0x25d: {  	[tilespmem:s1+$0x30] =	vst v7  }
0x25e: {  	v7 =	vld [tilespmem:s6+$0x6440];
	_ =	sdelay $0x4  }
0x25f: {  	[tilespmem:s1+$0x40] =	vst v7  }
0x260: {  	v7 =	vld [tilespmem:s6+$0x6450]  }
0x261: {  	(v2sf) =	vpush v0, $0x1  }
0x262: {  	(v2sf) =	vpush v2, $0x1;
	_ =	sdelay $0x2  }
0x263: {  	[tilespmem:s1+$0x50] =	vst v7  }
0x264: {  	v51 =	vld [tilespmem:s6+$0x6460];
	_ =	sdelay $0x4  }
0x265: {  	[tilespmem:s1+$0x60] =	vst v51  }
0x266: {  	v0 =	vld [tilespmem:s6+$0x6470];
	_ =	sdelay $0x1  }
0x267: {  	s9 =	spop (v2sf)  }
0x268: {  	[tilespmem:s22+$0x70] =	vst v6;
	s7 =	spop (v2sf)  }
0x269: {  	v52 =	vld [tilespmem:s9+$0x6400];
	s13 =	spop (v2sf)  }
0x26a: {  	s10 =	spop (v2sf);
	[tilespmem:s1+$0x70] =	vst v0  }
0x26b: {  	v0 =	vld [tilespmem:s10+$0x6400];
	_ =	sdelay $0x2  }
0x26c: {  	[tilespmem:s22+$0x80] =	vst v52  }
0x26d: {  	v2 =	vld [tilespmem:s9+$0x6410]  }
0x26e: {  	[tilespmem:s1+$0x80] =	vst v0  }
0x26f: {  	v0 =	vld [tilespmem:s10+$0x6410];
	_ =	sdelay $0x2  }
0x270: {  	[tilespmem:s22+$0x90] =	vst v2  }
0x271: {  	v2 =	vld [tilespmem:s9+$0x6420]  }
0x272: {  	[tilespmem:s1+$0x90] =	vst v0  }
0x273: {  	v0 =	vld [tilespmem:s10+$0x6420];
	_ =	sdelay $0x2  }
0x274: {  	[tilespmem:s22+$0xA0] =	vst v2  }
0x275: {  	v2 =	vld [tilespmem:s9+$0x6430]  }
0x276: {  	[tilespmem:s1+$0xA0] =	vst v0  }
0x277: {  	v0 =	vld [tilespmem:s10+$0x6430];
	_ =	sdelay $0x2  }
0x278: {  	[tilespmem:s22+$0xB0] =	vst v2  }
0x279: {  	v2 =	vld [tilespmem:s9+$0x6440]  }
0x27a: {  	[tilespmem:s1+$0xB0] =	vst v0  }
0x27b: {  	v0 =	vld [tilespmem:s10+$0x6440]  }
0x27c: {  	[tilespmem:s21+$0xC0] =	vst v5  }
0x27d: {  	v5 =	vld [tilespmem:s2+$0x6450]  }
0x27e: {  	[tilespmem:s22+$0xC0] =	vst v2  }
0x27f: {  	v2 =	vld [tilespmem:s9+$0x6450]  }
0x280: {  	[tilespmem:s1+$0xC0] =	vst v0  }
0x281: {  	v0 =	vld [tilespmem:s10+$0x6450]  }
0x282: {  	[tilespmem:s21+$0xD0] =	vst v5  }
0x283: {  	v5 =	vld [tilespmem:s2+$0x6460]  }
0x284: {  	[tilespmem:s22+$0xD0] =	vst v2  }
0x285: {  	v2 =	vld [tilespmem:s9+$0x6460]  }
0x286: {  	[tilespmem:s1+$0xD0] =	vst v0  }
0x287: {  	v0 =	vld [tilespmem:s10+$0x6460]  }
0x288: {  	[tilespmem:s21+$0xE0] =	vst v5  }
0x289: {  	v5 =	vld [tilespmem:s2+$0x6470]  }
0x28a: {  	[tilespmem:s22+$0xE0] =	vst v2  }
0x28b: {  	v2 =	vld [tilespmem:s9+$0x6470]  }
0x28c: {  	[tilespmem:s1+$0xE0] =	vst v0  }
0x28d: {  	v0 =	vld [tilespmem:s10+$0x6470]  }
0x28e: {  	s15 =	sadd.s32 $0x4, s5;
	[tilespmem:s21+$0xF0] =	vst v5  }
0x28f: {  	v5 =	vld.msk [tilespmem:s15+$0x0], $0x3  }
0x290: {  	s2 =	sadd.s32 $0x4, s15;
	[tilespmem:s22+$0xF0] =	vst v2  }
0x291: {  	v2 =	vld.msk [tilespmem:s2+$0x0], $0x3  }
0x292: {  	s2 =	sadd.s32 $0x4, s2;
	[tilespmem:s1+$0xF0] =	vst v0  }
0x293: {  	v0 =	vld.msk [tilespmem:s2+$0x0], $0x3  }
0x294: {  	v5 =	vshll.u32 v5, $0x9  }
0x295: {  	v5 =	vshra.s32 v5, $0x2  }
0x296: {  	(v2sf) =	vpush v5, $0x0;
	v2 =	vshll.u32 v2, $0x9  }
0x297: {  	(v2sf) =	vpush v4, $0x1;
	v2 =	vshra.s32 v2, $0x2  }
0x298: {  	(v2sf) =	vpush v2, $0x0;
	v0 =	vshll.u32 v0, $0x9  }
0x299: {  	(v2sf) =	vpush v5, $0x1;
	v0 =	vshra.s32 v0, $0x2  }
0x29a: {  	(v2sf) =	vpush v0, $0x0;
	_ =	sdelay $0xa  }
0x29b: {  	s16 =	spop (v2sf)  }
0x29c: {  	v53 =	vld [tilespmem:s7+$0x6400];
	s24 =	spop (v2sf)  }
0x29d: {  	v54 =	vld [tilespmem:s16+$0x6400];
	s25 =	spop (v2sf)  }
0x29e: {  	s26 =	spop (v2sf);
	v55 =	vld [tilespmem:s25+$0x6400]  }
0x29f: {  	s11 =	spop (v2sf)  }
0x2a0: {  	v56 =	vld [tilespmem:s11+$0x6400]  }
0x2a1: {  	[tilespmem:s20+$0x100] =	vst v53  }
0x2a2: {  	v4 =	vld [tilespmem:s7+$0x6410];
	[tilespmem:s21+$0x100] =	vst v54  }
0x2a3: {  	v5 =	vld [tilespmem:s16+$0x6410];
	[tilespmem:s22+$0x100] =	vst v55  }
0x2a4: {  	v6 =	vld [tilespmem:s25+$0x6410]  }
0x2a5: {  	[tilespmem:s1+$0x100] =	vst v56  }
0x2a6: {  	v7 =	vld [tilespmem:s11+$0x6410]  }
0x2a7: {  	[tilespmem:s20+$0x110] =	vst v4  }
0x2a8: {  	v4 =	vld [tilespmem:s7+$0x6420];
	[tilespmem:s21+$0x110] =	vst v5  }
0x2a9: {  	v5 =	vld [tilespmem:s16+$0x6420];
	[tilespmem:s22+$0x110] =	vst v6  }
0x2aa: {  	v6 =	vld [tilespmem:s25+$0x6420]  }
0x2ab: {  	[tilespmem:s1+$0x110] =	vst v7  }
0x2ac: {  	v7 =	vld [tilespmem:s11+$0x6420]  }
0x2ad: {  	[tilespmem:s20+$0x120] =	vst v4  }
0x2ae: {  	v4 =	vld [tilespmem:s7+$0x6430];
	[tilespmem:s21+$0x120] =	vst v5  }
0x2af: {  	v5 =	vld [tilespmem:s16+$0x6430];
	[tilespmem:s22+$0x120] =	vst v6  }
0x2b0: {  	v6 =	vld [tilespmem:s25+$0x6430]  }
0x2b1: {  	[tilespmem:s1+$0x120] =	vst v7  }
0x2b2: {  	v7 =	vld [tilespmem:s11+$0x6430]  }
0x2b3: {  	[tilespmem:s20+$0x130] =	vst v4  }
0x2b4: {  	v4 =	vld [tilespmem:s7+$0x6440];
	[tilespmem:s21+$0x130] =	vst v5  }
0x2b5: {  	v5 =	vld [tilespmem:s16+$0x6440];
	[tilespmem:s22+$0x130] =	vst v6  }
0x2b6: {  	v6 =	vld [tilespmem:s25+$0x6440]  }
0x2b7: {  	[tilespmem:s1+$0x130] =	vst v7  }
0x2b8: {  	[tilespmem:s18+$0x140] =	vst v3;
	v7 =	vld [tilespmem:s11+$0x6440]  }
0x2b9: {  	v3 =	vld [tilespmem:s0+$0x6450];
	[tilespmem:s20+$0x140] =	vst v4  }
0x2ba: {  	v4 =	vld [tilespmem:s7+$0x6450];
	[tilespmem:s21+$0x140] =	vst v5  }
0x2bb: {  	v5 =	vld [tilespmem:s16+$0x6450];
	[tilespmem:s22+$0x140] =	vst v6  }
0x2bc: {  	v6 =	vld [tilespmem:s25+$0x6450]  }
0x2bd: {  	[tilespmem:s1+$0x140] =	vst v7  }
0x2be: {  	[tilespmem:s18+$0x150] =	vst v3;
	(v2sf) =	vpush v2, $0x1;
	v7 =	vld [tilespmem:s11+$0x6450]  }
0x2bf: {  	v57 =	vld [tilespmem:s0+$0x6460];
	[tilespmem:s20+$0x150] =	vst v4  }
0x2c0: {  	v58 =	vld [tilespmem:s7+$0x6460];
	[tilespmem:s21+$0x150] =	vst v5;
	(v2sf) =	vpush v0, $0x1  }
0x2c1: {  	v59 =	vld [tilespmem:s16+$0x6460];
	[tilespmem:s22+$0x150] =	vst v6  }
0x2c2: {  	v60 =	vld [tilespmem:s25+$0x6460]  }
0x2c3: {  	[tilespmem:s1+$0x150] =	vst v7  }
0x2c4: {  	[tilespmem:s18+$0x160] =	vst v57;
	v61 =	vld [tilespmem:s11+$0x6460]  }
0x2c5: {  	[tilespmem:s20+$0x160] =	vst v58;
	v2 =	vld [tilespmem:s0+$0x6470]  }
0x2c6: {  	v0 =	vld [tilespmem:s7+$0x6470];
	[tilespmem:s21+$0x160] =	vst v59  }
0x2c7: {  	v3 =	vld [tilespmem:s16+$0x6470];
	[tilespmem:s22+$0x160] =	vst v60  }
0x2c8: {  	v4 =	vld [tilespmem:s25+$0x6470]  }
0x2c9: {  	[tilespmem:s1+$0x160] =	vst v61  }
0x2ca: {  	[tilespmem:s18+$0x170] =	vst v2;
	v5 =	vld [tilespmem:s11+$0x6470]  }
0x2cb: {  	v2 =	vld [tilespmem:s13+$0x6400];
	[tilespmem:s20+$0x170] =	vst v0  }
0x2cc: {  	v0 =	vld [tilespmem:s24+$0x6400];
	[tilespmem:s21+$0x170] =	vst v3  }
0x2cd: {  	v3 =	vld [tilespmem:s26+$0x6400];
	s28 =	spop (v2sf);
	[tilespmem:s22+$0x170] =	vst v4  }
0x2ce: {  	v4 =	vld [tilespmem:s28+$0x6400]  }
0x2cf: {  	s29 =	spop (v2sf);
	[tilespmem:s1+$0x170] =	vst v5  }
0x2d0: {  	[tilespmem:s18+$0x180] =	vst v2;
	v5 =	vld [tilespmem:s29+$0x6400]  }
0x2d1: {  	v2 =	vld [tilespmem:s13+$0x6410];
	[tilespmem:s20+$0x180] =	vst v0  }
0x2d2: {  	v0 =	vld [tilespmem:s24+$0x6410];
	[tilespmem:s21+$0x180] =	vst v3  }
0x2d3: {  	v3 =	vld [tilespmem:s26+$0x6410];
	[tilespmem:s22+$0x180] =	vst v4  }
0x2d4: {  	v4 =	vld [tilespmem:s28+$0x6410]  }
0x2d5: {  	[tilespmem:s1+$0x180] =	vst v5  }
0x2d6: {  	[tilespmem:s18+$0x190] =	vst v2;
	v62 =	vld [tilespmem:s29+$0x6410]  }
0x2d7: {  	v2 =	vld [tilespmem:s13+$0x6420];
	[tilespmem:s20+$0x190] =	vst v0  }
0x2d8: {  	v0 =	vld [tilespmem:s24+$0x6420];
	[tilespmem:s21+$0x190] =	vst v3  }
0x2d9: {  	v3 =	vld [tilespmem:s26+$0x6420];
	[tilespmem:s22+$0x190] =	vst v4  }
0x2da: {  	[tilespmem:s19+$0x1F0] =	vst v1;
	v4 =	vld [tilespmem:s28+$0x6420]  }
0x2db: {  	v63 =	vld [tilespmem:s23+$0x6420];
	[tilespmem:s1+$0x190] =	vst v62  }
0x2dc: {  	[tilespmem:s18+$0x1A0] =	vst v2;
	v1 =	vld [tilespmem:s29+$0x6420]  }
0x2dd: {  	v2 =	vld [tilespmem:s13+$0x6430];
	[tilespmem:s20+$0x1A0] =	vst v0  }
0x2de: {  	v0 =	vld [tilespmem:s24+$0x6430];
	[tilespmem:s21+$0x1A0] =	vst v3  }
0x2df: {  	v3 =	vld [tilespmem:s26+$0x6430];
	[tilespmem:s22+$0x1A0] =	vst v4  }
0x2e0: {  	[tilespmem:s17+$0x1A0] =	vst v63;
	v4 =	vld [tilespmem:s28+$0x6430]  }
0x2e1: {  	v5 =	vld [tilespmem:s23+$0x6430];
	[tilespmem:s1+$0x1A0] =	vst v1  }
0x2e2: {  	[tilespmem:s18+$0x1B0] =	vst v2;
	v1 =	vld [tilespmem:s29+$0x6430]  }
0x2e3: {  	v2 =	vld [tilespmem:s13+$0x6440];
	[tilespmem:s20+$0x1B0] =	vst v0  }
0x2e4: {  	v0 =	vld [tilespmem:s24+$0x6440];
	[tilespmem:s21+$0x1B0] =	vst v3  }
0x2e5: {  	v3 =	vld [tilespmem:s26+$0x6440];
	[tilespmem:s22+$0x1B0] =	vst v4  }
0x2e6: {  	v4 =	vld [tilespmem:s28+$0x6440];
	[tilespmem:s17+$0x1B0] =	vst v5  }
0x2e7: {  	v5 =	vld [tilespmem:s23+$0x6440];
	[tilespmem:s1+$0x1B0] =	vst v1  }
0x2e8: {  	[tilespmem:s18+$0x1C0] =	vst v2;
	v1 =	vld [tilespmem:s29+$0x6440]  }
0x2e9: {  	v2 =	vld [tilespmem:s13+$0x6450];
	[tilespmem:s20+$0x1C0] =	vst v0  }
0x2ea: {  	v0 =	vld [tilespmem:s24+$0x6450];
	[tilespmem:s21+$0x1C0] =	vst v3  }
0x2eb: {  	v3 =	vld [tilespmem:s26+$0x6450];
	[tilespmem:s22+$0x1C0] =	vst v4  }
0x2ec: {  	v4 =	vld [tilespmem:s28+$0x6450];
	[tilespmem:s17+$0x1C0] =	vst v5  }
0x2ed: {  	v5 =	vld [tilespmem:s23+$0x6450];
	[tilespmem:s1+$0x1C0] =	vst v1  }
0x2ee: {  	[tilespmem:s18+$0x1D0] =	vst v2;
	v1 =	vld [tilespmem:s29+$0x6450]  }
0x2ef: {  	v2 =	vld [tilespmem:s13+$0x6460];
	[tilespmem:s20+$0x1D0] =	vst v0  }
0x2f0: {  	v0 =	vld [tilespmem:s24+$0x6460];
	[tilespmem:s21+$0x1D0] =	vst v3  }
0x2f1: {  	v3 =	vld [tilespmem:s26+$0x6460];
	[tilespmem:s22+$0x1D0] =	vst v4  }
0x2f2: {  	v4 =	vld [tilespmem:s28+$0x6460];
	[tilespmem:s17+$0x1D0] =	vst v5  }
0x2f3: {  	v5 =	vld [tilespmem:s23+$0x6460];
	[tilespmem:s1+$0x1D0] =	vst v1  }
0x2f4: {  	[tilespmem:s18+$0x1E0] =	vst v2;
	v1 =	vld [tilespmem:s29+$0x6460]  }
0x2f5: {  	v2 =	vld [tilespmem:s13+$0x6470];
	[tilespmem:s20+$0x1E0] =	vst v0  }
0x2f6: {  	v0 =	vld [tilespmem:s24+$0x6470];
	[tilespmem:s21+$0x1E0] =	vst v3  }
0x2f7: {  	v3 =	vld [tilespmem:s26+$0x6470];
	[tilespmem:s22+$0x1E0] =	vst v4  }
0x2f8: {  	v4 =	vld [tilespmem:s28+$0x6470];
	[tilespmem:s17+$0x1E0] =	vst v5  }
0x2f9: {  	v5 =	vld [tilespmem:s23+$0x6470];
	[tilespmem:s1+$0x1E0] =	vst v1  }
0x2fa: {  	[tilespmem:s18+$0x1F0] =	vst v2;
	v1 =	vld [tilespmem:s29+$0x6470]  }
0x2fb: {  	[tilespmem:s20+$0x1F0] =	vst v0  }
0x2fc: {  	[tilespmem:s21+$0x1F0] =	vst v3  }
0x2fd: {  	[tilespmem:s22+$0x1F0] =	vst v4  }
0x2fe: {  	[tilespmem:s17+$0x1F0] =	vst v5  }
0x2ff: {  	s31 =	simm.s32 $0x11800;
	[tilespmem:s1+$0x1F0] =	vst v1  }
0x300: {  	s18 =	simm.s32 $0x0;
	s17 =	simm.s32 $0x0;
	s30 =	rddreg [dreg:$0x6]  }
0x301: {  	[hbm4b:s30+s17] =	stream.linear.scatter [tilespmem:s31], [sflag:$0x2], $0x8000, $0x38;
	[tilespmem:$0x19800] =	vst v63  }
.LBB2_6:
0x302: {  	s19 =	sshll.u32 s18, $0x1  }
0x303: {  	s20 =	sadd.s32 $0x2, s19  }
0x304: {  	s0 =	sshll.u32 s20, $0x8  }
0x305: {  	_ =	swait.ge [sflag:s14], $0x8000;
	s22 =	sand.u32 $0x80, s17;
	s26 =	sand.u32 $0x3FFFFE00, s0  }
0x306: {  	s1 =	sand.u32 $0x7C, s17;
	[sflag:s14] =	ssyncset.done $0x0;
	s2 =	sadd.s32 s22, s26  }
0x307: {  	[sflag:s14] =	ssyncadd.s32 $0xFFFF8000;
	s0 =	sadd.s32 s1, s2  }
0x308: {  	v0 =	vld.msk [tilespmem:s0+$0x0], $0x3;
	_ =	sdelay $0x4  }
0x309: {  	v0 =	vshll.u32 v0, $0x9  }
0x30a: {  	v0 =	vshra.s32 v0, $0x2  }
0x30b: {  	(v2sf) =	vpush v0, $0x0;
	_ =	sdelay $0xe  }
0x30c: {  	s23 =	spop (v2sf)  }
0x30d: {  	v1 =	vld [tilespmem:s23+$0x6400];
	_ =	sdelay $0x3  }
0x30e: {  	s25 =	simm.s32 $0x9900  }
0x30f: {  	[tilespmem:s25+$0xFFFFFF00] =	vst v1  }
0x310: {  	v1 =	vld [tilespmem:s23+$0x6410]  }
0x311: {  	s24 =	simm.s32 $0x4  }
0x312: {  	s5 =	sand.u32 $0x80, s24  }
0x313: {  	s6 =	sand.u32 $0x7C, s24;
	s0 =	sadd.s32 s5, s26  }
0x314: {  	s5 =	sadd.s32 s6, s0  }
0x315: {  	v2 =	vld.msk [tilespmem:s5+$0x0], $0x3;
	[tilespmem:s25+$0xFFFFFF10] =	vst v1  }
0x316: {  	v1 =	vld [tilespmem:s23+$0x6420];
	_ =	sdelay $0x3  }
0x317: {  	v2 =	vshll.u32 v2, $0x9  }
0x318: {  	v2 =	vshra.s32 v2, $0x2;
	[tilespmem:s25+$0xFFFFFF20] =	vst v1  }
0x319: {  	(v2sf) =	vpush v2, $0x0;
	v1 =	vld [tilespmem:s23+$0x6430];
	_ =	sdelay $0x4  }
0x31a: {  	[tilespmem:s25+$0xFFFFFF30] =	vst v1  }
0x31b: {  	v1 =	vld [tilespmem:s23+$0x6440];
	_ =	sdelay $0x4  }
0x31c: {  	[tilespmem:s25+$0xFFFFFF40] =	vst v1  }
0x31d: {  	v1 =	vld [tilespmem:s23+$0x6450];
	_ =	sdelay $0x1  }
0x31e: {  	(v2sf) =	vpush v0, $0x1  }
0x31f: {  	s7 =	spop (v2sf)  }
0x320: {  	v0 =	vld [tilespmem:s7+$0x6400]  }
0x321: {  	[tilespmem:s25+$0xFFFFFF50] =	vst v1  }
0x322: {  	v1 =	vld [tilespmem:s23+$0x6460]  }
0x323: {  	s6 =	simm.s32 $0x8  }
0x324: {  	s21 =	simm.s32 $0x9B00;
	s9 =	sand.u32 $0x80, s6  }
0x325: {  	s10 =	sand.u32 $0x7C, s6;
	s5 =	sadd.s32 s9, s26;
	[tilespmem:s21+$0xFFFFFF00] =	vst v0  }
0x326: {  	s1 =	sadd.s32 s10, s5;
	v0 =	vld [tilespmem:s7+$0x6410]  }
0x327: {  	v3 =	vld.msk [tilespmem:s1+$0x0], $0x3;
	[tilespmem:s25+$0xFFFFFF60] =	vst v1  }
0x328: {  	v1 =	vld [tilespmem:s23+$0x6470];
	_ =	sdelay $0x2  }
0x329: {  	[tilespmem:s21+$0xFFFFFF10] =	vst v0  }
0x32a: {  	v0 =	vld [tilespmem:s7+$0x6420]  }
0x32b: {  	v3 =	vshll.u32 v3, $0x9;
	s9 =	spop (v2sf);
	[tilespmem:s25+$0xFFFFFF70] =	vst v1  }
0x32c: {  	v3 =	vshra.s32 v3, $0x2;
	v1 =	vld [tilespmem:s9+$0x6400]  }
0x32d: {  	(v2sf) =	vpush v3, $0x0;
	_ =	sdelay $0x1  }
0x32e: {  	[tilespmem:s21+$0xFFFFFF20] =	vst v0  }
0x32f: {  	v0 =	vld [tilespmem:s7+$0x6430]  }
0x330: {  	[tilespmem:s25+$0xFFFFFF80] =	vst v1  }
0x331: {  	v1 =	vld [tilespmem:s9+$0x6410];
	_ =	sdelay $0x2  }
0x332: {  	[tilespmem:s21+$0xFFFFFF30] =	vst v0  }
0x333: {  	v0 =	vld [tilespmem:s7+$0x6440]  }
0x334: {  	[tilespmem:s25+$0xFFFFFF90] =	vst v1  }
0x335: {  	v1 =	vld [tilespmem:s9+$0x6420];
	_ =	sdelay $0x2  }
0x336: {  	[tilespmem:s21+$0xFFFFFF40] =	vst v0  }
0x337: {  	s11 =	spop (v2sf);
	v0 =	vld [tilespmem:s7+$0x6450]  }
0x338: {  	(v2sf) =	vpush v2, $0x1;
	v2 =	vld [tilespmem:s11+$0x6400];
	[tilespmem:s25+$0xFFFFFFA0] =	vst v1  }
0x339: {  	v1 =	vld [tilespmem:s9+$0x6430];
	_ =	sdelay $0x2  }
0x33a: {  	s22 =	simm.s32 $0x9D00;
	[tilespmem:s21+$0xFFFFFF50] =	vst v0  }
0x33b: {  	[tilespmem:s22+$0xFFFFFF00] =	vst v2;
	v0 =	vld [tilespmem:s7+$0x6460]  }
0x33c: {  	v2 =	vld [tilespmem:s11+$0x6410];
	[tilespmem:s25+$0xFFFFFFB0] =	vst v1  }
0x33d: {  	v1 =	vld [tilespmem:s9+$0x6440];
	_ =	sdelay $0x2  }
0x33e: {  	s12 =	simm.s32 $0xC;
	[tilespmem:s21+$0xFFFFFF60] =	vst v0  }
0x33f: {  	s10 =	sand.u32 $0x80, s12;
	[tilespmem:s22+$0xFFFFFF10] =	vst v2;
	v0 =	vld [tilespmem:s7+$0x6470]  }
0x340: {  	s13 =	sand.u32 $0x7C, s12;
	s1 =	sadd.s32 s10, s26;
	v2 =	vld [tilespmem:s11+$0x6420];
	[tilespmem:s25+$0xFFFFFFC0] =	vst v1  }
0x341: {  	s7 =	sadd.s32 s13, s1;
	v1 =	vld [tilespmem:s9+$0x6450]  }
0x342: {  	v4 =	vld.msk [tilespmem:s7+$0x0], $0x3;
	_ =	sdelay $0x1  }
0x343: {  	s15 =	spop (v2sf);
	[tilespmem:s21+$0xFFFFFF70] =	vst v0  }
0x344: {  	v0 =	vld [tilespmem:s15+$0x6400]  }
0x345: {  	[tilespmem:s25+$0xFFFFFFD0] =	vst v1  }
0x346: {  	[tilespmem:s22+$0xFFFFFF20] =	vst v2;
	v1 =	vshll.u32 v4, $0x9;
	v4 =	vld [tilespmem:s9+$0x6460]  }
0x347: {  	v2 =	vld [tilespmem:s11+$0x6430];
	v1 =	vshra.s32 v1, $0x2  }
0x348: {  	(v2sf) =	vpush v1, $0x0  }
0x349: {  	[tilespmem:s21+$0xFFFFFF80] =	vst v0  }
0x34a: {  	v0 =	vld [tilespmem:s15+$0x6410]  }
0x34b: {  	[tilespmem:s25+$0xFFFFFFE0] =	vst v4  }
0x34c: {  	[tilespmem:s22+$0xFFFFFF30] =	vst v2;
	v4 =	vld [tilespmem:s9+$0x6470]  }
0x34d: {  	v2 =	vld [tilespmem:s11+$0x6440];
	_ =	sdelay $0x1  }
0x34e: {  	s24 =	simm.s32 $0x2;
	[tilespmem:s21+$0xFFFFFF90] =	vst v0  }
0x34f: {  	v0 =	vld [tilespmem:s15+$0x6420];
	s9 =	sand.u32 $0x7E, s24  }
0x350: {  	s2 =	sadd.s32 s9, s2;
	[tilespmem:s25+$0xFFFFFFF0] =	vst v4  }
0x351: {  	[tilespmem:s22+$0xFFFFFF40] =	vst v2;
	v4 =	vld.msk [tilespmem:s2+$0x0], $0x3  }
0x352: {  	v2 =	vld [tilespmem:s11+$0x6450];
	_ =	sdelay $0x1  }
0x353: {  	[tilespmem:s21+$0xFFFFFFA0] =	vst v0;
	(v2sf) =	vpush v3, $0x1  }
0x354: {  	v0 =	vld [tilespmem:s15+$0x6430]  }
0x355: {  	s9 =	spop (v2sf);
	v3 =	vshll.u32 v4, $0x9  }
0x356: {  	[tilespmem:s22+$0xFFFFFF50] =	vst v2;
	v4 =	vld [tilespmem:s9+$0x6400];
	v3 =	vshra.s32 v3, $0x2  }
0x357: {  	v2 =	vld [tilespmem:s11+$0x6460];
	(v2sf) =	vpush v3, $0x0;
	_ =	sdelay $0x1  }
0x358: {  	[tilespmem:s21+$0xFFFFFFB0] =	vst v0  }
0x359: {  	s23 =	simm.s32 $0x9F00;
	v0 =	vld [tilespmem:s15+$0x6440]  }
0x35a: {  	[tilespmem:s23+$0xFFFFFF00] =	vst v4  }
0x35b: {  	[tilespmem:s22+$0xFFFFFF60] =	vst v2;
	v4 =	vld [tilespmem:s9+$0x6410]  }
0x35c: {  	s30 =	simm.s32 $0x10;
	v2 =	vld [tilespmem:s11+$0x6470]  }
0x35d: {  	s16 =	sand.u32 $0x80, s30  }
0x35e: {  	s29 =	sadd.s32 s16, s26;
	s24 =	sand.u32 $0x7C, s30;
	[tilespmem:s21+$0xFFFFFFC0] =	vst v0  }
0x35f: {  	v0 =	vld [tilespmem:s15+$0x6450];
	s2 =	sadd.s32 s24, s29  }
0x360: {  	v5 =	vld.msk [tilespmem:s2+$0x0], $0x3;
	[tilespmem:s23+$0xFFFFFF10] =	vst v4  }
0x361: {  	[tilespmem:s22+$0xFFFFFF70] =	vst v2;
	s6 =	spop (v2sf);
	v4 =	vld [tilespmem:s9+$0x6420]  }
0x362: {  	v2 =	vld [tilespmem:s6+$0x6400];
	_ =	sdelay $0x1  }
0x363: {  	[tilespmem:s21+$0xFFFFFFD0] =	vst v0  }
0x364: {  	v0 =	vshll.u32 v5, $0x9;
	v5 =	vld [tilespmem:s15+$0x6460];
	s11 =	spop (v2sf)  }
0x365: {  	v0 =	vshra.s32 v0, $0x2;
	[tilespmem:s23+$0xFFFFFF20] =	vst v4;
	v4 =	vld [tilespmem:s11+$0x6400]  }
0x366: {  	[tilespmem:s22+$0xFFFFFF80] =	vst v2;
	(v2sf) =	vpush v0, $0x0;
	v6 =	vld [tilespmem:s9+$0x6430]  }
0x367: {  	v2 =	vld [tilespmem:s6+$0x6410];
	_ =	sdelay $0x1  }
0x368: {  	[tilespmem:s21+$0xFFFFFFE0] =	vst v5  }
0x369: {  	v5 =	vld [tilespmem:s15+$0x6470];
	[tilespmem:s25+$0x0] =	vst v4  }
0x36a: {  	[tilespmem:s23+$0xFFFFFF30] =	vst v6;
	v4 =	vld [tilespmem:s11+$0x6410]  }
0x36b: {  	[tilespmem:s22+$0xFFFFFF90] =	vst v2;
	v6 =	vld [tilespmem:s9+$0x6440]  }
0x36c: {  	s12 =	simm.s32 $0x6;
	v2 =	vld [tilespmem:s6+$0x6420]  }
0x36d: {  	s2 =	sand.u32 $0x7E, s12  }
0x36e: {  	s0 =	sadd.s32 s2, s0;
	[tilespmem:s21+$0xFFFFFFF0] =	vst v5  }
0x36f: {  	v5 =	vld.msk [tilespmem:s0+$0x0], $0x3;
	[tilespmem:s25+$0x10] =	vst v4  }
0x370: {  	[tilespmem:s23+$0xFFFFFF40] =	vst v6;
	v4 =	vld [tilespmem:s11+$0x6420]  }
0x371: {  	[tilespmem:s22+$0xFFFFFFA0] =	vst v2;
	v6 =	vld [tilespmem:s9+$0x6450]  }
0x372: {  	(v2sf) =	vpush v1, $0x1;
	v1 =	vld [tilespmem:s6+$0x6430];
	_ =	sdelay $0x1  }
0x373: {  	v2 =	vshll.u32 v5, $0x9;
	s13 =	spop (v2sf)  }
0x374: {  	v7 =	vshra.s32 v2, $0x2;
	v5 =	vld [tilespmem:s13+$0x6400];
	[tilespmem:s25+$0x20] =	vst v4  }
0x375: {  	(v2sf) =	vpush v7, $0x0;
	[tilespmem:s23+$0xFFFFFF50] =	vst v6;
	v2 =	vld [tilespmem:s11+$0x6430]  }
0x376: {  	[tilespmem:s22+$0xFFFFFFB0] =	vst v1;
	v4 =	vld [tilespmem:s9+$0x6460]  }
0x377: {  	v1 =	vld [tilespmem:s6+$0x6440]  }
0x378: {  	s24 =	simm.s32 $0xA100  }
0x379: {  	[tilespmem:s24+$0xFFFFFF00] =	vst v5  }
0x37a: {  	s2 =	simm.s32 $0x14;
	v5 =	vld [tilespmem:s13+$0x6410];
	[tilespmem:s25+$0x30] =	vst v2  }
0x37b: {  	s15 =	sand.u32 $0x80, s2;
	[tilespmem:s23+$0xFFFFFF60] =	vst v4;
	v2 =	vld [tilespmem:s11+$0x6440]  }
0x37c: {  	s16 =	sand.u32 $0x7C, s2;
	s0 =	sadd.s32 s15, s26;
	[tilespmem:s22+$0xFFFFFFC0] =	vst v1;
	v4 =	vld [tilespmem:s9+$0x6470]  }
0x37d: {  	s10 =	sadd.s32 s16, s0;
	v1 =	vld [tilespmem:s6+$0x6450]  }
0x37e: {  	v6 =	vld.msk [tilespmem:s10+$0x0], $0x3  }
0x37f: {  	[tilespmem:s24+$0xFFFFFF10] =	vst v5  }
0x380: {  	v5 =	vld [tilespmem:s13+$0x6420];
	[tilespmem:s25+$0x40] =	vst v2  }
0x381: {  	[tilespmem:s23+$0xFFFFFF70] =	vst v4;
	v4 =	vld [tilespmem:s11+$0x6450]  }
0x382: {  	[tilespmem:s22+$0xFFFFFFD0] =	vst v1  }
0x383: {  	s31 =	spop (v2sf);
	(v2sf) =	vpush v3, $0x1;
	v3 =	vld [tilespmem:s6+$0x6460];
	v1 =	vshll.u32 v6, $0x9  }
0x384: {  	s15 =	spop (v2sf);
	v2 =	vshra.s32 v1, $0x2;
	v8 =	vld [tilespmem:s31+$0x6400]  }
0x385: {  	v1 =	vld [tilespmem:s15+$0x6400];
	(v2sf) =	vpush v2, $0x0;
	[tilespmem:s24+$0xFFFFFF20] =	vst v5  }
0x386: {  	v5 =	vld [tilespmem:s13+$0x6430];
	[tilespmem:s25+$0x50] =	vst v4  }
0x387: {  	v4 =	vld [tilespmem:s11+$0x6460]  }
0x388: {  	[tilespmem:s22+$0xFFFFFFE0] =	vst v3  }
0x389: {  	v3 =	vld [tilespmem:s6+$0x6470];
	[tilespmem:s23+$0xFFFFFF80] =	vst v8  }
0x38a: {  	[tilespmem:s21+$0x0] =	vst v1;
	v6 =	vld [tilespmem:s31+$0x6410]  }
0x38b: {  	v1 =	vld [tilespmem:s15+$0x6410];
	[tilespmem:s24+$0xFFFFFF30] =	vst v5  }
0x38c: {  	s10 =	simm.s32 $0xA;
	v5 =	vld [tilespmem:s13+$0x6440];
	[tilespmem:s25+$0x60] =	vst v4  }
0x38d: {  	v4 =	vld [tilespmem:s11+$0x6470];
	s11 =	sand.u32 $0x7E, s10  }
0x38e: {  	[tilespmem:s22+$0xFFFFFFF0] =	vst v3;
	s5 =	sadd.s32 s11, s5  }
0x38f: {  	v3 =	vld.msk [tilespmem:s5+$0x0], $0x3  }
0x390: {  	[tilespmem:s23+$0xFFFFFF90] =	vst v6  }
0x391: {  	v6 =	vld [tilespmem:s31+$0x6420];
	[tilespmem:s24+$0xFFFFFF40] =	vst v5  }
0x392: {  	[tilespmem:s21+$0x10] =	vst v1;
	v5 =	vld [tilespmem:s13+$0x6450]  }
0x393: {  	v1 =	vld [tilespmem:s15+$0x6420];
	s11 =	spop (v2sf)  }
0x394: {  	(v2sf) =	vpush v0, $0x1;
	s5 =	spop (v2sf);
	v0 =	vshll.u32 v3, $0x9  }
0x395: {  	[tilespmem:s25+$0x70] =	vst v4;
	v3 =	vld [tilespmem:s5+$0x6400];
	v0 =	vshra.s32 v0, $0x2  }
0x396: {  	[tilespmem:s23+$0xFFFFFFA0] =	vst v6;
	v4 =	vld [tilespmem:s11+$0x6400];
	(v2sf) =	vpush v0, $0x0  }
0x397: {  	v6 =	vld [tilespmem:s31+$0x6430];
	[tilespmem:s24+$0xFFFFFF50] =	vst v5  }
0x398: {  	[tilespmem:s21+$0x20] =	vst v1;
	v5 =	vld [tilespmem:s13+$0x6460]  }
0x399: {  	s28 =	simm.s32 $0xA300;
	v1 =	vld [tilespmem:s15+$0x6430]  }
0x39a: {  	[tilespmem:s28+$0xFFFFFF00] =	vst v3  }
0x39b: {  	[tilespmem:s25+$0x80] =	vst v4;
	v3 =	vld [tilespmem:s5+$0x6410]  }
0x39c: {  	s6 =	simm.s32 $0x18;
	[tilespmem:s23+$0xFFFFFFB0] =	vst v6;
	v4 =	vld [tilespmem:s11+$0x6410]  }
0x39d: {  	s12 =	sand.u32 $0x80, s6;
	v6 =	vld [tilespmem:s31+$0x6440];
	[tilespmem:s24+$0xFFFFFF60] =	vst v5  }
0x39e: {  	s7 =	sadd.s32 s12, s26;
	[tilespmem:s21+$0x30] =	vst v1;
	v5 =	vld [tilespmem:s13+$0x6470];
	s13 =	sand.u32 $0x7C, s6  }
0x39f: {  	v1 =	vld [tilespmem:s15+$0x6440];
	s9 =	sadd.s32 s13, s7  }
0x3a0: {  	v8 =	vld.msk [tilespmem:s9+$0x0], $0x3;
	[tilespmem:s28+$0xFFFFFF10] =	vst v3  }
0x3a1: {  	[tilespmem:s25+$0x90] =	vst v4;
	v3 =	vld [tilespmem:s5+$0x6420]  }
0x3a2: {  	[tilespmem:s23+$0xFFFFFFC0] =	vst v6;
	v4 =	vld [tilespmem:s11+$0x6420]  }
0x3a3: {  	s9 =	spop (v2sf);
	v6 =	vld [tilespmem:s31+$0x6450];
	[tilespmem:s24+$0xFFFFFF70] =	vst v5  }
0x3a4: {  	v9 =	vld [tilespmem:s9+$0x6400]  }
0x3a5: {  	[tilespmem:s21+$0x40] =	vst v1;
	v1 =	vshll.u32 v8, $0x9;
	s10 =	spop (v2sf)  }
0x3a6: {  	(v2sf) =	vpush v7, $0x1;
	v1 =	vshra.s32 v1, $0x2;
	[tilespmem:s28+$0xFFFFFF20] =	vst v3;
	v3 =	vld [tilespmem:s10+$0x6400]  }
0x3a7: {  	v5 =	vld [tilespmem:s15+$0x6450];
	[tilespmem:s25+$0xA0] =	vst v4;
	(v2sf) =	vpush v1, $0x0  }
0x3a8: {  	[tilespmem:s23+$0xFFFFFFD0] =	vst v6;
	v4 =	vld [tilespmem:s11+$0x6430]  }
0x3a9: {  	v6 =	vld [tilespmem:s31+$0x6460];
	[tilespmem:s24+$0xFFFFFF80] =	vst v9  }
0x3aa: {  	v8 =	vld [tilespmem:s9+$0x6410]  }
0x3ab: {  	v7 =	vld [tilespmem:s5+$0x6430];
	[tilespmem:s22+$0x0] =	vst v3  }
0x3ac: {  	[tilespmem:s21+$0x50] =	vst v5;
	v3 =	vld [tilespmem:s10+$0x6410]  }
0x3ad: {  	v5 =	vld [tilespmem:s15+$0x6460];
	[tilespmem:s25+$0xB0] =	vst v4  }
0x3ae: {  	[tilespmem:s23+$0xFFFFFFE0] =	vst v6;
	v4 =	vld [tilespmem:s11+$0x6440]  }
0x3af: {  	v6 =	vld [tilespmem:s31+$0x6470];
	[tilespmem:s24+$0xFFFFFF90] =	vst v8  }
0x3b0: {  	[tilespmem:s28+$0xFFFFFF30] =	vst v7;
	v8 =	vld [tilespmem:s9+$0x6420]  }
0x3b1: {  	v7 =	vld [tilespmem:s5+$0x6440];
	[tilespmem:s22+$0x10] =	vst v3  }
0x3b2: {  	s16 =	simm.s32 $0xE;
	[tilespmem:s21+$0x60] =	vst v5;
	v3 =	vld [tilespmem:s10+$0x6420]  }
0x3b3: {  	s16 =	sand.u32 $0x7E, s16;
	v5 =	vld [tilespmem:s15+$0x6470];
	[tilespmem:s25+$0xC0] =	vst v4  }
0x3b4: {  	s1 =	sadd.s32 s16, s1;
	[tilespmem:s23+$0xFFFFFFF0] =	vst v6;
	v4 =	vld [tilespmem:s11+$0x6450]  }
0x3b5: {  	v63 =	vld.msk [tilespmem:s1+$0x0], $0x3;
	s1 =	spop (v2sf);
	[tilespmem:s24+$0xFFFFFFA0] =	vst v8  }
0x3b6: {  	[tilespmem:s28+$0xFFFFFF40] =	vst v7;
	v7 =	vld [tilespmem:s9+$0x6430];
	s16 =	spop (v2sf)  }
0x3b7: {  	[tilespmem:s22+$0x20] =	vst v3;
	v3 =	vld [tilespmem:s16+$0x6400]  }
0x3b8: {  	v6 =	vld [tilespmem:s5+$0x6450];
	[tilespmem:s21+$0x70] =	vst v5  }
0x3b9: {  	v5 =	vld [tilespmem:s1+$0x6400]  }
0x3ba: {  	(v2sf) =	vpush v2, $0x1;
	[tilespmem:s25+$0xD0] =	vst v4  }
0x3bb: {  	s31 =	simm.s32 $0xA500;
	v4 =	vld [tilespmem:s11+$0x6460];
	[tilespmem:s24+$0xFFFFFFB0] =	vst v7;
	v7 =	vshll.u32 v63, $0x9  }
0x3bc: {  	[tilespmem:s31+$0xFFFFFF00] =	vst v3;
	v3 =	vshra.s32 v7, $0x2  }
0x3bd: {  	[tilespmem:s28+$0xFFFFFF50] =	vst v6;
	v8 =	vld [tilespmem:s10+$0x6430];
	(v2sf) =	vpush v3, $0x0  }
0x3be: {  	[tilespmem:s21+$0x80] =	vst v5;
	v10 =	vld [tilespmem:s5+$0x6460]  }
0x3bf: {  	v6 =	vld [tilespmem:s1+$0x6410]  }
0x3c0: {  	[tilespmem:s25+$0xE0] =	vst v4;
	v4 =	vld [tilespmem:s9+$0x6440]  }
0x3c1: {  	v5 =	vld [tilespmem:s11+$0x6470]  }
0x3c2: {  	v2 =	vld [tilespmem:s16+$0x6410];
	[tilespmem:s22+$0x30] =	vst v8  }
0x3c3: {  	s15 =	simm.s32 $0xC;
	s11 =	simm.s32 $0x1C;
	[tilespmem:s28+$0xFFFFFF60] =	vst v10;
	v7 =	vld [tilespmem:s10+$0x6440]  }
.LBB2_7:
0x3c4: {  	s12 =	sand.u32 $0x80, s11;
	s15 =	sadd.s32 $0x2, s15;
	v8 =	vld [tilespmem:s5+$0x6470];
	[tilespmem:s21+$0x90] =	vst v6;
	s5 =	smov.u32 s16  }
0x3c5: {  	s13 =	sand.u32 $0x7C, s11;
	s16 =	sadd.s32 s12, s26;
	p0 =	slt.u32 s15, $0x7E;
	[tilespmem:s24+$0xFFFFFFC0] =	vst v4;
	v4 =	vld [tilespmem:s1+$0x6420]  }
0x3c6: {  	s12 =	sadd.s32 s13, s16;
	v6 =	vld [tilespmem:s9+$0x6450];
	[tilespmem:s25+$0xF0] =	vst v5;
	s25 =	smov.u32 s21;
	s21 =	smov.u32 s22  }
0x3c7: {  	s22 =	smov.u32 s23;
	s23 =	smov.u32 s24;
	s24 =	smov.u32 s28;
	v5 =	vld.msk [tilespmem:s12+$0x0], $0x3;
	[tilespmem:s31+$0xFFFFFF10] =	vst v2  }
0x3c8: {  	s28 =	smov.u32 s31;
	v2 =	vld [tilespmem:s5+$0x6420];
	[tilespmem:s21+$0x40] =	vst v7  }
0x3c9: {  	[tilespmem:s24+$0xFFFFFF70] =	vst v8;
	s12 =	spop (v2sf);
	v7 =	vld [tilespmem:s10+$0x6450]  }
0x3ca: {  	v8 =	vld [tilespmem:s12+$0x6400];
	[tilespmem:s25+$0xA0] =	vst v4  }
0x3cb: {  	[tilespmem:s23+$0xFFFFFFD0] =	vst v6;
	(v2sf) =	vpush v0, $0x1;
	v4 =	vld [tilespmem:s1+$0x6430];
	v0 =	vmov v3  }
0x3cc: {  	v3 =	vshll.u32 v5, $0x9;
	v5 =	vld [tilespmem:s9+$0x6460];
	s13 =	spop (v2sf)  }
0x3cd: {  	v3 =	vshra.s32 v3, $0x2;
	[tilespmem:s31+$0xFFFFFF20] =	vst v2;
	v2 =	vld [tilespmem:s13+$0x6400]  }
0x3ce: {  	(v2sf) =	vpush v3, $0x0;
	v6 =	vld [tilespmem:s5+$0x6430];
	[tilespmem:s21+$0x50] =	vst v7  }
0x3cf: {  	[tilespmem:s24+$0xFFFFFF80] =	vst v8;
	v7 =	vld [tilespmem:s10+$0x6460]  }
0x3d0: {  	v8 =	vld [tilespmem:s12+$0x6410];
	[tilespmem:s25+$0xB0] =	vst v4  }
0x3d1: {  	[tilespmem:s23+$0xFFFFFFE0] =	vst v5;
	v4 =	vld [tilespmem:s1+$0x6440]  }
0x3d2: {  	v5 =	vld [tilespmem:s9+$0x6470];
	[tilespmem:s22+$0x0] =	vst v2;
	s9 =	smov.u32 s12  }
0x3d3: {  	[tilespmem:s31+$0xFFFFFF30] =	vst v6;
	v2 =	vld [tilespmem:s13+$0x6410]  }
0x3d4: {  	v6 =	vld [tilespmem:s5+$0x6440];
	[tilespmem:s21+$0x60] =	vst v7  }
0x3d5: {  	s12 =	sadd.s32 $0x2, s30;
	s30 =	smov.u32 s2;
	[tilespmem:s24+$0xFFFFFF90] =	vst v8;
	v7 =	vld [tilespmem:s10+$0x6470];
	s10 =	smov.u32 s13  }
0x3d6: {  	s2 =	smov.u32 s6;
	s6 =	smov.u32 s11;
	s12 =	sand.u32 $0x7E, s12;
	v8 =	vld [tilespmem:s9+$0x6420];
	[tilespmem:s25+$0xC0] =	vst v4  }
0x3d7: {  	s12 =	sadd.s32 s12, s29;
	s29 =	smov.u32 s0;
	s0 =	smov.u32 s7;
	[tilespmem:s23+$0xFFFFFFF0] =	vst v5;
	v4 =	vld [tilespmem:s1+$0x6450]  }
0x3d8: {  	s7 =	smov.u32 s16;
	v5 =	vld.msk [tilespmem:s12+$0x0], $0x3;
	[tilespmem:s22+$0x10] =	vst v2  }
0x3d9: {  	[tilespmem:s31+$0xFFFFFF40] =	vst v6;
	v2 =	vld [tilespmem:s10+$0x6420]  }
0x3da: {  	v6 =	vld [tilespmem:s5+$0x6450];
	[tilespmem:s21+$0x70] =	vst v7;
	s12 =	spop (v2sf)  }
0x3db: {  	[tilespmem:s24+$0xFFFFFFA0] =	vst v8;
	v7 =	vld [tilespmem:s12+$0x6400]  }
0x3dc: {  	(v2sf) =	vpush v1, $0x1;
	v8 =	vld [tilespmem:s9+$0x6430];
	[tilespmem:s25+$0xD0] =	vst v4;
	v1 =	vmov v3  }
0x3dd: {  	s16 =	spop (v2sf);
	v3 =	vshll.u32 v5, $0x9;
	v5 =	vld [tilespmem:s1+$0x6460]  }
0x3de: {  	v9 =	vld [tilespmem:s16+$0x6400];
	v3 =	vshra.s32 v3, $0x2;
	[tilespmem:s22+$0x20] =	vst v2  }
0x3df: {  	[tilespmem:s31+$0xFFFFFF50] =	vst v6;
	(v2sf) =	vpush v3, $0x0;
	v10 =	vld [tilespmem:s10+$0x6430]  }
0x3e0: {  	v11 =	vld [tilespmem:s5+$0x6460];
	[tilespmem:s21+$0x80] =	vst v7  }
.Ltmp2:
0x3e1: {  	[tilespmem:s24+$0xFFFFFFB0] =	vst v8;
	v6 =	vld [tilespmem:s12+$0x6410];
	(pc) =	sbr.rel @p0 .LBB2_7-.Ltmp2, $4  }
0x3e2: {  	s31 =	sadd.s32 $0x200, s31;
	v4 =	vld [tilespmem:s9+$0x6440];
	[tilespmem:s25+$0xE0] =	vst v5  }
0x3e3: {  	[tilespmem:s31+$0xFFFFFF00] =	vst v9;
	v5 =	vld [tilespmem:s1+$0x6470];
	s1 =	smov.u32 s12  }
0x3e4: {  	v2 =	vld [tilespmem:s16+$0x6410];
	[tilespmem:s22+$0x30] =	vst v10  }
0x3e5: {  	s11 =	sadd.s32 $0x4, s11;
	[tilespmem:s28+$0xFFFFFF60] =	vst v11;
	v7 =	vld [tilespmem:s10+$0x6440]  }
0x3e6: {  	_ = 	snop  }
0x3e7: {  	v8 =	vld [tilespmem:s5+$0x6470];
	[tilespmem:s21+$0x90] =	vst v6  }
0x3e8: {  	[tilespmem:s24+$0xFFFFFFC0] =	vst v4;
	v6 =	vld [tilespmem:s1+$0x6420]  }
0x3e9: {  	v9 =	vld [tilespmem:s9+$0x6450];
	[tilespmem:s31+$0xFFFFFF10] =	vst v2  }
0x3ea: {  	[tilespmem:s25+$0xF0] =	vst v5;
	v10 =	vld [tilespmem:s16+$0x6420]  }
0x3eb: {  	[tilespmem:s22+$0x40] =	vst v7  }
0x3ec: {  	[tilespmem:s28+$0xFFFFFF70] =	vst v8;
	s12 =	spop (v2sf);
	v4 =	vld [tilespmem:s10+$0x6450]  }
0x3ed: {  	v7 =	vld [tilespmem:s12+$0x6400];
	[tilespmem:s21+$0xA0] =	vst v6  }
0x3ee: {  	[tilespmem:s24+$0xFFFFFFD0] =	vst v9;
	v2 =	vld [tilespmem:s1+$0x6430]  }
0x3ef: {  	(v2sf) =	vpush v0, $0x1;
	v0 =	vld [tilespmem:s9+$0x6460];
	s11 =	spop (v2sf);
	[tilespmem:s31+$0xFFFFFF20] =	vst v10  }
0x3f0: {  	v5 =	vld [tilespmem:s16+$0x6430];
	_ =	sdelay $0x4  }
0x3f1: {  	[tilespmem:s31+$0xFFFFFF30] =	vst v5  }
0x3f2: {  	v5 =	vld [tilespmem:s16+$0x6440];
	_ =	sdelay $0x4  }
0x3f3: {  	[tilespmem:s31+$0xFFFFFF40] =	vst v5  }
0x3f4: {  	v5 =	vld [tilespmem:s16+$0x6450];
	_ =	sdelay $0x1  }
0x3f5: {  	(v2sf) =	vpush v1, $0x1;
	_ =	sdelay $0x2  }
0x3f6: {  	[tilespmem:s31+$0xFFFFFF50] =	vst v5  }
0x3f7: {  	v1 =	vld [tilespmem:s16+$0x6460];
	_ =	sdelay $0x4  }
0x3f8: {  	[tilespmem:s31+$0xFFFFFF60] =	vst v1  }
0x3f9: {  	v1 =	vld [tilespmem:s16+$0x6470];
	_ =	sdelay $0x3  }
0x3fa: {  	s5 =	spop (v2sf)  }
0x3fb: {  	s13 =	spop (v2sf);
	[tilespmem:s31+$0xFFFFFF70] =	vst v1  }
0x3fc: {  	v1 =	vld [tilespmem:s13+$0x6400]  }
0x3fd: {  	[tilespmem:s28+$0xFFFFFF80] =	vst v7  }
0x3fe: {  	v5 =	vld [tilespmem:s12+$0x6410];
	_ =	sdelay $0x2  }
0x3ff: {  	[tilespmem:s31+$0xFFFFFF80] =	vst v1  }
0x400: {  	v1 =	vld [tilespmem:s13+$0x6410]  }
0x401: {  	[tilespmem:s28+$0xFFFFFF90] =	vst v5  }
0x402: {  	v5 =	vld [tilespmem:s12+$0x6420];
	_ =	sdelay $0x2  }
0x403: {  	[tilespmem:s31+$0xFFFFFF90] =	vst v1  }
0x404: {  	v1 =	vld [tilespmem:s13+$0x6420]  }
0x405: {  	[tilespmem:s28+$0xFFFFFFA0] =	vst v5  }
0x406: {  	v5 =	vld [tilespmem:s12+$0x6430];
	_ =	sdelay $0x2  }
0x407: {  	[tilespmem:s31+$0xFFFFFFA0] =	vst v1  }
0x408: {  	v1 =	vld [tilespmem:s13+$0x6430]  }
0x409: {  	[tilespmem:s28+$0xFFFFFFB0] =	vst v5  }
0x40a: {  	v5 =	vld [tilespmem:s12+$0x6440];
	_ =	sdelay $0x2  }
0x40b: {  	[tilespmem:s31+$0xFFFFFFB0] =	vst v1  }
0x40c: {  	v1 =	vld [tilespmem:s13+$0x6440]  }
0x40d: {  	[tilespmem:s28+$0xFFFFFFC0] =	vst v5  }
0x40e: {  	v5 =	vld [tilespmem:s12+$0x6450];
	_ =	sdelay $0x2  }
0x40f: {  	[tilespmem:s31+$0xFFFFFFC0] =	vst v1  }
0x410: {  	v1 =	vld [tilespmem:s13+$0x6450]  }
0x411: {  	[tilespmem:s28+$0xFFFFFFD0] =	vst v5  }
0x412: {  	v5 =	vld [tilespmem:s12+$0x6460];
	_ =	sdelay $0x1  }
0x413: {  	[tilespmem:s24+$0xFFFFFFE0] =	vst v0  }
0x414: {  	v0 =	vld [tilespmem:s9+$0x6470];
	[tilespmem:s31+$0xFFFFFFD0] =	vst v1  }
0x415: {  	v1 =	vld [tilespmem:s13+$0x6460]  }
0x416: {  	[tilespmem:s28+$0xFFFFFFE0] =	vst v5  }
0x417: {  	s16 =	sadd.s32 $0x2, s30;
	v5 =	vld [tilespmem:s12+$0x6470]  }
0x418: {  	s9 =	sand.u32 $0x7E, s16  }
0x419: {  	[tilespmem:s24+$0xFFFFFFF0] =	vst v0;
	s9 =	sadd.s32 s9, s29  }
0x41a: {  	s2 =	sadd.s32 $0x2, s2;
	v0 =	vld.msk [tilespmem:s9+$0x0], $0x3;
	[tilespmem:s31+$0xFFFFFFE0] =	vst v1  }
0x41b: {  	s2 =	sand.u32 $0x7E, s2;
	v1 =	vld [tilespmem:s13+$0x6470]  }
0x41c: {  	s0 =	sadd.s32 s2, s0;
	[tilespmem:s28+$0xFFFFFFF0] =	vst v5  }
0x41d: {  	v5 =	vld.msk [tilespmem:s0+$0x0], $0x3  }
0x41e: {  	s25 =	sadd.s32 $0x2, s6  }
0x41f: {  	s26 =	sand.u32 $0x7E, s25  }
0x420: {  	v0 =	vshll.u32 v0, $0x9;
	s0 =	sadd.s32 s26, s7;
	[tilespmem:s31+$0xFFFFFFF0] =	vst v1  }
0x421: {  	v0 =	vshra.s32 v0, $0x2;
	v1 =	vld.msk [tilespmem:s0+$0x0], $0x3  }
0x422: {  	(v2sf) =	vpush v0, $0x0;
	v5 =	vshll.u32 v5, $0x9  }
0x423: {  	(v2sf) =	vpush v3, $0x1;
	v3 =	vshra.s32 v5, $0x2  }
0x424: {  	(v2sf) =	vpush v3, $0x0;
	_ =	sdelay $0x1  }
0x425: {  	v1 =	vshll.u32 v1, $0x9  }
0x426: {  	(v2sf) =	vpush v0, $0x1;
	v0 =	vshra.s32 v1, $0x2  }
0x427: {  	(v2sf) =	vpush v0, $0x0;
	_ =	sdelay $0x8  }
0x428: {  	s0 =	spop (v2sf)  }
0x429: {  	s2 =	spop (v2sf)  }
0x42a: {  	s9 =	spop (v2sf)  }
0x42b: {  	v6 =	vld [tilespmem:s9+$0x6400]  }
0x42c: {  	v5 =	vld [tilespmem:s0+$0x6400]  }
0x42d: {  	s12 =	spop (v2sf);
	v1 =	vld [tilespmem:s11+$0x6400]  }
0x42e: {  	s13 =	spop (v2sf)  }
0x42f: {  	v7 =	vld [tilespmem:s13+$0x6400]  }
0x430: {  	[tilespmem:s28+$0x0] =	vst v6  }
0x431: {  	[tilespmem:s24+$0x0] =	vst v5;
	v6 =	vld [tilespmem:s9+$0x6410]  }
0x432: {  	v5 =	vld [tilespmem:s0+$0x6410];
	[tilespmem:s23+$0x0] =	vst v1  }
0x433: {  	v1 =	vld [tilespmem:s11+$0x6410]  }
0x434: {  	[tilespmem:s31+$0x0] =	vst v7  }
0x435: {  	v7 =	vld [tilespmem:s13+$0x6410]  }
0x436: {  	[tilespmem:s28+$0x10] =	vst v6  }
0x437: {  	[tilespmem:s24+$0x10] =	vst v5;
	v6 =	vld [tilespmem:s9+$0x6420]  }
0x438: {  	v5 =	vld [tilespmem:s0+$0x6420];
	[tilespmem:s23+$0x10] =	vst v1  }
0x439: {  	v1 =	vld [tilespmem:s11+$0x6420]  }
0x43a: {  	[tilespmem:s31+$0x10] =	vst v7  }
0x43b: {  	v7 =	vld [tilespmem:s13+$0x6420]  }
0x43c: {  	[tilespmem:s28+$0x20] =	vst v6  }
0x43d: {  	[tilespmem:s24+$0x20] =	vst v5;
	v6 =	vld [tilespmem:s9+$0x6430]  }
0x43e: {  	v5 =	vld [tilespmem:s0+$0x6430];
	[tilespmem:s23+$0x20] =	vst v1  }
0x43f: {  	v1 =	vld [tilespmem:s11+$0x6430]  }
0x440: {  	[tilespmem:s31+$0x20] =	vst v7  }
0x441: {  	v7 =	vld [tilespmem:s13+$0x6430]  }
0x442: {  	[tilespmem:s28+$0x30] =	vst v6  }
0x443: {  	[tilespmem:s24+$0x30] =	vst v5;
	v6 =	vld [tilespmem:s9+$0x6440]  }
0x444: {  	v5 =	vld [tilespmem:s0+$0x6440];
	[tilespmem:s23+$0x30] =	vst v1  }
0x445: {  	v1 =	vld [tilespmem:s11+$0x6440]  }
0x446: {  	[tilespmem:s31+$0x30] =	vst v7  }
0x447: {  	v7 =	vld [tilespmem:s13+$0x6440]  }
0x448: {  	[tilespmem:s28+$0x40] =	vst v6  }
0x449: {  	[tilespmem:s24+$0x40] =	vst v5;
	v6 =	vld [tilespmem:s9+$0x6450]  }
0x44a: {  	v5 =	vld [tilespmem:s0+$0x6450];
	[tilespmem:s23+$0x40] =	vst v1  }
0x44b: {  	(v2sf) =	vpush v3, $0x1;
	v1 =	vld [tilespmem:s11+$0x6450]  }
0x44c: {  	[tilespmem:s31+$0x40] =	vst v7  }
0x44d: {  	[tilespmem:s22+$0x50] =	vst v4;
	v7 =	vld [tilespmem:s13+$0x6450]  }
0x44e: {  	v3 =	vld [tilespmem:s10+$0x6460];
	[tilespmem:s28+$0x50] =	vst v6  }
0x44f: {  	(v2sf) =	vpush v0, $0x1;
	[tilespmem:s24+$0x50] =	vst v5;
	v4 =	vld [tilespmem:s9+$0x6460]  }
0x450: {  	[tilespmem:s23+$0x50] =	vst v1;
	v1 =	vld [tilespmem:s0+$0x6460]  }
0x451: {  	v0 =	vld [tilespmem:s11+$0x6460]  }
0x452: {  	[tilespmem:s31+$0x50] =	vst v7  }
0x453: {  	[tilespmem:s22+$0x60] =	vst v3;
	v5 =	vld [tilespmem:s13+$0x6460]  }
0x454: {  	v3 =	vld [tilespmem:s10+$0x6470];
	[tilespmem:s28+$0x60] =	vst v4  }
0x455: {  	[tilespmem:s24+$0x60] =	vst v1;
	v4 =	vld [tilespmem:s9+$0x6470]  }
0x456: {  	[tilespmem:s23+$0x60] =	vst v0;
	v1 =	vld [tilespmem:s0+$0x6470]  }
0x457: {  	v0 =	vld [tilespmem:s11+$0x6470]  }
0x458: {  	[tilespmem:s31+$0x60] =	vst v5  }
0x459: {  	[tilespmem:s22+$0x70] =	vst v3;
	v5 =	vld [tilespmem:s13+$0x6470]  }
0x45a: {  	v3 =	vld [tilespmem:s5+$0x6400];
	s15 =	spop (v2sf);
	[tilespmem:s28+$0x70] =	vst v4  }
0x45b: {  	[tilespmem:s24+$0x70] =	vst v1;
	v4 =	vld [tilespmem:s15+$0x6400]  }
0x45c: {  	[tilespmem:s23+$0x70] =	vst v0;
	v1 =	vld [tilespmem:s12+$0x6400]  }
0x45d: {  	v0 =	vld [tilespmem:s2+$0x6400]  }
0x45e: {  	s16 =	spop (v2sf);
	[tilespmem:s31+$0x70] =	vst v5  }
0x45f: {  	[tilespmem:s22+$0x80] =	vst v3;
	v5 =	vld [tilespmem:s16+$0x6400]  }
0x460: {  	v3 =	vld [tilespmem:s5+$0x6410];
	[tilespmem:s28+$0x80] =	vst v4  }
0x461: {  	[tilespmem:s24+$0x80] =	vst v1;
	v4 =	vld [tilespmem:s15+$0x6410]  }
0x462: {  	[tilespmem:s23+$0x80] =	vst v0;
	v1 =	vld [tilespmem:s12+$0x6410]  }
0x463: {  	v0 =	vld [tilespmem:s2+$0x6410]  }
0x464: {  	[tilespmem:s31+$0x80] =	vst v5  }
0x465: {  	[tilespmem:s22+$0x90] =	vst v3;
	v5 =	vld [tilespmem:s16+$0x6410]  }
0x466: {  	v3 =	vld [tilespmem:s5+$0x6420];
	[tilespmem:s28+$0x90] =	vst v4  }
0x467: {  	[tilespmem:s24+$0x90] =	vst v1;
	v4 =	vld [tilespmem:s15+$0x6420]  }
0x468: {  	[tilespmem:s23+$0x90] =	vst v0;
	v1 =	vld [tilespmem:s12+$0x6420]  }
0x469: {  	v0 =	vld [tilespmem:s2+$0x6420]  }
0x46a: {  	[tilespmem:s31+$0x90] =	vst v5  }
0x46b: {  	[tilespmem:s22+$0xA0] =	vst v3;
	v5 =	vld [tilespmem:s16+$0x6420]  }
0x46c: {  	v3 =	vld [tilespmem:s5+$0x6430];
	[tilespmem:s28+$0xA0] =	vst v4  }
0x46d: {  	[tilespmem:s24+$0xA0] =	vst v1;
	v4 =	vld [tilespmem:s15+$0x6430]  }
0x46e: {  	[tilespmem:s23+$0xA0] =	vst v0;
	v1 =	vld [tilespmem:s12+$0x6430]  }
0x46f: {  	[tilespmem:s21+$0xB0] =	vst v2;
	v0 =	vld [tilespmem:s2+$0x6430]  }
0x470: {  	[tilespmem:s31+$0xA0] =	vst v5  }
0x471: {  	[tilespmem:s22+$0xB0] =	vst v3;
	v2 =	vld [tilespmem:s16+$0x6430]  }
0x472: {  	v3 =	vld [tilespmem:s5+$0x6440];
	[tilespmem:s28+$0xB0] =	vst v4  }
0x473: {  	[tilespmem:s24+$0xB0] =	vst v1;
	v4 =	vld [tilespmem:s15+$0x6440]  }
0x474: {  	[tilespmem:s23+$0xB0] =	vst v0;
	v1 =	vld [tilespmem:s12+$0x6440]  }
0x475: {  	v0 =	vld [tilespmem:s2+$0x6440]  }
0x476: {  	v5 =	vld [tilespmem:s1+$0x6440];
	[tilespmem:s31+$0xB0] =	vst v2  }
0x477: {  	[tilespmem:s22+$0xC0] =	vst v3;
	v2 =	vld [tilespmem:s16+$0x6440]  }
0x478: {  	v3 =	vld [tilespmem:s5+$0x6450];
	[tilespmem:s28+$0xC0] =	vst v4  }
0x479: {  	[tilespmem:s24+$0xC0] =	vst v1;
	v4 =	vld [tilespmem:s15+$0x6450]  }
0x47a: {  	[tilespmem:s23+$0xC0] =	vst v0;
	v1 =	vld [tilespmem:s12+$0x6450]  }
0x47b: {  	v0 =	vld [tilespmem:s2+$0x6450];
	[tilespmem:s21+$0xC0] =	vst v5  }
0x47c: {  	v5 =	vld [tilespmem:s1+$0x6450];
	[tilespmem:s31+$0xC0] =	vst v2  }
0x47d: {  	[tilespmem:s22+$0xD0] =	vst v3;
	v2 =	vld [tilespmem:s16+$0x6450]  }
0x47e: {  	v3 =	vld [tilespmem:s5+$0x6460];
	[tilespmem:s28+$0xD0] =	vst v4  }
0x47f: {  	[tilespmem:s24+$0xD0] =	vst v1;
	v4 =	vld [tilespmem:s15+$0x6460]  }
0x480: {  	[tilespmem:s23+$0xD0] =	vst v0;
	v1 =	vld [tilespmem:s12+$0x6460]  }
0x481: {  	v0 =	vld [tilespmem:s2+$0x6460];
	[tilespmem:s21+$0xD0] =	vst v5  }
0x482: {  	v5 =	vld [tilespmem:s1+$0x6460];
	[tilespmem:s31+$0xD0] =	vst v2  }
0x483: {  	[tilespmem:s22+$0xE0] =	vst v3;
	v2 =	vld [tilespmem:s16+$0x6460]  }
0x484: {  	v3 =	vld [tilespmem:s5+$0x6470];
	[tilespmem:s28+$0xE0] =	vst v4  }
0x485: {  	[tilespmem:s24+$0xE0] =	vst v1;
	v4 =	vld [tilespmem:s15+$0x6470]  }
0x486: {  	[tilespmem:s23+$0xE0] =	vst v0;
	v1 =	vld [tilespmem:s12+$0x6470]  }
0x487: {  	v0 =	vld [tilespmem:s2+$0x6470];
	[tilespmem:s21+$0xE0] =	vst v5  }
0x488: {  	v5 =	vld [tilespmem:s1+$0x6470];
	[tilespmem:s31+$0xE0] =	vst v2  }
0x489: {  	[tilespmem:s22+$0xF0] =	vst v3;
	v2 =	vld [tilespmem:s16+$0x6470]  }
0x48a: {  	[tilespmem:s28+$0xF0] =	vst v4  }
0x48b: {  	s25 =	sshll.u32 s20, $0xF;
	[tilespmem:s24+$0xF0] =	vst v1  }
0x48c: {  	s19 =	sadd.s32 $0x3, s19;
	s0 =	sadd.s32 s8, s25;
	[tilespmem:s23+$0xF0] =	vst v0  }
0x48d: {  	s6 =	simm.s32 $0x0;
	s26 =	simm.s32 $0x9800;
	s0 =	sshrl.u32 s0, $0x3;
	[tilespmem:s21+$0xF0] =	vst v5  }
0x48e: {  	s0 =	sadd.s32 s3, s0;
	s5 =	simm.s32 $0x2;
	s2 =	sshll.u32 s19, $0x8;
	[tilespmem:s31+$0xF0] =	vst v2  }
0x48f: {  	[hbm4b:s0+s4] =	stream.linear.scatter [tilespmem:s26], [sflag:$0x1], $0x8000, $0x38;
	[tilespmem:$0x19800] =	vst v63  }
0x490: {  	s7 =	sand.u32 $0x80, s6;
	s25 =	sand.u32 $0x3FFFFF00, s2;
	_ =	swait.ge [sflag:s5], $0x8000  }
0x491: {  	s1 =	sand.u32 $0x7C, s6;
	s6 =	sadd.s32 s7, s25;
	[sflag:s5] =	ssyncset.done $0x0  }
0x492: {  	s0 =	sadd.s32 s1, s6;
	[sflag:s5] =	ssyncadd.s32 $0xFFFF8000  }
0x493: {  	v0 =	vld.msk [tilespmem:s0+$0x0], $0x3;
	_ =	sdelay $0x4  }
0x494: {  	v0 =	vshll.u32 v0, $0x9  }
0x495: {  	v0 =	vshra.s32 v0, $0x2  }
0x496: {  	(v2sf) =	vpush v0, $0x0;
	_ =	sdelay $0xe  }
0x497: {  	s9 =	spop (v2sf)  }
0x498: {  	v1 =	vld [tilespmem:s9+$0x6400];
	_ =	sdelay $0x3  }
0x499: {  	s22 =	simm.s32 $0x11800  }
0x49a: {  	[tilespmem:s22+$0x0] =	vst v1  }
0x49b: {  	v1 =	vld [tilespmem:s9+$0x6410]  }
0x49c: {  	s10 =	simm.s32 $0x4  }
0x49d: {  	s11 =	sand.u32 $0x80, s10  }
0x49e: {  	s12 =	sand.u32 $0x7C, s10;
	s0 =	sadd.s32 s11, s25  }
0x49f: {  	s2 =	sadd.s32 s12, s0  }
0x4a0: {  	v2 =	vld.msk [tilespmem:s2+$0x0], $0x3;
	[tilespmem:s22+$0x10] =	vst v1  }
0x4a1: {  	v1 =	vld [tilespmem:s9+$0x6420];
	_ =	sdelay $0x3  }
0x4a2: {  	v2 =	vshll.u32 v2, $0x9  }
0x4a3: {  	v2 =	vshra.s32 v2, $0x2;
	[tilespmem:s22+$0x20] =	vst v1  }
0x4a4: {  	(v2sf) =	vpush v2, $0x0;
	v1 =	vld [tilespmem:s9+$0x6430];
	_ =	sdelay $0x4  }
0x4a5: {  	[tilespmem:s22+$0x30] =	vst v1  }
0x4a6: {  	v1 =	vld [tilespmem:s9+$0x6440];
	_ =	sdelay $0x4  }
0x4a7: {  	[tilespmem:s22+$0x40] =	vst v1  }
0x4a8: {  	v1 =	vld [tilespmem:s9+$0x6450];
	_ =	sdelay $0x1  }
0x4a9: {  	(v2sf) =	vpush v0, $0x1  }
0x4aa: {  	s13 =	spop (v2sf)  }
0x4ab: {  	v0 =	vld [tilespmem:s13+$0x6400]  }
0x4ac: {  	[tilespmem:s22+$0x50] =	vst v1  }
0x4ad: {  	v1 =	vld [tilespmem:s9+$0x6460]  }
0x4ae: {  	s15 =	simm.s32 $0x8  }
0x4af: {  	s20 =	simm.s32 $0x11A00;
	s16 =	sand.u32 $0x80, s15  }
0x4b0: {  	s21 =	sand.u32 $0x7C, s15;
	s2 =	sadd.s32 s16, s25;
	[tilespmem:s20+$0x0] =	vst v0  }
0x4b1: {  	s1 =	sadd.s32 s21, s2;
	v0 =	vld [tilespmem:s13+$0x6410]  }
0x4b2: {  	v3 =	vld.msk [tilespmem:s1+$0x0], $0x3;
	[tilespmem:s22+$0x60] =	vst v1  }
0x4b3: {  	v1 =	vld [tilespmem:s9+$0x6470];
	_ =	sdelay $0x2  }
0x4b4: {  	[tilespmem:s20+$0x10] =	vst v0  }
0x4b5: {  	v0 =	vld [tilespmem:s13+$0x6420]  }
0x4b6: {  	v3 =	vshll.u32 v3, $0x9;
	s23 =	spop (v2sf);
	[tilespmem:s22+$0x70] =	vst v1  }
0x4b7: {  	v3 =	vshra.s32 v3, $0x2;
	v1 =	vld [tilespmem:s23+$0x6400]  }
0x4b8: {  	(v2sf) =	vpush v3, $0x0;
	_ =	sdelay $0x1  }
0x4b9: {  	[tilespmem:s20+$0x20] =	vst v0  }
0x4ba: {  	v0 =	vld [tilespmem:s13+$0x6430]  }
0x4bb: {  	[tilespmem:s22+$0x80] =	vst v1  }
0x4bc: {  	v1 =	vld [tilespmem:s23+$0x6410];
	_ =	sdelay $0x2  }
0x4bd: {  	[tilespmem:s20+$0x30] =	vst v0  }
0x4be: {  	v0 =	vld [tilespmem:s13+$0x6440]  }
0x4bf: {  	[tilespmem:s22+$0x90] =	vst v1  }
0x4c0: {  	v1 =	vld [tilespmem:s23+$0x6420];
	_ =	sdelay $0x2  }
0x4c1: {  	[tilespmem:s20+$0x40] =	vst v0  }
0x4c2: {  	s7 =	spop (v2sf);
	v0 =	vld [tilespmem:s13+$0x6450]  }
0x4c3: {  	(v2sf) =	vpush v2, $0x1;
	v2 =	vld [tilespmem:s7+$0x6400];
	[tilespmem:s22+$0xA0] =	vst v1  }
0x4c4: {  	v1 =	vld [tilespmem:s23+$0x6430];
	_ =	sdelay $0x2  }
0x4c5: {  	s21 =	simm.s32 $0x11C00;
	[tilespmem:s20+$0x50] =	vst v0  }
0x4c6: {  	[tilespmem:s21+$0x0] =	vst v2;
	v0 =	vld [tilespmem:s13+$0x6460]  }
0x4c7: {  	v2 =	vld [tilespmem:s7+$0x6410];
	[tilespmem:s22+$0xB0] =	vst v1  }
0x4c8: {  	v1 =	vld [tilespmem:s23+$0x6440];
	_ =	sdelay $0x2  }
0x4c9: {  	s24 =	simm.s32 $0xC;
	[tilespmem:s20+$0x60] =	vst v0  }
0x4ca: {  	s26 =	sand.u32 $0x80, s24;
	[tilespmem:s21+$0x10] =	vst v2;
	v0 =	vld [tilespmem:s13+$0x6470]  }
0x4cb: {  	s12 =	sand.u32 $0x7C, s24;
	s1 =	sadd.s32 s26, s25;
	v2 =	vld [tilespmem:s7+$0x6420];
	[tilespmem:s22+$0xC0] =	vst v1  }
0x4cc: {  	s9 =	sadd.s32 s12, s1;
	v1 =	vld [tilespmem:s23+$0x6450]  }
0x4cd: {  	v4 =	vld.msk [tilespmem:s9+$0x0], $0x3;
	_ =	sdelay $0x1  }
0x4ce: {  	s13 =	spop (v2sf);
	[tilespmem:s20+$0x70] =	vst v0  }
0x4cf: {  	v0 =	vld [tilespmem:s13+$0x6400]  }
0x4d0: {  	[tilespmem:s22+$0xD0] =	vst v1  }
0x4d1: {  	[tilespmem:s21+$0x20] =	vst v2;
	v1 =	vshll.u32 v4, $0x9;
	v4 =	vld [tilespmem:s23+$0x6460]  }
0x4d2: {  	v2 =	vld [tilespmem:s7+$0x6430];
	v1 =	vshra.s32 v1, $0x2  }
0x4d3: {  	(v2sf) =	vpush v1, $0x0  }
0x4d4: {  	[tilespmem:s20+$0x80] =	vst v0  }
0x4d5: {  	v0 =	vld [tilespmem:s13+$0x6410]  }
0x4d6: {  	[tilespmem:s22+$0xE0] =	vst v4  }
0x4d7: {  	[tilespmem:s21+$0x30] =	vst v2;
	v4 =	vld [tilespmem:s23+$0x6470]  }
0x4d8: {  	v2 =	vld [tilespmem:s7+$0x6440];
	_ =	sdelay $0x1  }
0x4d9: {  	[tilespmem:s20+$0x90] =	vst v0  }
0x4da: {  	s5 =	sand.u32 $0x7E, s5;
	v0 =	vld [tilespmem:s13+$0x6420]  }
0x4db: {  	s5 =	sadd.s32 s5, s6;
	[tilespmem:s22+$0xF0] =	vst v4  }
0x4dc: {  	[tilespmem:s21+$0x40] =	vst v2;
	v4 =	vld.msk [tilespmem:s5+$0x0], $0x3  }
0x4dd: {  	v2 =	vld [tilespmem:s7+$0x6450];
	_ =	sdelay $0x1  }
0x4de: {  	[tilespmem:s20+$0xA0] =	vst v0;
	(v2sf) =	vpush v3, $0x1  }
0x4df: {  	v0 =	vld [tilespmem:s13+$0x6430]  }
0x4e0: {  	s15 =	spop (v2sf);
	v3 =	vshll.u32 v4, $0x9  }
0x4e1: {  	[tilespmem:s21+$0x50] =	vst v2;
	v4 =	vld [tilespmem:s15+$0x6400];
	v3 =	vshra.s32 v3, $0x2  }
0x4e2: {  	v2 =	vld [tilespmem:s7+$0x6460];
	(v2sf) =	vpush v3, $0x0;
	_ =	sdelay $0x1  }
0x4e3: {  	[tilespmem:s20+$0xB0] =	vst v0  }
0x4e4: {  	v0 =	vld [tilespmem:s13+$0x6440];
	s23 =	simm.s32 $0x11E00  }
0x4e5: {  	[tilespmem:s23+$0x0] =	vst v4  }
0x4e6: {  	[tilespmem:s21+$0x60] =	vst v2;
	v4 =	vld [tilespmem:s15+$0x6410]  }
0x4e7: {  	s16 =	simm.s32 $0x10;
	v2 =	vld [tilespmem:s7+$0x6470]  }
0x4e8: {  	s24 =	sand.u32 $0x80, s16  }
0x4e9: {  	s28 =	sadd.s32 s24, s25;
	[tilespmem:s20+$0xC0] =	vst v0;
	s5 =	sand.u32 $0x7C, s16  }
0x4ea: {  	v0 =	vld [tilespmem:s13+$0x6450];
	s5 =	sadd.s32 s5, s28  }
0x4eb: {  	v5 =	vld.msk [tilespmem:s5+$0x0], $0x3;
	[tilespmem:s23+$0x10] =	vst v4  }
0x4ec: {  	[tilespmem:s21+$0x70] =	vst v2;
	s26 =	spop (v2sf);
	v4 =	vld [tilespmem:s15+$0x6420]  }
0x4ed: {  	v2 =	vld [tilespmem:s26+$0x6400];
	_ =	sdelay $0x1  }
0x4ee: {  	[tilespmem:s20+$0xD0] =	vst v0  }
0x4ef: {  	v0 =	vshll.u32 v5, $0x9;
	v5 =	vld [tilespmem:s13+$0x6460];
	s5 =	spop (v2sf)  }
0x4f0: {  	v0 =	vshra.s32 v0, $0x2;
	[tilespmem:s23+$0x20] =	vst v4;
	v4 =	vld [tilespmem:s5+$0x6400]  }
0x4f1: {  	[tilespmem:s21+$0x80] =	vst v2;
	(v2sf) =	vpush v0, $0x0;
	v6 =	vld [tilespmem:s15+$0x6430]  }
0x4f2: {  	v2 =	vld [tilespmem:s26+$0x6410];
	_ =	sdelay $0x1  }
0x4f3: {  	[tilespmem:s20+$0xE0] =	vst v5  }
0x4f4: {  	v5 =	vld [tilespmem:s13+$0x6470];
	[tilespmem:s22+$0x100] =	vst v4  }
0x4f5: {  	[tilespmem:s23+$0x30] =	vst v6;
	v4 =	vld [tilespmem:s5+$0x6410]  }
0x4f6: {  	[tilespmem:s21+$0x90] =	vst v2;
	v6 =	vld [tilespmem:s15+$0x6440]  }
0x4f7: {  	s10 =	simm.s32 $0x6;
	v2 =	vld [tilespmem:s26+$0x6420]  }
0x4f8: {  	s6 =	sand.u32 $0x7E, s10  }
0x4f9: {  	s0 =	sadd.s32 s6, s0;
	[tilespmem:s20+$0xF0] =	vst v5  }
0x4fa: {  	v5 =	vld.msk [tilespmem:s0+$0x0], $0x3;
	[tilespmem:s22+$0x110] =	vst v4  }
0x4fb: {  	[tilespmem:s23+$0x40] =	vst v6;
	v4 =	vld [tilespmem:s5+$0x6420]  }
0x4fc: {  	[tilespmem:s21+$0xA0] =	vst v2;
	v6 =	vld [tilespmem:s15+$0x6450]  }
0x4fd: {  	(v2sf) =	vpush v1, $0x1;
	v1 =	vld [tilespmem:s26+$0x6430];
	_ =	sdelay $0x1  }
0x4fe: {  	s6 =	spop (v2sf)  }
0x4ff: {  	v2 =	vshll.u32 v5, $0x9;
	v5 =	vld [tilespmem:s6+$0x6400];
	[tilespmem:s22+$0x120] =	vst v4  }
0x500: {  	v7 =	vshra.s32 v2, $0x2;
	[tilespmem:s23+$0x50] =	vst v6;
	v2 =	vld [tilespmem:s5+$0x6430]  }
0x501: {  	[tilespmem:s21+$0xB0] =	vst v1;
	(v2sf) =	vpush v7, $0x0;
	v4 =	vld [tilespmem:s15+$0x6460]  }
0x502: {  	v1 =	vld [tilespmem:s26+$0x6440]  }
0x503: {  	s24 =	simm.s32 $0x12000  }
0x504: {  	[tilespmem:s24+$0x0] =	vst v5  }
0x505: {  	s11 =	simm.s32 $0x14;
	v5 =	vld [tilespmem:s6+$0x6410];
	[tilespmem:s22+$0x130] =	vst v2  }
0x506: {  	s12 =	sand.u32 $0x80, s11;
	[tilespmem:s23+$0x60] =	vst v4;
	v2 =	vld [tilespmem:s5+$0x6440]  }
0x507: {  	s13 =	sand.u32 $0x7C, s11;
	s0 =	sadd.s32 s12, s25;
	[tilespmem:s21+$0xC0] =	vst v1;
	v4 =	vld [tilespmem:s15+$0x6470]  }
0x508: {  	s9 =	sadd.s32 s13, s0;
	v1 =	vld [tilespmem:s26+$0x6450]  }
0x509: {  	v6 =	vld.msk [tilespmem:s9+$0x0], $0x3  }
0x50a: {  	[tilespmem:s24+$0x10] =	vst v5  }
0x50b: {  	v5 =	vld [tilespmem:s6+$0x6420];
	[tilespmem:s22+$0x140] =	vst v2  }
0x50c: {  	[tilespmem:s23+$0x70] =	vst v4;
	v4 =	vld [tilespmem:s5+$0x6450];
	_ =	sdelay $0x1  }
0x50d: {  	[tilespmem:s21+$0xD0] =	vst v1;
	v1 =	vshll.u32 v6, $0x9;
	s15 =	spop (v2sf);
	(v2sf) =	vpush v3, $0x1  }
0x50e: {  	v3 =	vld [tilespmem:s26+$0x6460];
	v2 =	vshra.s32 v1, $0x2  }
0x50f: {  	s16 =	spop (v2sf);
	v8 =	vld [tilespmem:s15+$0x6400];
	(v2sf) =	vpush v2, $0x0;
	[tilespmem:s24+$0x20] =	vst v5  }
0x510: {  	v5 =	vld [tilespmem:s6+$0x6430];
	[tilespmem:s22+$0x150] =	vst v4  }
0x511: {  	v4 =	vld [tilespmem:s5+$0x6460]  }
0x512: {  	v1 =	vld [tilespmem:s16+$0x6400]  }
0x513: {  	[tilespmem:s21+$0xE0] =	vst v3  }
0x514: {  	v3 =	vld [tilespmem:s26+$0x6470];
	[tilespmem:s23+$0x80] =	vst v8  }
0x515: {  	v6 =	vld [tilespmem:s15+$0x6410];
	[tilespmem:s24+$0x30] =	vst v5  }
0x516: {  	v5 =	vld [tilespmem:s6+$0x6440];
	[tilespmem:s22+$0x160] =	vst v4  }
0x517: {  	s26 =	simm.s32 $0xA;
	[tilespmem:s20+$0x100] =	vst v1;
	v4 =	vld [tilespmem:s5+$0x6470]  }
0x518: {  	s9 =	sand.u32 $0x7E, s26;
	v1 =	vld [tilespmem:s16+$0x6410]  }
0x519: {  	s2 =	sadd.s32 s9, s2;
	[tilespmem:s21+$0xF0] =	vst v3  }
0x51a: {  	v3 =	vld.msk [tilespmem:s2+$0x0], $0x3;
	[tilespmem:s23+$0x90] =	vst v6  }
0x51b: {  	v6 =	vld [tilespmem:s15+$0x6420];
	[tilespmem:s24+$0x40] =	vst v5  }
0x51c: {  	s5 =	spop (v2sf);
	v5 =	vld [tilespmem:s6+$0x6450];
	[tilespmem:s22+$0x170] =	vst v4  }
0x51d: {  	[tilespmem:s20+$0x110] =	vst v1;
	v4 =	vld [tilespmem:s5+$0x6400]  }
0x51e: {  	v1 =	vld [tilespmem:s16+$0x6420];
	(v2sf) =	vpush v0, $0x1;
	s9 =	spop (v2sf)  }
0x51f: {  	v0 =	vshll.u32 v3, $0x9;
	v3 =	vld [tilespmem:s9+$0x6400]  }
0x520: {  	v0 =	vshra.s32 v0, $0x2;
	[tilespmem:s23+$0xA0] =	vst v6  }
0x521: {  	(v2sf) =	vpush v0, $0x0;
	v6 =	vld [tilespmem:s15+$0x6430];
	[tilespmem:s24+$0x50] =	vst v5  }
0x522: {  	v5 =	vld [tilespmem:s6+$0x6460];
	[tilespmem:s22+$0x180] =	vst v4  }
0x523: {  	s26 =	simm.s32 $0x12200;
	[tilespmem:s20+$0x120] =	vst v1;
	v4 =	vld [tilespmem:s5+$0x6410]  }
0x524: {  	v1 =	vld [tilespmem:s16+$0x6430];
	[tilespmem:s26+$0x0] =	vst v3  }
0x525: {  	v3 =	vld [tilespmem:s9+$0x6410]  }
0x526: {  	[tilespmem:s23+$0xB0] =	vst v6  }
0x527: {  	v6 =	vld [tilespmem:s15+$0x6440];
	[tilespmem:s24+$0x60] =	vst v5  }
0x528: {  	s12 =	simm.s32 $0x18;
	v5 =	vld [tilespmem:s6+$0x6470];
	[tilespmem:s22+$0x190] =	vst v4  }
0x529: {  	s13 =	sand.u32 $0x80, s12;
	[tilespmem:s20+$0x130] =	vst v1;
	v4 =	vld [tilespmem:s5+$0x6420]  }
0x52a: {  	s2 =	sand.u32 $0x7C, s12;
	v1 =	vld [tilespmem:s16+$0x6440];
	s6 =	sadd.s32 s13, s25;
	[tilespmem:s26+$0x10] =	vst v3  }
0x52b: {  	s2 =	sadd.s32 s2, s6;
	v3 =	vld [tilespmem:s9+$0x6420]  }
0x52c: {  	[tilespmem:s23+$0xC0] =	vst v6;
	v8 =	vld.msk [tilespmem:s2+$0x0], $0x3  }
0x52d: {  	s7 =	spop (v2sf);
	v6 =	vld [tilespmem:s15+$0x6450];
	[tilespmem:s24+$0x70] =	vst v5  }
0x52e: {  	v61 =	vld [tilespmem:s7+$0x6400];
	[tilespmem:s22+$0x1A0] =	vst v4  }
0x52f: {  	[tilespmem:s20+$0x140] =	vst v1;
	v4 =	vld [tilespmem:s5+$0x6430]  }
0x530: {  	s2 =	spop (v2sf);
	v5 =	vld [tilespmem:s16+$0x6450]  }
0x531: {  	[tilespmem:s26+$0x20] =	vst v3;
	v3 =	vld [tilespmem:s2+$0x6400]  }
0x532: {  	(v2sf) =	vpush v7, $0x1;
	v7 =	vld [tilespmem:s9+$0x6430];
	[tilespmem:s23+$0xD0] =	vst v6  }
0x533: {  	v1 =	vshll.u32 v8, $0x9;
	v6 =	vld [tilespmem:s15+$0x6460];
	[tilespmem:s24+$0x80] =	vst v61  }
0x534: {  	v1 =	vshra.s32 v1, $0x2;
	v8 =	vld [tilespmem:s7+$0x6410];
	[tilespmem:s22+$0x1B0] =	vst v4  }
0x535: {  	(v2sf) =	vpush v1, $0x0;
	[tilespmem:s20+$0x150] =	vst v5;
	v4 =	vld [tilespmem:s5+$0x6440]  }
0x536: {  	v5 =	vld [tilespmem:s16+$0x6460];
	[tilespmem:s21+$0x100] =	vst v3  }
0x537: {  	[tilespmem:s26+$0x30] =	vst v7;
	v3 =	vld [tilespmem:s2+$0x6410]  }
0x538: {  	v7 =	vld [tilespmem:s9+$0x6440];
	[tilespmem:s23+$0xE0] =	vst v6  }
0x539: {  	v6 =	vld [tilespmem:s15+$0x6470];
	[tilespmem:s24+$0x90] =	vst v8  }
0x53a: {  	v8 =	vld [tilespmem:s7+$0x6420];
	[tilespmem:s22+$0x1C0] =	vst v4  }
0x53b: {  	[tilespmem:s20+$0x160] =	vst v5;
	v4 =	vld [tilespmem:s5+$0x6450]  }
0x53c: {  	s15 =	simm.s32 $0xE;
	[tilespmem:s21+$0x110] =	vst v3  }
0x53d: {  	v5 =	vld [tilespmem:s16+$0x6470];
	s16 =	sand.u32 $0x7E, s15;
	[tilespmem:s26+$0x40] =	vst v7  }
0x53e: {  	s1 =	sadd.s32 s16, s1;
	v3 =	vld [tilespmem:s2+$0x6420];
	[tilespmem:s23+$0xF0] =	vst v6  }
0x53f: {  	v62 =	vld.msk [tilespmem:s1+$0x0], $0x3;
	[tilespmem:s24+$0xA0] =	vst v8  }
0x540: {  	v7 =	vld [tilespmem:s7+$0x6430];
	[tilespmem:s22+$0x1D0] =	vst v4  }
0x541: {  	v4 =	vld [tilespmem:s5+$0x6460]  }
0x542: {  	v6 =	vld [tilespmem:s9+$0x6450];
	s1 =	spop (v2sf);
	[tilespmem:s20+$0x170] =	vst v5  }
0x543: {  	v5 =	vld [tilespmem:s1+$0x6400]  }
0x544: {  	[tilespmem:s21+$0x120] =	vst v3;
	s15 =	spop (v2sf);
	(v2sf) =	vpush v2, $0x1  }
0x545: {  	[tilespmem:s24+$0xB0] =	vst v7;
	v7 =	vshll.u32 v62, $0x9  }
0x546: {  	v8 =	vld [tilespmem:s15+$0x6400];
	[tilespmem:s22+$0x1E0] =	vst v4;
	v4 =	vshra.s32 v7, $0x2  }
0x547: {  	v63 =	vld [tilespmem:s2+$0x6430];
	[tilespmem:s26+$0x50] =	vst v6;
	(v2sf) =	vpush v4, $0x0  }
0x548: {  	v6 =	vld [tilespmem:s9+$0x6460];
	[tilespmem:s20+$0x180] =	vst v5  }
0x549: {  	v3 =	vld [tilespmem:s1+$0x6410]  }
0x54a: {  	s29 =	simm.s32 $0x12400;
	v5 =	vld [tilespmem:s7+$0x6440]  }
0x54b: {  	s30 =	simm.s32 $0x12;
	s31 =	simm.s32 $0x1A;
	[tilespmem:s29+$0x0] =	vst v8;
	v2 =	vld [tilespmem:s5+$0x6470]  }
0x54c: {  	s10 =	simm.s32 $0x16;
	s11 =	simm.s32 $0x1E;
	[tilespmem:s21+$0x130] =	vst v63;
	v7 =	vld [tilespmem:s15+$0x6410];
	s5 =	simm.s32 $0xC  }
.LBB2_9:
0x54d: {  	s12 =	sadd.s32 $0xFFFFFFFE, s11;
	s5 =	sadd.s32 $0x2, s5;
	[tilespmem:s26+$0x60] =	vst v6;
	v6 =	vld [tilespmem:s2+$0x6440]  }
0x54e: {  	s13 =	sand.u32 $0x80, s12;
	p0 =	slt.u32 s5, $0x7E;
	v8 =	vld [tilespmem:s9+$0x6470];
	[tilespmem:s20+$0x190] =	vst v3;
	s9 =	smov.u32 s15  }
0x54f: {  	s12 =	sand.u32 $0x7C, s12;
	s15 =	sadd.s32 s13, s25;
	[tilespmem:s24+$0xC0] =	vst v5;
	v3 =	vld [tilespmem:s1+$0x6420]  }
0x550: {  	s12 =	sadd.s32 s12, s15;
	v5 =	vld [tilespmem:s7+$0x6450];
	[tilespmem:s22+$0x1F0] =	vst v2;
	s22 =	smov.u32 s20;
	s20 =	smov.u32 s21  }
0x551: {  	s21 =	smov.u32 s23;
	s23 =	smov.u32 s24;
	s24 =	smov.u32 s26;
	v2 =	vld.msk [tilespmem:s12+$0x0], $0x3;
	[tilespmem:s29+$0x10] =	vst v7  }
0x552: {  	s26 =	smov.u32 s29;
	v7 =	vld [tilespmem:s9+$0x6420];
	[tilespmem:s20+$0x140] =	vst v6  }
0x553: {  	[tilespmem:s24+$0x70] =	vst v8;
	s12 =	spop (v2sf);
	v6 =	vld [tilespmem:s2+$0x6450]  }
0x554: {  	v8 =	vld [tilespmem:s12+$0x6400];
	[tilespmem:s22+$0x1A0] =	vst v3  }
0x555: {  	[tilespmem:s23+$0xD0] =	vst v5;
	(v2sf) =	vpush v0, $0x1;
	v3 =	vld [tilespmem:s1+$0x6430];
	v0 =	vmov v4  }
0x556: {  	v2 =	vshll.u32 v2, $0x9;
	v4 =	vld [tilespmem:s7+$0x6460];
	s13 =	spop (v2sf)  }
0x557: {  	v2 =	vshra.s32 v2, $0x2;
	[tilespmem:s29+$0x20] =	vst v7;
	v5 =	vld [tilespmem:s13+$0x6400]  }
0x558: {  	(v2sf) =	vpush v2, $0x0;
	v7 =	vld [tilespmem:s9+$0x6430];
	[tilespmem:s20+$0x150] =	vst v6  }
0x559: {  	[tilespmem:s24+$0x80] =	vst v8;
	v6 =	vld [tilespmem:s2+$0x6460]  }
0x55a: {  	v8 =	vld [tilespmem:s12+$0x6410];
	[tilespmem:s22+$0x1B0] =	vst v3  }
0x55b: {  	[tilespmem:s23+$0xE0] =	vst v4;
	v3 =	vld [tilespmem:s1+$0x6440]  }
0x55c: {  	v4 =	vld [tilespmem:s7+$0x6470];
	[tilespmem:s21+$0x100] =	vst v5;
	s7 =	smov.u32 s12  }
0x55d: {  	[tilespmem:s29+$0x30] =	vst v7;
	v5 =	vld [tilespmem:s13+$0x6410]  }
0x55e: {  	v7 =	vld [tilespmem:s9+$0x6440];
	[tilespmem:s20+$0x160] =	vst v6  }
0x55f: {  	[tilespmem:s24+$0x90] =	vst v8;
	v6 =	vld [tilespmem:s2+$0x6470];
	s2 =	smov.u32 s13  }
0x560: {  	s12 =	sand.u32 $0x7E, s30;
	s30 =	smov.u32 s10;
	s10 =	smov.u32 s31;
	v8 =	vld [tilespmem:s7+$0x6420];
	[tilespmem:s22+$0x1C0] =	vst v3  }
0x561: {  	s12 =	sadd.s32 s12, s28;
	s28 =	smov.u32 s0;
	s0 =	smov.u32 s6;
	[tilespmem:s23+$0xF0] =	vst v4;
	v3 =	vld [tilespmem:s1+$0x6450]  }
0x562: {  	s31 =	smov.u32 s11;
	s6 =	smov.u32 s15;
	v4 =	vld.msk [tilespmem:s12+$0x0], $0x3;
	[tilespmem:s21+$0x110] =	vst v5  }
0x563: {  	[tilespmem:s29+$0x40] =	vst v7;
	v5 =	vld [tilespmem:s2+$0x6420]  }
0x564: {  	v7 =	vld [tilespmem:s9+$0x6450];
	[tilespmem:s20+$0x170] =	vst v6;
	s12 =	spop (v2sf)  }
0x565: {  	[tilespmem:s24+$0xA0] =	vst v8;
	v8 =	vld [tilespmem:s12+$0x6400]  }
0x566: {  	(v2sf) =	vpush v1, $0x1;
	v9 =	vld [tilespmem:s7+$0x6430];
	[tilespmem:s22+$0x1D0] =	vst v3;
	v1 =	vmov v2  }
0x567: {  	s15 =	spop (v2sf);
	v2 =	vshll.u32 v4, $0x9;
	v10 =	vld [tilespmem:s1+$0x6460]  }
0x568: {  	v11 =	vld [tilespmem:s15+$0x6400];
	v4 =	vshra.s32 v2, $0x2;
	[tilespmem:s21+$0x120] =	vst v5  }
0x569: {  	[tilespmem:s29+$0x50] =	vst v7;
	(v2sf) =	vpush v4, $0x0;
	v12 =	vld [tilespmem:s2+$0x6430]  }
.Ltmp3:
0x56a: {  	v6 =	vld [tilespmem:s9+$0x6460];
	[tilespmem:s20+$0x180] =	vst v8;
	(pc) =	sbr.rel @p0 .LBB2_9-.Ltmp3, $4  }
0x56b: {  	[tilespmem:s24+$0xB0] =	vst v9;
	v3 =	vld [tilespmem:s12+$0x6410]  }
0x56c: {  	s29 =	sadd.s32 $0x200, s29;
	v5 =	vld [tilespmem:s7+$0x6440];
	[tilespmem:s22+$0x1E0] =	vst v10  }
0x56d: {  	[tilespmem:s29+$0x0] =	vst v11;
	v2 =	vld [tilespmem:s1+$0x6470];
	s1 =	smov.u32 s12  }
0x56e: {  	s11 =	sadd.s32 $0x4, s11;
	v7 =	vld [tilespmem:s15+$0x6410];
	[tilespmem:s21+$0x130] =	vst v12  }
0x56f: {  	_ =	sdelay $0x3  }
0x570: {  	[tilespmem:s29+$0x10] =	vst v7  }
0x571: {  	v7 =	vld [tilespmem:s15+$0x6420];
	_ =	sdelay $0x4  }
0x572: {  	[tilespmem:s29+$0x20] =	vst v7  }
0x573: {  	v7 =	vld [tilespmem:s15+$0x6430];
	_ =	sdelay $0x4  }
0x574: {  	[tilespmem:s29+$0x30] =	vst v7  }
0x575: {  	v7 =	vld [tilespmem:s15+$0x6440];
	_ =	sdelay $0x4  }
0x576: {  	[tilespmem:s29+$0x40] =	vst v7  }
0x577: {  	v7 =	vld [tilespmem:s15+$0x6450]  }
0x578: {  	(v2sf) =	vpush v0, $0x1  }
0x579: {  	(v2sf) =	vpush v1, $0x1;
	_ =	sdelay $0x2  }
0x57a: {  	[tilespmem:s29+$0x50] =	vst v7  }
0x57b: {  	v50 =	vld [tilespmem:s15+$0x6460];
	_ =	sdelay $0x2  }
0x57c: {  	[tilespmem:s26+$0x60] =	vst v6  }
0x57d: {  	v51 =	vld [tilespmem:s9+$0x6470]  }
0x57e: {  	[tilespmem:s29+$0x60] =	vst v50  }
0x57f: {  	v0 =	vld [tilespmem:s15+$0x6470];
	_ =	sdelay $0x1  }
0x580: {  	s11 =	spop (v2sf)  }
0x581: {  	[tilespmem:s26+$0x70] =	vst v51;
	s9 =	spop (v2sf)  }
0x582: {  	v1 =	vld [tilespmem:s11+$0x6400];
	s5 =	spop (v2sf)  }
0x583: {  	s12 =	spop (v2sf);
	[tilespmem:s29+$0x70] =	vst v0  }
0x584: {  	v0 =	vld [tilespmem:s12+$0x6400];
	_ =	sdelay $0x2  }
0x585: {  	[tilespmem:s26+$0x80] =	vst v1  }
0x586: {  	v1 =	vld [tilespmem:s11+$0x6410]  }
0x587: {  	[tilespmem:s29+$0x80] =	vst v0  }
0x588: {  	v0 =	vld [tilespmem:s12+$0x6410];
	_ =	sdelay $0x2  }
0x589: {  	[tilespmem:s26+$0x90] =	vst v1  }
0x58a: {  	v1 =	vld [tilespmem:s11+$0x6420]  }
0x58b: {  	[tilespmem:s29+$0x90] =	vst v0  }
0x58c: {  	v0 =	vld [tilespmem:s12+$0x6420];
	_ =	sdelay $0x2  }
0x58d: {  	[tilespmem:s26+$0xA0] =	vst v1  }
0x58e: {  	v1 =	vld [tilespmem:s11+$0x6430]  }
0x58f: {  	[tilespmem:s29+$0xA0] =	vst v0  }
0x590: {  	v0 =	vld [tilespmem:s12+$0x6430];
	_ =	sdelay $0x2  }
0x591: {  	[tilespmem:s26+$0xB0] =	vst v1  }
0x592: {  	v1 =	vld [tilespmem:s11+$0x6440]  }
0x593: {  	[tilespmem:s29+$0xB0] =	vst v0  }
0x594: {  	v0 =	vld [tilespmem:s12+$0x6440]  }
0x595: {  	[tilespmem:s24+$0xC0] =	vst v5  }
0x596: {  	v5 =	vld [tilespmem:s7+$0x6450]  }
0x597: {  	[tilespmem:s26+$0xC0] =	vst v1  }
0x598: {  	v1 =	vld [tilespmem:s11+$0x6450]  }
0x599: {  	[tilespmem:s29+$0xC0] =	vst v0  }
0x59a: {  	v0 =	vld [tilespmem:s12+$0x6450]  }
0x59b: {  	[tilespmem:s24+$0xD0] =	vst v5  }
0x59c: {  	v5 =	vld [tilespmem:s7+$0x6460]  }
0x59d: {  	[tilespmem:s26+$0xD0] =	vst v1  }
0x59e: {  	v1 =	vld [tilespmem:s11+$0x6460]  }
0x59f: {  	[tilespmem:s29+$0xD0] =	vst v0  }
0x5a0: {  	v0 =	vld [tilespmem:s12+$0x6460]  }
0x5a1: {  	[tilespmem:s24+$0xE0] =	vst v5  }
0x5a2: {  	v5 =	vld [tilespmem:s7+$0x6470]  }
0x5a3: {  	[tilespmem:s26+$0xE0] =	vst v1  }
0x5a4: {  	v1 =	vld [tilespmem:s11+$0x6470]  }
0x5a5: {  	[tilespmem:s29+$0xE0] =	vst v0  }
0x5a6: {  	s25 =	sand.u32 $0x7E, s30;
	v0 =	vld [tilespmem:s12+$0x6470]  }
0x5a7: {  	s7 =	sadd.s32 s25, s28;
	[tilespmem:s24+$0xF0] =	vst v5  }
0x5a8: {  	s30 =	sand.u32 $0x7E, s10;
	v5 =	vld.msk [tilespmem:s7+$0x0], $0x3  }
0x5a9: {  	s0 =	sadd.s32 s30, s0;
	[tilespmem:s26+$0xF0] =	vst v1  }
0x5aa: {  	s10 =	sand.u32 $0x7E, s31;
	v1 =	vld.msk [tilespmem:s0+$0x0], $0x3  }
0x5ab: {  	s0 =	sadd.s32 s10, s6;
	[tilespmem:s29+$0xF0] =	vst v0  }
0x5ac: {  	v0 =	vld.msk [tilespmem:s0+$0x0], $0x3  }
0x5ad: {  	v5 =	vshll.u32 v5, $0x9  }
0x5ae: {  	v5 =	vshra.s32 v5, $0x2  }
0x5af: {  	(v2sf) =	vpush v5, $0x0;
	v1 =	vshll.u32 v1, $0x9  }
0x5b0: {  	(v2sf) =	vpush v4, $0x1;
	v1 =	vshra.s32 v1, $0x2  }
0x5b1: {  	(v2sf) =	vpush v1, $0x0;
	v0 =	vshll.u32 v0, $0x9  }
0x5b2: {  	(v2sf) =	vpush v5, $0x1;
	v0 =	vshra.s32 v0, $0x2  }
0x5b3: {  	(v2sf) =	vpush v0, $0x0;
	_ =	sdelay $0xa  }
0x5b4: {  	s11 =	spop (v2sf)  }
0x5b5: {  	s12 =	spop (v2sf)  }
0x5b6: {  	v52 =	vld [tilespmem:s9+$0x6400];
	s13 =	spop (v2sf)  }
0x5b7: {  	v53 =	vld [tilespmem:s11+$0x6400];
	s15 =	spop (v2sf)  }
0x5b8: {  	v54 =	vld [tilespmem:s13+$0x6400];
	s16 =	spop (v2sf)  }
0x5b9: {  	v55 =	vld [tilespmem:s16+$0x6400];
	_ =	sdelay $0x1  }
0x5ba: {  	[tilespmem:s23+$0x100] =	vst v52  }
0x5bb: {  	v4 =	vld [tilespmem:s9+$0x6410];
	[tilespmem:s24+$0x100] =	vst v53  }
0x5bc: {  	v5 =	vld [tilespmem:s11+$0x6410];
	[tilespmem:s26+$0x100] =	vst v54  }
0x5bd: {  	v6 =	vld [tilespmem:s13+$0x6410];
	[tilespmem:s29+$0x100] =	vst v55  }
0x5be: {  	v7 =	vld [tilespmem:s16+$0x6410];
	_ =	sdelay $0x1  }
0x5bf: {  	[tilespmem:s23+$0x110] =	vst v4  }
0x5c0: {  	v4 =	vld [tilespmem:s9+$0x6420];
	[tilespmem:s24+$0x110] =	vst v5  }
0x5c1: {  	v5 =	vld [tilespmem:s11+$0x6420];
	[tilespmem:s26+$0x110] =	vst v6  }
0x5c2: {  	v6 =	vld [tilespmem:s13+$0x6420];
	[tilespmem:s29+$0x110] =	vst v7  }
0x5c3: {  	v7 =	vld [tilespmem:s16+$0x6420];
	_ =	sdelay $0x1  }
0x5c4: {  	[tilespmem:s23+$0x120] =	vst v4  }
0x5c5: {  	v4 =	vld [tilespmem:s9+$0x6430];
	[tilespmem:s24+$0x120] =	vst v5  }
0x5c6: {  	v5 =	vld [tilespmem:s11+$0x6430];
	[tilespmem:s26+$0x120] =	vst v6  }
0x5c7: {  	v6 =	vld [tilespmem:s13+$0x6430];
	[tilespmem:s29+$0x120] =	vst v7  }
0x5c8: {  	v7 =	vld [tilespmem:s16+$0x6430];
	_ =	sdelay $0x1  }
0x5c9: {  	v8 =	vld [tilespmem:s2+$0x6440];
	[tilespmem:s23+$0x130] =	vst v4  }
0x5ca: {  	v4 =	vld [tilespmem:s9+$0x6440];
	[tilespmem:s24+$0x130] =	vst v5  }
0x5cb: {  	v5 =	vld [tilespmem:s11+$0x6440];
	[tilespmem:s26+$0x130] =	vst v6  }
0x5cc: {  	v6 =	vld [tilespmem:s13+$0x6440];
	[tilespmem:s29+$0x130] =	vst v7  }
0x5cd: {  	v7 =	vld [tilespmem:s16+$0x6440]  }
0x5ce: {  	[tilespmem:s21+$0x140] =	vst v8  }
0x5cf: {  	v8 =	vld [tilespmem:s2+$0x6450];
	[tilespmem:s23+$0x140] =	vst v4  }
0x5d0: {  	v4 =	vld [tilespmem:s9+$0x6450];
	[tilespmem:s24+$0x140] =	vst v5  }
0x5d1: {  	v5 =	vld [tilespmem:s11+$0x6450];
	[tilespmem:s26+$0x140] =	vst v6  }
0x5d2: {  	v6 =	vld [tilespmem:s13+$0x6450];
	[tilespmem:s29+$0x140] =	vst v7  }
0x5d3: {  	v7 =	vld [tilespmem:s16+$0x6450]  }
0x5d4: {  	[tilespmem:s21+$0x150] =	vst v8;
	(v2sf) =	vpush v1, $0x1  }
0x5d5: {  	v56 =	vld [tilespmem:s2+$0x6460];
	[tilespmem:s23+$0x150] =	vst v4;
	(v2sf) =	vpush v0, $0x1  }
0x5d6: {  	v57 =	vld [tilespmem:s9+$0x6460];
	[tilespmem:s24+$0x150] =	vst v5  }
0x5d7: {  	v58 =	vld [tilespmem:s11+$0x6460];
	[tilespmem:s26+$0x150] =	vst v6  }
0x5d8: {  	v59 =	vld [tilespmem:s13+$0x6460];
	[tilespmem:s29+$0x150] =	vst v7  }
0x5d9: {  	v60 =	vld [tilespmem:s16+$0x6460]  }
0x5da: {  	[tilespmem:s21+$0x160] =	vst v56  }
0x5db: {  	[tilespmem:s23+$0x160] =	vst v57;
	v1 =	vld [tilespmem:s2+$0x6470]  }
0x5dc: {  	v0 =	vld [tilespmem:s9+$0x6470];
	[tilespmem:s24+$0x160] =	vst v58  }
0x5dd: {  	v4 =	vld [tilespmem:s11+$0x6470];
	[tilespmem:s26+$0x160] =	vst v59  }
0x5de: {  	v5 =	vld [tilespmem:s13+$0x6470];
	[tilespmem:s29+$0x160] =	vst v60  }
0x5df: {  	v6 =	vld [tilespmem:s16+$0x6470]  }
0x5e0: {  	[tilespmem:s21+$0x170] =	vst v1  }
0x5e1: {  	v1 =	vld [tilespmem:s5+$0x6400];
	[tilespmem:s23+$0x170] =	vst v0  }
0x5e2: {  	v0 =	vld [tilespmem:s12+$0x6400];
	[tilespmem:s24+$0x170] =	vst v4  }
0x5e3: {  	v4 =	vld [tilespmem:s15+$0x6400];
	s25 =	spop (v2sf);
	[tilespmem:s26+$0x170] =	vst v5  }
0x5e4: {  	s28 =	spop (v2sf);
	v5 =	vld [tilespmem:s25+$0x6400];
	[tilespmem:s29+$0x170] =	vst v6  }
0x5e5: {  	[tilespmem:s20+$0x190] =	vst v3;
	v61 =	vld [tilespmem:s28+$0x6400]  }
0x5e6: {  	[tilespmem:s21+$0x180] =	vst v1  }
0x5e7: {  	v1 =	vld [tilespmem:s5+$0x6410];
	[tilespmem:s23+$0x180] =	vst v0  }
0x5e8: {  	v0 =	vld [tilespmem:s12+$0x6410];
	[tilespmem:s24+$0x180] =	vst v4  }
0x5e9: {  	v4 =	vld [tilespmem:s15+$0x6410];
	[tilespmem:s26+$0x180] =	vst v5  }
0x5ea: {  	v5 =	vld [tilespmem:s25+$0x6410];
	[tilespmem:s29+$0x180] =	vst v61  }
0x5eb: {  	[tilespmem:s22+$0x1F0] =	vst v2;
	v62 =	vld [tilespmem:s28+$0x6410]  }
0x5ec: {  	v63 =	vld [tilespmem:s1+$0x6420];
	[tilespmem:s21+$0x190] =	vst v1  }
0x5ed: {  	v1 =	vld [tilespmem:s5+$0x6420];
	[tilespmem:s23+$0x190] =	vst v0  }
0x5ee: {  	v0 =	vld [tilespmem:s12+$0x6420];
	[tilespmem:s24+$0x190] =	vst v4  }
0x5ef: {  	v4 =	vld [tilespmem:s15+$0x6420];
	[tilespmem:s26+$0x190] =	vst v5  }
0x5f0: {  	v5 =	vld [tilespmem:s25+$0x6420];
	[tilespmem:s29+$0x190] =	vst v62  }
0x5f1: {  	[tilespmem:s20+$0x1A0] =	vst v63;
	v2 =	vld [tilespmem:s28+$0x6420]  }
0x5f2: {  	v3 =	vld [tilespmem:s1+$0x6430];
	[tilespmem:s21+$0x1A0] =	vst v1  }
0x5f3: {  	v1 =	vld [tilespmem:s5+$0x6430];
	[tilespmem:s23+$0x1A0] =	vst v0  }
0x5f4: {  	v0 =	vld [tilespmem:s12+$0x6430];
	[tilespmem:s24+$0x1A0] =	vst v4  }
0x5f5: {  	v4 =	vld [tilespmem:s15+$0x6430];
	[tilespmem:s26+$0x1A0] =	vst v5  }
0x5f6: {  	v5 =	vld [tilespmem:s25+$0x6430];
	[tilespmem:s29+$0x1A0] =	vst v2  }
0x5f7: {  	[tilespmem:s20+$0x1B0] =	vst v3;
	v2 =	vld [tilespmem:s28+$0x6430]  }
0x5f8: {  	v3 =	vld [tilespmem:s1+$0x6440];
	[tilespmem:s21+$0x1B0] =	vst v1  }
0x5f9: {  	v1 =	vld [tilespmem:s5+$0x6440];
	[tilespmem:s23+$0x1B0] =	vst v0  }
0x5fa: {  	v0 =	vld [tilespmem:s12+$0x6440];
	[tilespmem:s24+$0x1B0] =	vst v4  }
0x5fb: {  	v4 =	vld [tilespmem:s15+$0x6440];
	[tilespmem:s26+$0x1B0] =	vst v5  }
0x5fc: {  	v5 =	vld [tilespmem:s25+$0x6440];
	[tilespmem:s29+$0x1B0] =	vst v2  }
0x5fd: {  	[tilespmem:s20+$0x1C0] =	vst v3;
	v2 =	vld [tilespmem:s28+$0x6440]  }
0x5fe: {  	v3 =	vld [tilespmem:s1+$0x6450];
	[tilespmem:s21+$0x1C0] =	vst v1  }
0x5ff: {  	v1 =	vld [tilespmem:s5+$0x6450];
	[tilespmem:s23+$0x1C0] =	vst v0  }
0x600: {  	v0 =	vld [tilespmem:s12+$0x6450];
	[tilespmem:s24+$0x1C0] =	vst v4  }
0x601: {  	v4 =	vld [tilespmem:s15+$0x6450];
	[tilespmem:s26+$0x1C0] =	vst v5  }
0x602: {  	v5 =	vld [tilespmem:s25+$0x6450];
	[tilespmem:s29+$0x1C0] =	vst v2  }
0x603: {  	[tilespmem:s20+$0x1D0] =	vst v3;
	v2 =	vld [tilespmem:s28+$0x6450]  }
0x604: {  	v3 =	vld [tilespmem:s1+$0x6460];
	[tilespmem:s21+$0x1D0] =	vst v1  }
0x605: {  	v1 =	vld [tilespmem:s5+$0x6460];
	[tilespmem:s23+$0x1D0] =	vst v0  }
0x606: {  	v0 =	vld [tilespmem:s12+$0x6460];
	[tilespmem:s24+$0x1D0] =	vst v4  }
0x607: {  	v4 =	vld [tilespmem:s15+$0x6460];
	[tilespmem:s26+$0x1D0] =	vst v5  }
0x608: {  	v5 =	vld [tilespmem:s25+$0x6460];
	[tilespmem:s29+$0x1D0] =	vst v2  }
0x609: {  	[tilespmem:s20+$0x1E0] =	vst v3;
	v2 =	vld [tilespmem:s28+$0x6460]  }
0x60a: {  	v3 =	vld [tilespmem:s1+$0x6470];
	[tilespmem:s21+$0x1E0] =	vst v1  }
0x60b: {  	v1 =	vld [tilespmem:s5+$0x6470];
	[tilespmem:s23+$0x1E0] =	vst v0  }
0x60c: {  	v0 =	vld [tilespmem:s12+$0x6470];
	[tilespmem:s24+$0x1E0] =	vst v4  }
0x60d: {  	v4 =	vld [tilespmem:s15+$0x6470];
	[tilespmem:s26+$0x1E0] =	vst v5  }
0x60e: {  	v5 =	vld [tilespmem:s25+$0x6470];
	[tilespmem:s29+$0x1E0] =	vst v2  }
0x60f: {  	s18 =	sadd.s32 $0x1, s18;
	[tilespmem:s20+$0x1F0] =	vst v3;
	v2 =	vld [tilespmem:s28+$0x6470]  }
0x610: {  	p0 =	sne.s32 s18, $0x31;
	[tilespmem:s21+$0x1F0] =	vst v1  }
.Ltmp4:
0x611: {  	s30 =	sshll.u32 s19, $0xF;
	[tilespmem:s23+$0x1F0] =	vst v0;
	(pc) =	sbr.rel @p0 .LBB2_6-.Ltmp4, $4  }
0x612: {  	s0 =	sadd.s32 s8, s30;
	[tilespmem:s24+$0x1F0] =	vst v4  }
0x613: {  	s0 =	sshrl.u32 s0, $0x3;
	[tilespmem:s26+$0x1F0] =	vst v5  }
0x614: {  	s31 =	simm.s32 $0x11800;
	s0 =	sadd.s32 s3, s0;
	[tilespmem:s29+$0x1F0] =	vst v2  }
0x615: {  	[hbm4b:s0+s4] =	stream.linear.scatter [tilespmem:s31], [sflag:$0x2], $0x8000, $0x38;
	[tilespmem:$0x19800] =	vst v63  }
0x616: {  	_ =	swait.ge [sflag:s14], $0x8000  }
0x617: {  	[sflag:s14] =	ssyncset.done $0x0  }
0x618: {  	s10 =	simm.s32 $0x2;
	[sflag:s14] =	ssyncadd.s32 $0xFFFF8000  }
0x619: {  	_ =	swait.ge [sflag:s10], $0x8000  }
0x61a: {  	s1 =	rddreg [dreg:$0x8]  }
0x61b: {  	s0 =	rddreg [dreg:$0x7];
	s1 =	sadd.s32 $0x1, s1  }
0x61c: {  	p0 =	sne.s32 s1, s0  }
.Ltmp5:
0x61d: {  	_ = 	snop;
	(pc) =	sbr.rel @p0 .LBB2_1-.Ltmp5, $3  }
0x61e: {  	_ =	sdelay $0x1  }
0x61f: {  	[sflag:s10] =	ssyncset.done $0x0  }
0x620: {  	[sflag:s10] =	ssyncadd.s32 $0xFFFF8000  }
0x621: {  	_ =	sfence.sel $0x180000  }
0x622: {  	[bflag:$0x0] =	sbarrier.arrive $0xFFFF  }
0x623: {  	_ =	strace $0x90000047  }
0x624: {  	s0 =	stileid.u32;
	[bflag:$0x2] =	sbarrier.arrive $0xFFFF  }
0x625: {  	p0 =	sne.s32 s0, $0x0;
	s0 =	rddreg [dreg:$0x3]  }
0x626: {  	s0 =	sadd.s32 @!p0 $0x100000, s0  }
0x627: {  	[sflag:s0] =	ssyncadd.tile.s32 @!p0 $0x1;
	_ =	shalt  }
.Lfunc_end2:
_tile_overlayer_lowered:
.L_overlay_start_2:
0x628: {  	(tag) =	ssettag $0x2  }
0x629: {  	s0 =	rddreg [dreg:$0x0];
	s2 =	stileid.u32  }
0x62a: {  	s1 =	rddreg [dreg:$0x1];
	p0 =	sne.s32 s2, $0x0  }
0x62b: {  	s3 =	rddreg [dreg:$0x2];
	[bflag:$0x3] =	sbarrier.arrive $0xFFFF;
	s2 =	simm.s32 @!p0 $0x1C03  }
0x62c: {  	[timem:s3], [sflag:s2] =	dma.local @!p0 [hbm:s0], s1  }
0x62d: {  	s0 =	simm.s32 @!p0 $0x3  }
0x62e: {  	_ =	swait.ge @!p0 [sflag:s0], s1  }
0x62f: {  	s1 =	ssub.s32 @!p0 $0x0, s1;
	[sflag:s0] =	ssyncset.done @!p0 $0x0  }
0x630: {  	[sflag:s0] =	ssyncadd.s32 @!p0 s1  }
0x631: {  	[bflag:$0x3] =	sbarrier.arrive $0xFFFF  }
0x632: {  	_ =	shalt  }

</sc_bundles>
